<compile_context>
chip_gen: v7x
topology: tpu7x:2x2x1
jax: 0.10.2.dev20260603
libtpu: 0.0.44.dev20260713+nightly
codegen_flags: <defaults>
</compile_context>

<pallas_src>
import functools

import jax
import jax.numpy as jnp
from jax import lax
from jax.experimental import pallas as pl
from jax.experimental.pallas import tpu as pltpu
from jax.experimental.pallas import tpu_sc as plsc

M = 16
TOPK = 4
NC, NS, L = 2, 16, 16
NW = NC * NS
D2_THRESH = 4.000000238418579


def _sc_body(xy_hbm, out_hbm, buf, obuf):
    N = 4
    HW = 65536
    C = buf.shape[1]
    ppw = HW // NW
    nchunk = ppw // C
    wid = lax.axis_index("s") * NC + lax.axis_index("c")

    def chunk_body(t, carry):
        n = t // nchunk
        ch = t % nchunk
        base = wid * ppw + ch * C
        pltpu.sync_copy(xy_hbm.at[n, :, pl.ds(base, C)], buf)

        def group(g, carry2):
            col = g * L
            x = [buf[m, pl.ds(col, L)] for m in range(M)]
            y = [buf[M + m, pl.ds(col, L)] for m in range(M)]
            zero = jnp.zeros((L,), jnp.int32)
            sup = [None] * M
            keep = [None] * M
            for m in range(M):
                km = (jnp.ones((L,), jnp.int32) if sup[m] is None
                      else 1 - sup[m])
                keep[m] = km
                for j in range(m + 1, M):
                    dx = x[j] - x[m]
                    dy = y[j] - y[m]
                    d2 = dx * dx + dy * dy
                    hit = jnp.where(d2 <= D2_THRESH, km, 0)
                    sup[j] = hit if sup[j] is None else sup[j] | hit
            cnt = zero
            kept_before = [None] * M
            for m in range(M):
                kept_before[m] = cnt
                cnt = cnt + keep[m]
            outs = [zero, zero, zero, zero]
            for m in range(M):
                rank_m = jnp.where(keep[m] == 1, kept_before[m],
                                   cnt + (m - kept_before[m]))
                for k in range(TOPK):
                    outs[k] = outs[k] | jnp.where(rank_m == k, jnp.int32(m), 0)
            for k in range(TOPK):
                obuf[k, pl.ds(col, L)] = outs[k]
            return carry2

        lax.fori_loop(0, C // L, group, 0)
        pltpu.sync_copy(obuf, out_hbm.at[n, :, pl.ds(base, C)])
        return carry

    lax.fori_loop(0, N * nchunk, chunk_body, 0)


def _make_sc_call(N, HW, C=512, interpret=False):
    mesh = plsc.VectorSubcoreMesh(core_axis_name="c", subcore_axis_name="s",
                                  num_cores=NC, num_subcores=NS)
    return functools.partial(
        pl.kernel,
        out_type=jax.ShapeDtypeStruct((N, TOPK, HW), jnp.int32),
        mesh=mesh,
        interpret=interpret,
        scratch_types=[
            pltpu.VMEM((2 * M, C), jnp.float32),
            pltpu.VMEM((TOPK, C), jnp.int32),
        ],
    )(_sc_body)


@jax.jit
def kernel(coords_grid, anchor_P):
    N, M_, _, H, W = coords_grid.shape
    HW = H * W
    cg = jnp.transpose(coords_grid, (0, 2, 3, 4, 1)).reshape(N, 3, HW, M_)
    proj = jnp.einsum('nij,njkm->nikm', anchor_P, cg)
    x_2d = proj[:, :2] / proj[:, 2:3]
    xy = jnp.transpose(x_2d, (0, 1, 3, 2)).reshape(N, 2 * M_, HW)
    out = _make_sc_call(N, HW)(xy)
    out = out.reshape(N, TOPK, H, W)
    return jnp.transpose(out, (0, 2, 3, 1)).astype(jnp.int64)

# --- scband reference (transcript-rebuilt; emitter-appended) ---
"""Pipeline reference for scband-nms-coords-62560493634044 (READ-ONLY COPY).

The authoritative reference and input builder live on the scoring server;
editing this copy changes nothing except your own understanding.
"""

import jax, jax.numpy as jnp
import numpy as np

TOPK = 4
MAX_DISPLACEMENT = 2.0


def projection(coords, P):
    # coords: [N, 3, HW, M] homogeneous-ish 3D points, P: [N, 3, 3] camera matrix.
    proj = jnp.einsum('nij,njkm->nikm', P, coords)  # [N, 3, HW, M]
    z = proj[:, 2:3]
    x_2d = proj[:, :2] / z  # perspective divide -> [N, 2, HW, M]
    return x_2d, z


def nms_op(x_2d, topk, max_displacement):
    # x_2d: [N, H, W, M, 2]. Greedy NMS over the M candidates at each pixel:
    # candidates are assumed pre-sorted by score (index order); a candidate is
    # suppressed if it lies within max_displacement (L2) of an earlier kept one.
    N, H, W, M, _ = x_2d.shape
    suppressed = jnp.zeros((N, H, W, M), dtype=bool)
    keep = jnp.zeros((N, H, W, M), dtype=bool)
    later = jnp.arange(M)
    for m in range(M):
        valid = jnp.logical_not(suppressed[..., m])  # [N,H,W]
        keep = keep.at[..., m].set(valid)
        diff = x_2d - x_2d[..., m:m + 1, :]
        d = jnp.sqrt(jnp.sum(diff * diff, axis=-1))  # [N,H,W,M]
        sup_new = valid[..., None] & (later > m) & (d <= max_displacement)
        suppressed = suppressed | sup_new
    ar = jnp.arange(M)
    # kept candidates first (in original order), suppressed pushed to the back
    order = jnp.argsort(jnp.where(keep, ar, ar + M), axis=-1)
    return order[..., :topk]


def reference(coords_grid, anchor_P):
    N, M, _, H, W = coords_grid.shape
    cg = jnp.transpose(coords_grid, (0, 2, 3, 4, 1)).reshape(N, 3, H * W, M)
    x_2d, _ = projection(cg, anchor_P)
    x_2d = jnp.transpose(x_2d, (0, 2, 3, 1)).reshape(N, H, W, M, 2)
    idxs = nms_op(x_2d, TOPK, MAX_DISPLACEMENT)
    return idxs.astype(jnp.int64)


def setup_inputs(seed: int = 0) -> dict:
    key = jax.random.key(seed)
    k1, k2 = jax.random.split(key)
    coords_grid = jax.random.normal(k1, (4, 16, 3, 256, 256), dtype=jnp.float32)
    anchor_P = jax.random.normal(k2, (4, 3, 3), dtype=jnp.float32)
    return {"coords_grid": coords_grid, "anchor_P": anchor_P}

if __name__ == "__main__":
    import jax
    _d = setup_inputs()
    print(jax.jit(kernel)(*tuple(_d.values())))

</pallas_src>

<mosaic_0001>
#map = affine_map<(d0, d1) -> (0, 0, 0)>
module attributes {stable_mosaic.version = 14 : i64} {
  func.func @_sc_body(%arg0: i32, %arg1: i32, %arg2: memref<4x32x65536xf32, #tpu.memory_space<hbm>>, %arg3: memref<4x4x65536xi32, #tpu.memory_space<hbm>>, %arg4: memref<32x512xf32, #tpu.memory_space<vmem>>, %arg5: memref<4x512xi32, #tpu.memory_space<vmem>>) attributes {dimension_semantics = [#tpu.dimension_semantics<core_parallel>, #tpu.dimension_semantics<subcore_parallel>], iteration_bounds = array<i64: 2, 16>, scalar_prefetch = 0 : i64, scratch_operands = 2 : i64, tpu.core_type = #tpu.core_type<sc_vector_subcore>, window_params = [{transform_indices = #map}, {transform_indices = #map}]} {
    %mul3A = arith.constant 2 : i32
    %mul3A_0 = arith.muli %arg1, %mul3A : i32
    %add3A = arith.addi %mul3A_0, %arg0 : i32
    %scan3A = arith.constant 0 : i32
    %scan3A_1 = arith.constant 0 : i32
    %scan3A_2 = arith.constant 16 : i32
    %scan3A_3 = arith.addi %scan3A_1, %scan3A_2 : i32
    %scan3A_4 = arith.constant 1 : i32
    scf.for %scan3A_6 = %scan3A_1 to %scan3A_3 step %scan3A_4  : i32 {
      %jit3A = arith.constant 4 : i32
      %div3A = arith.divsi %scan3A_6, %jit3A : i32
      %sign3A = arith.constant 0 : i32
      %sign3A_7 = arith.cmpi sgt, %scan3A_6, %sign3A : i32
      %sign3A_8 = arith.extui %sign3A_7 : i1 to i32
      %sign3A_9 = arith.constant 0 : i32
      %sign3A_10 = arith.cmpi slt, %scan3A_6, %sign3A_9 : i32
      %sign3A_11 = arith.extui %sign3A_10 : i1 to i32
      %sign3A_12 = arith.subi %sign3A_8, %sign3A_11 : i32
      %sign3A_13 = arith.constant 0 : i32
      %sign3A_14 = arith.cmpi sgt, %jit3A, %sign3A_13 : i32
      %sign3A_15 = arith.extui %sign3A_14 : i1 to i32
      %sign3A_16 = arith.constant 0 : i32
      %sign3A_17 = arith.cmpi slt, %jit3A, %sign3A_16 : i32
      %sign3A_18 = arith.extui %sign3A_17 : i1 to i32
      %sign3A_19 = arith.subi %sign3A_15, %sign3A_18 : i32
      %ne3A = arith.cmpi ne, %sign3A_12, %sign3A_19 : i32
      %rem3A = arith.remsi %scan3A_6, %jit3A : i32
      %ne3A_20 = arith.constant 0 : i32
      %ne3A_21 = arith.cmpi ne, %rem3A, %ne3A_20 : i32
      %and3A = arith.andi %ne3A, %ne3A_21 : i1
      %sub3A = arith.constant 1 : i32
      %sub3A_22 = arith.subi %div3A, %sub3A : i32
      %select_n3A = arith.select %and3A, %sub3A_22, %div3A : i32
      %jit3A_23 = arith.constant 4 : i32
      %eq3A = arith.constant 0 : i32
      %eq3A_24 = arith.cmpi eq, %jit3A_23, %eq3A : i32
      %jit3A_25 = arith.constant 1 : i32
      %select_n3A_26 = arith.select %eq3A_24, %jit3A_25, %jit3A_23 : i32
      %rem3A_27 = arith.remsi %scan3A_6, %select_n3A_26 : i32
      %ne3A_28 = arith.constant 0 : i32
      %ne3A_29 = arith.cmpi ne, %rem3A_27, %ne3A_28 : i32
      %lt3A = arith.constant 0 : i32
      %lt3A_30 = arith.cmpi slt, %rem3A_27, %lt3A : i32
      %lt3A_31 = arith.constant 0 : i32
      %lt3A_32 = arith.cmpi slt, %select_n3A_26, %lt3A_31 : i32
      %ne3A_33 = arith.xori %lt3A_30, %lt3A_32 : i1
      %and3A_34 = arith.andi %ne3A_33, %ne3A_29 : i1
      %add3A_35 = arith.addi %rem3A_27, %select_n3A_26 : i32
      %select_n3A_36 = arith.select %and3A_34, %add3A_35, %rem3A_27 : i32
      %mul3A_37 = arith.constant 2048 : i32
      %mul3A_38 = arith.muli %add3A, %mul3A_37 : i32
      %mul3A_39 = arith.constant 512 : i32
      %mul3A_40 = arith.muli %select_n3A_36, %mul3A_39 : i32
      %add3A_41 = arith.addi %mul3A_38, %mul3A_40 : i32
      "tpu.region"() ({
        %run_scoped3A = tpu.sem_alloc : memref<!tpu.dma_semaphore, #tpu.memory_space<semaphore_mem>>
        %dma_start3A = arith.constant 0 : i32
        %dma_start3A_48 = tpu.memref_slice %arg2[%select_n3A, %dma_start3A, %add3A_41] : memref<4x32x65536xf32, #tpu.memory_space<hbm>> -> memref<1x32x512xf32, #tpu.memory_space<hbm>>
        %dma_start3A_49 = tpu.memref_squeeze %dma_start3A_48 : memref<1x32x512xf32, #tpu.memory_space<hbm>> -> memref<32x512xf32, #tpu.memory_space<hbm>>
        %dma_start3A_50 = arith.constant 0 : i32
        %dma_start3A_51 = tpu.memref_slice %arg2[%select_n3A, %dma_start3A_50, %add3A_41] : memref<4x32x65536xf32, #tpu.memory_space<hbm>> -> memref<1x32x512xf32, #tpu.memory_space<hbm>>
        %dma_start3A_52 = tpu.memref_squeeze %dma_start3A_51 : memref<1x32x512xf32, #tpu.memory_space<hbm>> -> memref<32x512xf32, #tpu.memory_space<hbm>>
        tpu.enqueue_dma source(%dma_start3A_52 : memref<32x512xf32, #tpu.memory_space<hbm>>) target(%arg4 : memref<32x512xf32, #tpu.memory_space<vmem>>) target_semaphore(%run_scoped3A : memref<!tpu.dma_semaphore, #tpu.memory_space<semaphore_mem>>)
        %dma_wait3A = arith.constant 0 : i32
        %dma_wait3A_53 = tpu.memref_slice %arg2[%select_n3A, %dma_wait3A, %add3A_41] : memref<4x32x65536xf32, #tpu.memory_space<hbm>> -> memref<1x32x512xf32, #tpu.memory_space<hbm>>
        %dma_wait3A_54 = tpu.memref_squeeze %dma_wait3A_53 : memref<1x32x512xf32, #tpu.memory_space<hbm>> -> memref<32x512xf32, #tpu.memory_space<hbm>>
        %dma_wait3A_55 = arith.constant 0 : i32
        %dma_wait3A_56 = tpu.memref_slice %arg2[%select_n3A, %dma_wait3A_55, %add3A_41] : memref<4x32x65536xf32, #tpu.memory_space<hbm>> -> memref<1x32x512xf32, #tpu.memory_space<hbm>>
        %dma_wait3A_57 = tpu.memref_squeeze %dma_wait3A_56 : memref<1x32x512xf32, #tpu.memory_space<hbm>> -> memref<32x512xf32, #tpu.memory_space<hbm>>
        tpu.wait_dma2 semaphore(%run_scoped3A : memref<!tpu.dma_semaphore, #tpu.memory_space<semaphore_mem>>) src(%dma_wait3A_57 : memref<32x512xf32, #tpu.memory_space<hbm>>) dst(%arg4 : memref<32x512xf32, #tpu.memory_space<vmem>>)
        tpu.yield
      }) : () -> ()
      %scan3A_42 = arith.constant 0 : i32
      %scan3A_43 = arith.constant 0 : i32
      %scan3A_44 = arith.constant 32 : i32
      %scan3A_45 = arith.addi %scan3A_43, %scan3A_44 : i32
      %scan3A_46 = arith.constant 1 : i32
      scf.for %scan3A_48 = %scan3A_43 to %scan3A_45 step %scan3A_46  : i32 {
        %mul3A_49 = arith.constant 16 : i32
        %mul3A_50 = arith.muli %scan3A_48, %mul3A_49 : i32
        %get3A = arith.constant 0 : i32
        %get3A_51 = arith.index_cast %get3A : i32 to index
        %get3A_52 = arith.index_cast %mul3A_50 : i32 to index
        %get3A_53 = tpu.vector_load %arg4[%get3A_51, %get3A_52] {strides = array<i32>} : memref<32x512xf32, #tpu.memory_space<vmem>>, vector<1x16xf32>,
        %get3A_54 = vector.shape_cast %get3A_53 : vector<1x16xf32> to vector<16xf32>
        %get3A_55 = arith.constant 1 : i32
        %get3A_56 = arith.index_cast %get3A_55 : i32 to index
        %get3A_57 = arith.index_cast %mul3A_50 : i32 to index
        %get3A_58 = tpu.vector_load %arg4[%get3A_56, %get3A_57] {strides = array<i32>} : memref<32x512xf32, #tpu.memory_space<vmem>>, vector<1x16xf32>,
        %get3A_59 = vector.shape_cast %get3A_58 : vector<1x16xf32> to vector<16xf32>
        %get3A_60 = arith.constant 2 : i32
        %get3A_61 = arith.index_cast %get3A_60 : i32 to index
        %get3A_62 = arith.index_cast %mul3A_50 : i32 to index
        %get3A_63 = tpu.vector_load %arg4[%get3A_61, %get3A_62] {strides = array<i32>} : memref<32x512xf32, #tpu.memory_space<vmem>>, vector<1x16xf32>,
        %get3A_64 = vector.shape_cast %get3A_63 : vector<1x16xf32> to vector<16xf32>
        %get3A_65 = arith.constant 3 : i32
        %get3A_66 = arith.index_cast %get3A_65 : i32 to index
        %get3A_67 = arith.index_cast %mul3A_50 : i32 to index
        %get3A_68 = tpu.vector_load %arg4[%get3A_66, %get3A_67] {strides = array<i32>} : memref<32x512xf32, #tpu.memory_space<vmem>>, vector<1x16xf32>,
        %get3A_69 = vector.shape_cast %get3A_68 : vector<1x16xf32> to vector<16xf32>
        %get3A_70 = arith.constant 4 : i32
        %get3A_71 = arith.index_cast %get3A_70 : i32 to index
        %get3A_72 = arith.index_cast %mul3A_50 : i32 to index
        %get3A_73 = tpu.vector_load %arg4[%get3A_71, %get3A_72] {strides = array<i32>} : memref<32x512xf32, #tpu.memory_space<vmem>>, vector<1x16xf32>,
        %get3A_74 = vector.shape_cast %get3A_73 : vector<1x16xf32> to vector<16xf32>
        %get3A_75 = arith.constant 5 : i32
        %get3A_76 = arith.index_cast %get3A_75 : i32 to index
        %get3A_77 = arith.index_cast %mul3A_50 : i32 to index
        %get3A_78 = tpu.vector_load %arg4[%get3A_76, %get3A_77] {strides = array<i32>} : memref<32x512xf32, #tpu.memory_space<vmem>>, vector<1x16xf32>,
        %get3A_79 = vector.shape_cast %get3A_78 : vector<1x16xf32> to vector<16xf32>
        %get3A_80 = arith.constant 6 : i32
        %get3A_81 = arith.index_cast %get3A_80 : i32 to index
        %get3A_82 = arith.index_cast %mul3A_50 : i32 to index
        %get3A_83 = tpu.vector_load %arg4[%get3A_81, %get3A_82] {strides = array<i32>} : memref<32x512xf32, #tpu.memory_space<vmem>>, vector<1x16xf32>,
        %get3A_84 = vector.shape_cast %get3A_83 : vector<1x16xf32> to vector<16xf32>
        %get3A_85 = arith.constant 7 : i32
        %get3A_86 = arith.index_cast %get3A_85 : i32 to index
        %get3A_87 = arith.index_cast %mul3A_50 : i32 to index
        %get3A_88 = tpu.vector_load %arg4[%get3A_86, %get3A_87] {strides = array<i32>} : memref<32x512xf32, #tpu.memory_space<vmem>>, vector<1x16xf32>,
        %get3A_89 = vector.shape_cast %get3A_88 : vector<1x16xf32> to vector<16xf32>
        %get3A_90 = arith.constant 8 : i32
        %get3A_91 = arith.index_cast %get3A_90 : i32 to index
        %get3A_92 = arith.index_cast %mul3A_50 : i32 to index
        %get3A_93 = tpu.vector_load %arg4[%get3A_91, %get3A_92] {strides = array<i32>} : memref<32x512xf32, #tpu.memory_space<vmem>>, vector<1x16xf32>,
        %get3A_94 = vector.shape_cast %get3A_93 : vector<1x16xf32> to vector<16xf32>
        %get3A_95 = arith.constant 9 : i32
        %get3A_96 = arith.index_cast %get3A_95 : i32 to index
        %get3A_97 = arith.index_cast %mul3A_50 : i32 to index
        %get3A_98 = tpu.vector_load %arg4[%get3A_96, %get3A_97] {strides = array<i32>} : memref<32x512xf32, #tpu.memory_space<vmem>>, vector<1x16xf32>,
        %get3A_99 = vector.shape_cast %get3A_98 : vector<1x16xf32> to vector<16xf32>
        %get3A_100 = arith.constant 10 : i32
        %get3A_101 = arith.index_cast %get3A_100 : i32 to index
        %get3A_102 = arith.index_cast %mul3A_50 : i32 to index
        %get3A_103 = tpu.vector_load %arg4[%get3A_101, %get3A_102] {strides = array<i32>} : memref<32x512xf32, #tpu.memory_space<vmem>>, vector<1x16xf32>,
        %get3A_104 = vector.shape_cast %get3A_103 : vector<1x16xf32> to vector<16xf32>
        %get3A_105 = arith.constant 11 : i32
        %get3A_106 = arith.index_cast %get3A_105 : i32 to index
        %get3A_107 = arith.index_cast %mul3A_50 : i32 to index
        %get3A_108 = tpu.vector_load %arg4[%get3A_106, %get3A_107] {strides = array<i32>} : memref<32x512xf32, #tpu.memory_space<vmem>>, vector<1x16xf32>,
        %get3A_109 = vector.shape_cast %get3A_108 : vector<1x16xf32> to vector<16xf32>
        %get3A_110 = arith.constant 12 : i32
        %get3A_111 = arith.index_cast %get3A_110 : i32 to index
        %get3A_112 = arith.index_cast %mul3A_50 : i32 to index
        %get3A_113 = tpu.vector_load %arg4[%get3A_111, %get3A_112] {strides = array<i32>} : memref<32x512xf32, #tpu.memory_space<vmem>>, vector<1x16xf32>,
        %get3A_114 = vector.shape_cast %get3A_113 : vector<1x16xf32> to vector<16xf32>
        %get3A_115 = arith.constant 13 : i32
        %get3A_116 = arith.index_cast %get3A_115 : i32 to index
        %get3A_117 = arith.index_cast %mul3A_50 : i32 to index
        %get3A_118 = tpu.vector_load %arg4[%get3A_116, %get3A_117] {strides = array<i32>} : memref<32x512xf32, #tpu.memory_space<vmem>>, vector<1x16xf32>,
        %get3A_119 = vector.shape_cast %get3A_118 : vector<1x16xf32> to vector<16xf32>
        %get3A_120 = arith.constant 14 : i32
        %get3A_121 = arith.index_cast %get3A_120 : i32 to index
        %get3A_122 = arith.index_cast %mul3A_50 : i32 to index
        %get3A_123 = tpu.vector_load %arg4[%get3A_121, %get3A_122] {strides = array<i32>} : memref<32x512xf32, #tpu.memory_space<vmem>>, vector<1x16xf32>,
        %get3A_124 = vector.shape_cast %get3A_123 : vector<1x16xf32> to vector<16xf32>
        %get3A_125 = arith.constant 15 : i32
        %get3A_126 = arith.index_cast %get3A_125 : i32 to index
        %get3A_127 = arith.index_cast %mul3A_50 : i32 to index
        %get3A_128 = tpu.vector_load %arg4[%get3A_126, %get3A_127] {strides = array<i32>} : memref<32x512xf32, #tpu.memory_space<vmem>>, vector<1x16xf32>,
        %get3A_129 = vector.shape_cast %get3A_128 : vector<1x16xf32> to vector<16xf32>
        %get3A_130 = arith.constant 16 : i32
        %get3A_131 = arith.index_cast %get3A_130 : i32 to index
        %get3A_132 = arith.index_cast %mul3A_50 : i32 to index
        %get3A_133 = tpu.vector_load %arg4[%get3A_131, %get3A_132] {strides = array<i32>} : memref<32x512xf32, #tpu.memory_space<vmem>>, vector<1x16xf32>,
        %get3A_134 = vector.shape_cast %get3A_133 : vector<1x16xf32> to vector<16xf32>
        %get3A_135 = arith.constant 17 : i32
        %get3A_136 = arith.index_cast %get3A_135 : i32 to index
        %get3A_137 = arith.index_cast %mul3A_50 : i32 to index
        %get3A_138 = tpu.vector_load %arg4[%get3A_136, %get3A_137] {strides = array<i32>} : memref<32x512xf32, #tpu.memory_space<vmem>>, vector<1x16xf32>,
        %get3A_139 = vector.shape_cast %get3A_138 : vector<1x16xf32> to vector<16xf32>
        %get3A_140 = arith.constant 18 : i32
        %get3A_141 = arith.index_cast %get3A_140 : i32 to index
        %get3A_142 = arith.index_cast %mul3A_50 : i32 to index
        %get3A_143 = tpu.vector_load %arg4[%get3A_141, %get3A_142] {strides = array<i32>} : memref<32x512xf32, #tpu.memory_space<vmem>>, vector<1x16xf32>,
        %get3A_144 = vector.shape_cast %get3A_143 : vector<1x16xf32> to vector<16xf32>
        %get3A_145 = arith.constant 19 : i32
        %get3A_146 = arith.index_cast %get3A_145 : i32 to index
        %get3A_147 = arith.index_cast %mul3A_50 : i32 to index
        %get3A_148 = tpu.vector_load %arg4[%get3A_146, %get3A_147] {strides = array<i32>} : memref<32x512xf32, #tpu.memory_space<vmem>>, vector<1x16xf32>,
        %get3A_149 = vector.shape_cast %get3A_148 : vector<1x16xf32> to vector<16xf32>
        %get3A_150 = arith.constant 20 : i32
        %get3A_151 = arith.index_cast %get3A_150 : i32 to index
        %get3A_152 = arith.index_cast %mul3A_50 : i32 to index
        %get3A_153 = tpu.vector_load %arg4[%get3A_151, %get3A_152] {strides = array<i32>} : memref<32x512xf32, #tpu.memory_space<vmem>>, vector<1x16xf32>,
        %get3A_154 = vector.shape_cast %get3A_153 : vector<1x16xf32> to vector<16xf32>
        %get3A_155 = arith.constant 21 : i32
        %get3A_156 = arith.index_cast %get3A_155 : i32 to index
        %get3A_157 = arith.index_cast %mul3A_50 : i32 to index
        %get3A_158 = tpu.vector_load %arg4[%get3A_156, %get3A_157] {strides = array<i32>} : memref<32x512xf32, #tpu.memory_space<vmem>>, vector<1x16xf32>,
        %get3A_159 = vector.shape_cast %get3A_158 : vector<1x16xf32> to vector<16xf32>
        %get3A_160 = arith.constant 22 : i32
        %get3A_161 = arith.index_cast %get3A_160 : i32 to index
        %get3A_162 = arith.index_cast %mul3A_50 : i32 to index
        %get3A_163 = tpu.vector_load %arg4[%get3A_161, %get3A_162] {strides = array<i32>} : memref<32x512xf32, #tpu.memory_space<vmem>>, vector<1x16xf32>,
        %get3A_164 = vector.shape_cast %get3A_163 : vector<1x16xf32> to vector<16xf32>
        %get3A_165 = arith.constant 23 : i32
        %get3A_166 = arith.index_cast %get3A_165 : i32 to index
        %get3A_167 = arith.index_cast %mul3A_50 : i32 to index
        %get3A_168 = tpu.vector_load %arg4[%get3A_166, %get3A_167] {strides = array<i32>} : memref<32x512xf32, #tpu.memory_space<vmem>>, vector<1x16xf32>,
        %get3A_169 = vector.shape_cast %get3A_168 : vector<1x16xf32> to vector<16xf32>
        %get3A_170 = arith.constant 24 : i32
        %get3A_171 = arith.index_cast %get3A_170 : i32 to index
        %get3A_172 = arith.index_cast %mul3A_50 : i32 to index
        %get3A_173 = tpu.vector_load %arg4[%get3A_171, %get3A_172] {strides = array<i32>} : memref<32x512xf32, #tpu.memory_space<vmem>>, vector<1x16xf32>,
        %get3A_174 = vector.shape_cast %get3A_173 : vector<1x16xf32> to vector<16xf32>
        %get3A_175 = arith.constant 25 : i32
        %get3A_176 = arith.index_cast %get3A_175 : i32 to index
        %get3A_177 = arith.index_cast %mul3A_50 : i32 to index
        %get3A_178 = tpu.vector_load %arg4[%get3A_176, %get3A_177] {strides = array<i32>} : memref<32x512xf32, #tpu.memory_space<vmem>>, vector<1x16xf32>,
        %get3A_179 = vector.shape_cast %get3A_178 : vector<1x16xf32> to vector<16xf32>
        %get3A_180 = arith.constant 26 : i32
        %get3A_181 = arith.index_cast %get3A_180 : i32 to index
        %get3A_182 = arith.index_cast %mul3A_50 : i32 to index
        %get3A_183 = tpu.vector_load %arg4[%get3A_181, %get3A_182] {strides = array<i32>} : memref<32x512xf32, #tpu.memory_space<vmem>>, vector<1x16xf32>,
        %get3A_184 = vector.shape_cast %get3A_183 : vector<1x16xf32> to vector<16xf32>
        %get3A_185 = arith.constant 27 : i32
        %get3A_186 = arith.index_cast %get3A_185 : i32 to index
        %get3A_187 = arith.index_cast %mul3A_50 : i32 to index
        %get3A_188 = tpu.vector_load %arg4[%get3A_186, %get3A_187] {strides = array<i32>} : memref<32x512xf32, #tpu.memory_space<vmem>>, vector<1x16xf32>,
        %get3A_189 = vector.shape_cast %get3A_188 : vector<1x16xf32> to vector<16xf32>
        %get3A_190 = arith.constant 28 : i32
        %get3A_191 = arith.index_cast %get3A_190 : i32 to index
        %get3A_192 = arith.index_cast %mul3A_50 : i32 to index
        %get3A_193 = tpu.vector_load %arg4[%get3A_191, %get3A_192] {strides = array<i32>} : memref<32x512xf32, #tpu.memory_space<vmem>>, vector<1x16xf32>,
        %get3A_194 = vector.shape_cast %get3A_193 : vector<1x16xf32> to vector<16xf32>
        %get3A_195 = arith.constant 29 : i32
        %get3A_196 = arith.index_cast %get3A_195 : i32 to index
        %get3A_197 = arith.index_cast %mul3A_50 : i32 to index
        %get3A_198 = tpu.vector_load %arg4[%get3A_196, %get3A_197] {strides = array<i32>} : memref<32x512xf32, #tpu.memory_space<vmem>>, vector<1x16xf32>,
        %get3A_199 = vector.shape_cast %get3A_198 : vector<1x16xf32> to vector<16xf32>
        %get3A_200 = arith.constant 30 : i32
        %get3A_201 = arith.index_cast %get3A_200 : i32 to index
        %get3A_202 = arith.index_cast %mul3A_50 : i32 to index
        %get3A_203 = tpu.vector_load %arg4[%get3A_201, %get3A_202] {strides = array<i32>} : memref<32x512xf32, #tpu.memory_space<vmem>>, vector<1x16xf32>,
        %get3A_204 = vector.shape_cast %get3A_203 : vector<1x16xf32> to vector<16xf32>
        %get3A_205 = arith.constant 31 : i32
        %get3A_206 = arith.index_cast %get3A_205 : i32 to index
        %get3A_207 = arith.index_cast %mul3A_50 : i32 to index
        %get3A_208 = tpu.vector_load %arg4[%get3A_206, %get3A_207] {strides = array<i32>} : memref<32x512xf32, #tpu.memory_space<vmem>>, vector<1x16xf32>,
        %get3A_209 = vector.shape_cast %get3A_208 : vector<1x16xf32> to vector<16xf32>
        %broadcast_in_dim3A = arith.constant 0 : i32
        %broadcast_in_dim3A_210 = vector.broadcast %broadcast_in_dim3A : i32 to vector<16xi32>
        %broadcast_in_dim3A_211 = arith.constant 1 : i32
        %broadcast_in_dim3A_212 = vector.broadcast %broadcast_in_dim3A_211 : i32 to vector<16xi32>
        %sub3A_213 = arith.subf %get3A_59, %get3A_54 : vector<16xf32>
        %sub3A_214 = arith.subf %get3A_139, %get3A_134 : vector<16xf32>
        %mul3A_215 = arith.mulf %sub3A_213, %sub3A_213 : vector<16xf32>
        %mul3A_216 = arith.mulf %sub3A_214, %sub3A_214 : vector<16xf32>
        %add3A_217 = arith.addf %mul3A_215, %mul3A_216 : vector<16xf32>
        %le3A = arith.constant 4.000000e+00 : f32
        %le3A_218 = vector.broadcast %le3A : f32 to vector<16xf32>
        %le3A_219 = arith.cmpf ole, %add3A_217, %le3A_218 : vector<16xf32>
        %jit3A_220 = arith.constant 0 : i32
        %broadcast_in_dim3A_221 = vector.broadcast %jit3A_220 : i32 to vector<16xi32>
        %select_n3A_222 = arith.select %le3A_219, %broadcast_in_dim3A_212, %broadcast_in_dim3A_221 : vector<16xi1>, vector<16xi32>
        %sub3A_223 = arith.subf %get3A_64, %get3A_54 : vector<16xf32>
        %sub3A_224 = arith.subf %get3A_144, %get3A_134 : vector<16xf32>
        %mul3A_225 = arith.mulf %sub3A_223, %sub3A_223 : vector<16xf32>
        %mul3A_226 = arith.mulf %sub3A_224, %sub3A_224 : vector<16xf32>
        %add3A_227 = arith.addf %mul3A_225, %mul3A_226 : vector<16xf32>
        %le3A_228 = arith.constant 4.000000e+00 : f32
        %le3A_229 = vector.broadcast %le3A_228 : f32 to vector<16xf32>
        %le3A_230 = arith.cmpf ole, %add3A_227, %le3A_229 : vector<16xf32>
        %jit3A_231 = arith.constant 0 : i32
        %broadcast_in_dim3A_232 = vector.broadcast %jit3A_231 : i32 to vector<16xi32>
        %select_n3A_233 = arith.select %le3A_230, %broadcast_in_dim3A_212, %broadcast_in_dim3A_232 : vector<16xi1>, vector<16xi32>
        %sub3A_234 = arith.subf %get3A_69, %get3A_54 : vector<16xf32>
        %sub3A_235 = arith.subf %get3A_149, %get3A_134 : vector<16xf32>
        %mul3A_236 = arith.mulf %sub3A_234, %sub3A_234 : vector<16xf32>
        %mul3A_237 = arith.mulf %sub3A_235, %sub3A_235 : vector<16xf32>
        %add3A_238 = arith.addf %mul3A_236, %mul3A_237 : vector<16xf32>
        %le3A_239 = arith.constant 4.000000e+00 : f32
        %le3A_240 = vector.broadcast %le3A_239 : f32 to vector<16xf32>
        %le3A_241 = arith.cmpf ole, %add3A_238, %le3A_240 : vector<16xf32>
        %jit3A_242 = arith.constant 0 : i32
        %broadcast_in_dim3A_243 = vector.broadcast %jit3A_242 : i32 to vector<16xi32>
        %select_n3A_244 = arith.select %le3A_241, %broadcast_in_dim3A_212, %broadcast_in_dim3A_243 : vector<16xi1>, vector<16xi32>
        %sub3A_245 = arith.subf %get3A_74, %get3A_54 : vector<16xf32>
        %sub3A_246 = arith.subf %get3A_154, %get3A_134 : vector<16xf32>
        %mul3A_247 = arith.mulf %sub3A_245, %sub3A_245 : vector<16xf32>
        %mul3A_248 = arith.mulf %sub3A_246, %sub3A_246 : vector<16xf32>
        %add3A_249 = arith.addf %mul3A_247, %mul3A_248 : vector<16xf32>
        %le3A_250 = arith.constant 4.000000e+00 : f32
        %le3A_251 = vector.broadcast %le3A_250 : f32 to vector<16xf32>
        %le3A_252 = arith.cmpf ole, %add3A_249, %le3A_251 : vector<16xf32>
        %jit3A_253 = arith.constant 0 : i32
        %broadcast_in_dim3A_254 = vector.broadcast %jit3A_253 : i32 to vector<16xi32>
        %select_n3A_255 = arith.select %le3A_252, %broadcast_in_dim3A_212, %broadcast_in_dim3A_254 : vector<16xi1>, vector<16xi32>
        %sub3A_256 = arith.subf %get3A_79, %get3A_54 : vector<16xf32>
        %sub3A_257 = arith.subf %get3A_159, %get3A_134 : vector<16xf32>
        %mul3A_258 = arith.mulf %sub3A_256, %sub3A_256 : vector<16xf32>
        %mul3A_259 = arith.mulf %sub3A_257, %sub3A_257 : vector<16xf32>
        %add3A_260 = arith.addf %mul3A_258, %mul3A_259 : vector<16xf32>
        %le3A_261 = arith.constant 4.000000e+00 : f32
        %le3A_262 = vector.broadcast %le3A_261 : f32 to vector<16xf32>
        %le3A_263 = arith.cmpf ole, %add3A_260, %le3A_262 : vector<16xf32>
        %jit3A_264 = arith.constant 0 : i32
        %broadcast_in_dim3A_265 = vector.broadcast %jit3A_264 : i32 to vector<16xi32>
        %select_n3A_266 = arith.select %le3A_263, %broadcast_in_dim3A_212, %broadcast_in_dim3A_265 : vector<16xi1>, vector<16xi32>
        %sub3A_267 = arith.subf %get3A_84, %get3A_54 : vector<16xf32>
        %sub3A_268 = arith.subf %get3A_164, %get3A_134 : vector<16xf32>
        %mul3A_269 = arith.mulf %sub3A_267, %sub3A_267 : vector<16xf32>
        %mul3A_270 = arith.mulf %sub3A_268, %sub3A_268 : vector<16xf32>
        %add3A_271 = arith.addf %mul3A_269, %mul3A_270 : vector<16xf32>
        %le3A_272 = arith.constant 4.000000e+00 : f32
        %le3A_273 = vector.broadcast %le3A_272 : f32 to vector<16xf32>
        %le3A_274 = arith.cmpf ole, %add3A_271, %le3A_273 : vector<16xf32>
        %jit3A_275 = arith.constant 0 : i32
        %broadcast_in_dim3A_276 = vector.broadcast %jit3A_275 : i32 to vector<16xi32>
        %select_n3A_277 = arith.select %le3A_274, %broadcast_in_dim3A_212, %broadcast_in_dim3A_276 : vector<16xi1>, vector<16xi32>
        %sub3A_278 = arith.subf %get3A_89, %get3A_54 : vector<16xf32>
        %sub3A_279 = arith.subf %get3A_169, %get3A_134 : vector<16xf32>
        %mul3A_280 = arith.mulf %sub3A_278, %sub3A_278 : vector<16xf32>
        %mul3A_281 = arith.mulf %sub3A_279, %sub3A_279 : vector<16xf32>
        %add3A_282 = arith.addf %mul3A_280, %mul3A_281 : vector<16xf32>
        %le3A_283 = arith.constant 4.000000e+00 : f32
        %le3A_284 = vector.broadcast %le3A_283 : f32 to vector<16xf32>
        %le3A_285 = arith.cmpf ole, %add3A_282, %le3A_284 : vector<16xf32>
        %jit3A_286 = arith.constant 0 : i32
        %broadcast_in_dim3A_287 = vector.broadcast %jit3A_286 : i32 to vector<16xi32>
        %select_n3A_288 = arith.select %le3A_285, %broadcast_in_dim3A_212, %broadcast_in_dim3A_287 : vector<16xi1>, vector<16xi32>
        %sub3A_289 = arith.subf %get3A_94, %get3A_54 : vector<16xf32>
        %sub3A_290 = arith.subf %get3A_174, %get3A_134 : vector<16xf32>
        %mul3A_291 = arith.mulf %sub3A_289, %sub3A_289 : vector<16xf32>
        %mul3A_292 = arith.mulf %sub3A_290, %sub3A_290 : vector<16xf32>
        %add3A_293 = arith.addf %mul3A_291, %mul3A_292 : vector<16xf32>
        %le3A_294 = arith.constant 4.000000e+00 : f32
        %le3A_295 = vector.broadcast %le3A_294 : f32 to vector<16xf32>
        %le3A_296 = arith.cmpf ole, %add3A_293, %le3A_295 : vector<16xf32>
        %jit3A_297 = arith.constant 0 : i32
        %broadcast_in_dim3A_298 = vector.broadcast %jit3A_297 : i32 to vector<16xi32>
        %select_n3A_299 = arith.select %le3A_296, %broadcast_in_dim3A_212, %broadcast_in_dim3A_298 : vector<16xi1>, vector<16xi32>
        %sub3A_300 = arith.subf %get3A_99, %get3A_54 : vector<16xf32>
        %sub3A_301 = arith.subf %get3A_179, %get3A_134 : vector<16xf32>
        %mul3A_302 = arith.mulf %sub3A_300, %sub3A_300 : vector<16xf32>
        %mul3A_303 = arith.mulf %sub3A_301, %sub3A_301 : vector<16xf32>
        %add3A_304 = arith.addf %mul3A_302, %mul3A_303 : vector<16xf32>
        %le3A_305 = arith.constant 4.000000e+00 : f32
        %le3A_306 = vector.broadcast %le3A_305 : f32 to vector<16xf32>
        %le3A_307 = arith.cmpf ole, %add3A_304, %le3A_306 : vector<16xf32>
        %jit3A_308 = arith.constant 0 : i32
        %broadcast_in_dim3A_309 = vector.broadcast %jit3A_308 : i32 to vector<16xi32>
        %select_n3A_310 = arith.select %le3A_307, %broadcast_in_dim3A_212, %broadcast_in_dim3A_309 : vector<16xi1>, vector<16xi32>
        %sub3A_311 = arith.subf %get3A_104, %get3A_54 : vector<16xf32>
        %sub3A_312 = arith.subf %get3A_184, %get3A_134 : vector<16xf32>
        %mul3A_313 = arith.mulf %sub3A_311, %sub3A_311 : vector<16xf32>
        %mul3A_314 = arith.mulf %sub3A_312, %sub3A_312 : vector<16xf32>
        %add3A_315 = arith.addf %mul3A_313, %mul3A_314 : vector<16xf32>
        %le3A_316 = arith.constant 4.000000e+00 : f32
        %le3A_317 = vector.broadcast %le3A_316 : f32 to vector<16xf32>
        %le3A_318 = arith.cmpf ole, %add3A_315, %le3A_317 : vector<16xf32>
        %jit3A_319 = arith.constant 0 : i32
        %broadcast_in_dim3A_320 = vector.broadcast %jit3A_319 : i32 to vector<16xi32>
        %select_n3A_321 = arith.select %le3A_318, %broadcast_in_dim3A_212, %broadcast_in_dim3A_320 : vector<16xi1>, vector<16xi32>
        %sub3A_322 = arith.subf %get3A_109, %get3A_54 : vector<16xf32>
        %sub3A_323 = arith.subf %get3A_189, %get3A_134 : vector<16xf32>
        %mul3A_324 = arith.mulf %sub3A_322, %sub3A_322 : vector<16xf32>
        %mul3A_325 = arith.mulf %sub3A_323, %sub3A_323 : vector<16xf32>
        %add3A_326 = arith.addf %mul3A_324, %mul3A_325 : vector<16xf32>
        %le3A_327 = arith.constant 4.000000e+00 : f32
        %le3A_328 = vector.broadcast %le3A_327 : f32 to vector<16xf32>
        %le3A_329 = arith.cmpf ole, %add3A_326, %le3A_328 : vector<16xf32>
        %jit3A_330 = arith.constant 0 : i32
        %broadcast_in_dim3A_331 = vector.broadcast %jit3A_330 : i32 to vector<16xi32>
        %select_n3A_332 = arith.select %le3A_329, %broadcast_in_dim3A_212, %broadcast_in_dim3A_331 : vector<16xi1>, vector<16xi32>
        %sub3A_333 = arith.subf %get3A_114, %get3A_54 : vector<16xf32>
        %sub3A_334 = arith.subf %get3A_194, %get3A_134 : vector<16xf32>
        %mul3A_335 = arith.mulf %sub3A_333, %sub3A_333 : vector<16xf32>
        %mul3A_336 = arith.mulf %sub3A_334, %sub3A_334 : vector<16xf32>
        %add3A_337 = arith.addf %mul3A_335, %mul3A_336 : vector<16xf32>
        %le3A_338 = arith.constant 4.000000e+00 : f32
        %le3A_339 = vector.broadcast %le3A_338 : f32 to vector<16xf32>
        %le3A_340 = arith.cmpf ole, %add3A_337, %le3A_339 : vector<16xf32>
        %jit3A_341 = arith.constant 0 : i32
        %broadcast_in_dim3A_342 = vector.broadcast %jit3A_341 : i32 to vector<16xi32>
        %select_n3A_343 = arith.select %le3A_340, %broadcast_in_dim3A_212, %broadcast_in_dim3A_342 : vector<16xi1>, vector<16xi32>
        %sub3A_344 = arith.subf %get3A_119, %get3A_54 : vector<16xf32>
        %sub3A_345 = arith.subf %get3A_199, %get3A_134 : vector<16xf32>
        %mul3A_346 = arith.mulf %sub3A_344, %sub3A_344 : vector<16xf32>
        %mul3A_347 = arith.mulf %sub3A_345, %sub3A_345 : vector<16xf32>
        %add3A_348 = arith.addf %mul3A_346, %mul3A_347 : vector<16xf32>
        %le3A_349 = arith.constant 4.000000e+00 : f32
        %le3A_350 = vector.broadcast %le3A_349 : f32 to vector<16xf32>
        %le3A_351 = arith.cmpf ole, %add3A_348, %le3A_350 : vector<16xf32>
        %jit3A_352 = arith.constant 0 : i32
        %broadcast_in_dim3A_353 = vector.broadcast %jit3A_352 : i32 to vector<16xi32>
        %select_n3A_354 = arith.select %le3A_351, %broadcast_in_dim3A_212, %broadcast_in_dim3A_353 : vector<16xi1>, vector<16xi32>
        %sub3A_355 = arith.subf %get3A_124, %get3A_54 : vector<16xf32>
        %sub3A_356 = arith.subf %get3A_204, %get3A_134 : vector<16xf32>
        %mul3A_357 = arith.mulf %sub3A_355, %sub3A_355 : vector<16xf32>
        %mul3A_358 = arith.mulf %sub3A_356, %sub3A_356 : vector<16xf32>
        %add3A_359 = arith.addf %mul3A_357, %mul3A_358 : vector<16xf32>
        %le3A_360 = arith.constant 4.000000e+00 : f32
        %le3A_361 = vector.broadcast %le3A_360 : f32 to vector<16xf32>
        %le3A_362 = arith.cmpf ole, %add3A_359, %le3A_361 : vector<16xf32>
        %jit3A_363 = arith.constant 0 : i32
        %broadcast_in_dim3A_364 = vector.broadcast %jit3A_363 : i32 to vector<16xi32>
        %select_n3A_365 = arith.select %le3A_362, %broadcast_in_dim3A_212, %broadcast_in_dim3A_364 : vector<16xi1>, vector<16xi32>
        %sub3A_366 = arith.subf %get3A_129, %get3A_54 : vector<16xf32>
        %sub3A_367 = arith.subf %get3A_209, %get3A_134 : vector<16xf32>
        %mul3A_368 = arith.mulf %sub3A_366, %sub3A_366 : vector<16xf32>
        %mul3A_369 = arith.mulf %sub3A_367, %sub3A_367 : vector<16xf32>
        %add3A_370 = arith.addf %mul3A_368, %mul3A_369 : vector<16xf32>
        %le3A_371 = arith.constant 4.000000e+00 : f32
        %le3A_372 = vector.broadcast %le3A_371 : f32 to vector<16xf32>
        %le3A_373 = arith.cmpf ole, %add3A_370, %le3A_372 : vector<16xf32>
        %jit3A_374 = arith.constant 0 : i32
        %broadcast_in_dim3A_375 = vector.broadcast %jit3A_374 : i32 to vector<16xi32>
        %select_n3A_376 = arith.select %le3A_373, %broadcast_in_dim3A_212, %broadcast_in_dim3A_375 : vector<16xi1>, vector<16xi32>
        %sub3A_377 = arith.constant 1 : i32
        %sub3A_378 = vector.broadcast %sub3A_377 : i32 to vector<16xi32>
        %sub3A_379 = arith.subi %sub3A_378, %select_n3A_222 : vector<16xi32>
        %sub3A_380 = arith.subf %get3A_64, %get3A_59 : vector<16xf32>
        %sub3A_381 = arith.subf %get3A_144, %get3A_139 : vector<16xf32>
        %mul3A_382 = arith.mulf %sub3A_380, %sub3A_380 : vector<16xf32>
        %mul3A_383 = arith.mulf %sub3A_381, %sub3A_381 : vector<16xf32>
        %add3A_384 = arith.addf %mul3A_382, %mul3A_383 : vector<16xf32>
        %le3A_385 = arith.constant 4.000000e+00 : f32
        %le3A_386 = vector.broadcast %le3A_385 : f32 to vector<16xf32>
        %le3A_387 = arith.cmpf ole, %add3A_384, %le3A_386 : vector<16xf32>
        %jit3A_388 = arith.constant 0 : i32
        %broadcast_in_dim3A_389 = vector.broadcast %jit3A_388 : i32 to vector<16xi32>
        %select_n3A_390 = arith.select %le3A_387, %sub3A_379, %broadcast_in_dim3A_389 : vector<16xi1>, vector<16xi32>
        %or3A = arith.ori %select_n3A_233, %select_n3A_390 : vector<16xi32>
        %sub3A_391 = arith.subf %get3A_69, %get3A_59 : vector<16xf32>
        %sub3A_392 = arith.subf %get3A_149, %get3A_139 : vector<16xf32>
        %mul3A_393 = arith.mulf %sub3A_391, %sub3A_391 : vector<16xf32>
        %mul3A_394 = arith.mulf %sub3A_392, %sub3A_392 : vector<16xf32>
        %add3A_395 = arith.addf %mul3A_393, %mul3A_394 : vector<16xf32>
        %le3A_396 = arith.constant 4.000000e+00 : f32
        %le3A_397 = vector.broadcast %le3A_396 : f32 to vector<16xf32>
        %le3A_398 = arith.cmpf ole, %add3A_395, %le3A_397 : vector<16xf32>
        %jit3A_399 = arith.constant 0 : i32
        %broadcast_in_dim3A_400 = vector.broadcast %jit3A_399 : i32 to vector<16xi32>
        %select_n3A_401 = arith.select %le3A_398, %sub3A_379, %broadcast_in_dim3A_400 : vector<16xi1>, vector<16xi32>
        %or3A_402 = arith.ori %select_n3A_244, %select_n3A_401 : vector<16xi32>
        %sub3A_403 = arith.subf %get3A_74, %get3A_59 : vector<16xf32>
        %sub3A_404 = arith.subf %get3A_154, %get3A_139 : vector<16xf32>
        %mul3A_405 = arith.mulf %sub3A_403, %sub3A_403 : vector<16xf32>
        %mul3A_406 = arith.mulf %sub3A_404, %sub3A_404 : vector<16xf32>
        %add3A_407 = arith.addf %mul3A_405, %mul3A_406 : vector<16xf32>
        %le3A_408 = arith.constant 4.000000e+00 : f32
        %le3A_409 = vector.broadcast %le3A_408 : f32 to vector<16xf32>
        %le3A_410 = arith.cmpf ole, %add3A_407, %le3A_409 : vector<16xf32>
        %jit3A_411 = arith.constant 0 : i32
        %broadcast_in_dim3A_412 = vector.broadcast %jit3A_411 : i32 to vector<16xi32>
        %select_n3A_413 = arith.select %le3A_410, %sub3A_379, %broadcast_in_dim3A_412 : vector<16xi1>, vector<16xi32>
        %or3A_414 = arith.ori %select_n3A_255, %select_n3A_413 : vector<16xi32>
        %sub3A_415 = arith.subf %get3A_79, %get3A_59 : vector<16xf32>
        %sub3A_416 = arith.subf %get3A_159, %get3A_139 : vector<16xf32>
        %mul3A_417 = arith.mulf %sub3A_415, %sub3A_415 : vector<16xf32>
        %mul3A_418 = arith.mulf %sub3A_416, %sub3A_416 : vector<16xf32>
        %add3A_419 = arith.addf %mul3A_417, %mul3A_418 : vector<16xf32>
        %le3A_420 = arith.constant 4.000000e+00 : f32
        %le3A_421 = vector.broadcast %le3A_420 : f32 to vector<16xf32>
        %le3A_422 = arith.cmpf ole, %add3A_419, %le3A_421 : vector<16xf32>
        %jit3A_423 = arith.constant 0 : i32
        %broadcast_in_dim3A_424 = vector.broadcast %jit3A_423 : i32 to vector<16xi32>
        %select_n3A_425 = arith.select %le3A_422, %sub3A_379, %broadcast_in_dim3A_424 : vector<16xi1>, vector<16xi32>
        %or3A_426 = arith.ori %select_n3A_266, %select_n3A_425 : vector<16xi32>
        %sub3A_427 = arith.subf %get3A_84, %get3A_59 : vector<16xf32>
        %sub3A_428 = arith.subf %get3A_164, %get3A_139 : vector<16xf32>
        %mul3A_429 = arith.mulf %sub3A_427, %sub3A_427 : vector<16xf32>
        %mul3A_430 = arith.mulf %sub3A_428, %sub3A_428 : vector<16xf32>
        %add3A_431 = arith.addf %mul3A_429, %mul3A_430 : vector<16xf32>
        %le3A_432 = arith.constant 4.000000e+00 : f32
        %le3A_433 = vector.broadcast %le3A_432 : f32 to vector<16xf32>
        %le3A_434 = arith.cmpf ole, %add3A_431, %le3A_433 : vector<16xf32>
        %jit3A_435 = arith.constant 0 : i32
        %broadcast_in_dim3A_436 = vector.broadcast %jit3A_435 : i32 to vector<16xi32>
        %select_n3A_437 = arith.select %le3A_434, %sub3A_379, %broadcast_in_dim3A_436 : vector<16xi1>, vector<16xi32>
        %or3A_438 = arith.ori %select_n3A_277, %select_n3A_437 : vector<16xi32>
        %sub3A_439 = arith.subf %get3A_89, %get3A_59 : vector<16xf32>
        %sub3A_440 = arith.subf %get3A_169, %get3A_139 : vector<16xf32>
        %mul3A_441 = arith.mulf %sub3A_439, %sub3A_439 : vector<16xf32>
        %mul3A_442 = arith.mulf %sub3A_440, %sub3A_440 : vector<16xf32>
        %add3A_443 = arith.addf %mul3A_441, %mul3A_442 : vector<16xf32>
        %le3A_444 = arith.constant 4.000000e+00 : f32
        %le3A_445 = vector.broadcast %le3A_444 : f32 to vector<16xf32>
        %le3A_446 = arith.cmpf ole, %add3A_443, %le3A_445 : vector<16xf32>
        %jit3A_447 = arith.constant 0 : i32
        %broadcast_in_dim3A_448 = vector.broadcast %jit3A_447 : i32 to vector<16xi32>
        %select_n3A_449 = arith.select %le3A_446, %sub3A_379, %broadcast_in_dim3A_448 : vector<16xi1>, vector<16xi32>
        %or3A_450 = arith.ori %select_n3A_288, %select_n3A_449 : vector<16xi32>
        %sub3A_451 = arith.subf %get3A_94, %get3A_59 : vector<16xf32>
        %sub3A_452 = arith.subf %get3A_174, %get3A_139 : vector<16xf32>
        %mul3A_453 = arith.mulf %sub3A_451, %sub3A_451 : vector<16xf32>
        %mul3A_454 = arith.mulf %sub3A_452, %sub3A_452 : vector<16xf32>
        %add3A_455 = arith.addf %mul3A_453, %mul3A_454 : vector<16xf32>
        %le3A_456 = arith.constant 4.000000e+00 : f32
        %le3A_457 = vector.broadcast %le3A_456 : f32 to vector<16xf32>
        %le3A_458 = arith.cmpf ole, %add3A_455, %le3A_457 : vector<16xf32>
        %jit3A_459 = arith.constant 0 : i32
        %broadcast_in_dim3A_460 = vector.broadcast %jit3A_459 : i32 to vector<16xi32>
        %select_n3A_461 = arith.select %le3A_458, %sub3A_379, %broadcast_in_dim3A_460 : vector<16xi1>, vector<16xi32>
        %or3A_462 = arith.ori %select_n3A_299, %select_n3A_461 : vector<16xi32>
        %sub3A_463 = arith.subf %get3A_99, %get3A_59 : vector<16xf32>
        %sub3A_464 = arith.subf %get3A_179, %get3A_139 : vector<16xf32>
        %mul3A_465 = arith.mulf %sub3A_463, %sub3A_463 : vector<16xf32>
        %mul3A_466 = arith.mulf %sub3A_464, %sub3A_464 : vector<16xf32>
        %add3A_467 = arith.addf %mul3A_465, %mul3A_466 : vector<16xf32>
        %le3A_468 = arith.constant 4.000000e+00 : f32
        %le3A_469 = vector.broadcast %le3A_468 : f32 to vector<16xf32>
        %le3A_470 = arith.cmpf ole, %add3A_467, %le3A_469 : vector<16xf32>
        %jit3A_471 = arith.constant 0 : i32
        %broadcast_in_dim3A_472 = vector.broadcast %jit3A_471 : i32 to vector<16xi32>
        %select_n3A_473 = arith.select %le3A_470, %sub3A_379, %broadcast_in_dim3A_472 : vector<16xi1>, vector<16xi32>
        %or3A_474 = arith.ori %select_n3A_310, %select_n3A_473 : vector<16xi32>
        %sub3A_475 = arith.subf %get3A_104, %get3A_59 : vector<16xf32>
        %sub3A_476 = arith.subf %get3A_184, %get3A_139 : vector<16xf32>
        %mul3A_477 = arith.mulf %sub3A_475, %sub3A_475 : vector<16xf32>
        %mul3A_478 = arith.mulf %sub3A_476, %sub3A_476 : vector<16xf32>
        %add3A_479 = arith.addf %mul3A_477, %mul3A_478 : vector<16xf32>
        %le3A_480 = arith.constant 4.000000e+00 : f32
        %le3A_481 = vector.broadcast %le3A_480 : f32 to vector<16xf32>
        %le3A_482 = arith.cmpf ole, %add3A_479, %le3A_481 : vector<16xf32>
        %jit3A_483 = arith.constant 0 : i32
        %broadcast_in_dim3A_484 = vector.broadcast %jit3A_483 : i32 to vector<16xi32>
        %select_n3A_485 = arith.select %le3A_482, %sub3A_379, %broadcast_in_dim3A_484 : vector<16xi1>, vector<16xi32>
        %or3A_486 = arith.ori %select_n3A_321, %select_n3A_485 : vector<16xi32>
        %sub3A_487 = arith.subf %get3A_109, %get3A_59 : vector<16xf32>
        %sub3A_488 = arith.subf %get3A_189, %get3A_139 : vector<16xf32>
        %mul3A_489 = arith.mulf %sub3A_487, %sub3A_487 : vector<16xf32>
        %mul3A_490 = arith.mulf %sub3A_488, %sub3A_488 : vector<16xf32>
        %add3A_491 = arith.addf %mul3A_489, %mul3A_490 : vector<16xf32>
        %le3A_492 = arith.constant 4.000000e+00 : f32
        %le3A_493 = vector.broadcast %le3A_492 : f32 to vector<16xf32>
        %le3A_494 = arith.cmpf ole, %add3A_491, %le3A_493 : vector<16xf32>
        %jit3A_495 = arith.constant 0 : i32
        %broadcast_in_dim3A_496 = vector.broadcast %jit3A_495 : i32 to vector<16xi32>
        %select_n3A_497 = arith.select %le3A_494, %sub3A_379, %broadcast_in_dim3A_496 : vector<16xi1>, vector<16xi32>
        %or3A_498 = arith.ori %select_n3A_332, %select_n3A_497 : vector<16xi32>
        %sub3A_499 = arith.subf %get3A_114, %get3A_59 : vector<16xf32>
        %sub3A_500 = arith.subf %get3A_194, %get3A_139 : vector<16xf32>
        %mul3A_501 = arith.mulf %sub3A_499, %sub3A_499 : vector<16xf32>
        %mul3A_502 = arith.mulf %sub3A_500, %sub3A_500 : vector<16xf32>
        %add3A_503 = arith.addf %mul3A_501, %mul3A_502 : vector<16xf32>
        %le3A_504 = arith.constant 4.000000e+00 : f32
        %le3A_505 = vector.broadcast %le3A_504 : f32 to vector<16xf32>
        %le3A_506 = arith.cmpf ole, %add3A_503, %le3A_505 : vector<16xf32>
        %jit3A_507 = arith.constant 0 : i32
        %broadcast_in_dim3A_508 = vector.broadcast %jit3A_507 : i32 to vector<16xi32>
        %select_n3A_509 = arith.select %le3A_506, %sub3A_379, %broadcast_in_dim3A_508 : vector<16xi1>, vector<16xi32>
        %or3A_510 = arith.ori %select_n3A_343, %select_n3A_509 : vector<16xi32>
        %sub3A_511 = arith.subf %get3A_119, %get3A_59 : vector<16xf32>
        %sub3A_512 = arith.subf %get3A_199, %get3A_139 : vector<16xf32>
        %mul3A_513 = arith.mulf %sub3A_511, %sub3A_511 : vector<16xf32>
        %mul3A_514 = arith.mulf %sub3A_512, %sub3A_512 : vector<16xf32>
        %add3A_515 = arith.addf %mul3A_513, %mul3A_514 : vector<16xf32>
        %le3A_516 = arith.constant 4.000000e+00 : f32
        %le3A_517 = vector.broadcast %le3A_516 : f32 to vector<16xf32>
        %le3A_518 = arith.cmpf ole, %add3A_515, %le3A_517 : vector<16xf32>
        %jit3A_519 = arith.constant 0 : i32
        %broadcast_in_dim3A_520 = vector.broadcast %jit3A_519 : i32 to vector<16xi32>
        %select_n3A_521 = arith.select %le3A_518, %sub3A_379, %broadcast_in_dim3A_520 : vector<16xi1>, vector<16xi32>
        %or3A_522 = arith.ori %select_n3A_354, %select_n3A_521 : vector<16xi32>
        %sub3A_523 = arith.subf %get3A_124, %get3A_59 : vector<16xf32>
        %sub3A_524 = arith.subf %get3A_204, %get3A_139 : vector<16xf32>
        %mul3A_525 = arith.mulf %sub3A_523, %sub3A_523 : vector<16xf32>
        %mul3A_526 = arith.mulf %sub3A_524, %sub3A_524 : vector<16xf32>
        %add3A_527 = arith.addf %mul3A_525, %mul3A_526 : vector<16xf32>
        %le3A_528 = arith.constant 4.000000e+00 : f32
        %le3A_529 = vector.broadcast %le3A_528 : f32 to vector<16xf32>
        %le3A_530 = arith.cmpf ole, %add3A_527, %le3A_529 : vector<16xf32>
        %jit3A_531 = arith.constant 0 : i32
        %broadcast_in_dim3A_532 = vector.broadcast %jit3A_531 : i32 to vector<16xi32>
        %select_n3A_533 = arith.select %le3A_530, %sub3A_379, %broadcast_in_dim3A_532 : vector<16xi1>, vector<16xi32>
        %or3A_534 = arith.ori %select_n3A_365, %select_n3A_533 : vector<16xi32>
        %sub3A_535 = arith.subf %get3A_129, %get3A_59 : vector<16xf32>
        %sub3A_536 = arith.subf %get3A_209, %get3A_139 : vector<16xf32>
        %mul3A_537 = arith.mulf %sub3A_535, %sub3A_535 : vector<16xf32>
        %mul3A_538 = arith.mulf %sub3A_536, %sub3A_536 : vector<16xf32>
        %add3A_539 = arith.addf %mul3A_537, %mul3A_538 : vector<16xf32>
        %le3A_540 = arith.constant 4.000000e+00 : f32
        %le3A_541 = vector.broadcast %le3A_540 : f32 to vector<16xf32>
        %le3A_542 = arith.cmpf ole, %add3A_539, %le3A_541 : vector<16xf32>
        %jit3A_543 = arith.constant 0 : i32
        %broadcast_in_dim3A_544 = vector.broadcast %jit3A_543 : i32 to vector<16xi32>
        %select_n3A_545 = arith.select %le3A_542, %sub3A_379, %broadcast_in_dim3A_544 : vector<16xi1>, vector<16xi32>
        %or3A_546 = arith.ori %select_n3A_376, %select_n3A_545 : vector<16xi32>
        %sub3A_547 = arith.constant 1 : i32
        %sub3A_548 = vector.broadcast %sub3A_547 : i32 to vector<16xi32>
        %sub3A_549 = arith.subi %sub3A_548, %or3A : vector<16xi32>
        %sub3A_550 = arith.subf %get3A_69, %get3A_64 : vector<16xf32>
        %sub3A_551 = arith.subf %get3A_149, %get3A_144 : vector<16xf32>
        %mul3A_552 = arith.mulf %sub3A_550, %sub3A_550 : vector<16xf32>
        %mul3A_553 = arith.mulf %sub3A_551, %sub3A_551 : vector<16xf32>
        %add3A_554 = arith.addf %mul3A_552, %mul3A_553 : vector<16xf32>
        %le3A_555 = arith.constant 4.000000e+00 : f32
        %le3A_556 = vector.broadcast %le3A_555 : f32 to vector<16xf32>
        %le3A_557 = arith.cmpf ole, %add3A_554, %le3A_556 : vector<16xf32>
        %jit3A_558 = arith.constant 0 : i32
        %broadcast_in_dim3A_559 = vector.broadcast %jit3A_558 : i32 to vector<16xi32>
        %select_n3A_560 = arith.select %le3A_557, %sub3A_549, %broadcast_in_dim3A_559 : vector<16xi1>, vector<16xi32>
        %or3A_561 = arith.ori %or3A_402, %select_n3A_560 : vector<16xi32>
        %sub3A_562 = arith.subf %get3A_74, %get3A_64 : vector<16xf32>
        %sub3A_563 = arith.subf %get3A_154, %get3A_144 : vector<16xf32>
        %mul3A_564 = arith.mulf %sub3A_562, %sub3A_562 : vector<16xf32>
        %mul3A_565 = arith.mulf %sub3A_563, %sub3A_563 : vector<16xf32>
        %add3A_566 = arith.addf %mul3A_564, %mul3A_565 : vector<16xf32>
        %le3A_567 = arith.constant 4.000000e+00 : f32
        %le3A_568 = vector.broadcast %le3A_567 : f32 to vector<16xf32>
        %le3A_569 = arith.cmpf ole, %add3A_566, %le3A_568 : vector<16xf32>
        %jit3A_570 = arith.constant 0 : i32
        %broadcast_in_dim3A_571 = vector.broadcast %jit3A_570 : i32 to vector<16xi32>
        %select_n3A_572 = arith.select %le3A_569, %sub3A_549, %broadcast_in_dim3A_571 : vector<16xi1>, vector<16xi32>
        %or3A_573 = arith.ori %or3A_414, %select_n3A_572 : vector<16xi32>
        %sub3A_574 = arith.subf %get3A_79, %get3A_64 : vector<16xf32>
        %sub3A_575 = arith.subf %get3A_159, %get3A_144 : vector<16xf32>
        %mul3A_576 = arith.mulf %sub3A_574, %sub3A_574 : vector<16xf32>
        %mul3A_577 = arith.mulf %sub3A_575, %sub3A_575 : vector<16xf32>
        %add3A_578 = arith.addf %mul3A_576, %mul3A_577 : vector<16xf32>
        %le3A_579 = arith.constant 4.000000e+00 : f32
        %le3A_580 = vector.broadcast %le3A_579 : f32 to vector<16xf32>
        %le3A_581 = arith.cmpf ole, %add3A_578, %le3A_580 : vector<16xf32>
        %jit3A_582 = arith.constant 0 : i32
        %broadcast_in_dim3A_583 = vector.broadcast %jit3A_582 : i32 to vector<16xi32>
        %select_n3A_584 = arith.select %le3A_581, %sub3A_549, %broadcast_in_dim3A_583 : vector<16xi1>, vector<16xi32>
        %or3A_585 = arith.ori %or3A_426, %select_n3A_584 : vector<16xi32>
        %sub3A_586 = arith.subf %get3A_84, %get3A_64 : vector<16xf32>
        %sub3A_587 = arith.subf %get3A_164, %get3A_144 : vector<16xf32>
        %mul3A_588 = arith.mulf %sub3A_586, %sub3A_586 : vector<16xf32>
        %mul3A_589 = arith.mulf %sub3A_587, %sub3A_587 : vector<16xf32>
        %add3A_590 = arith.addf %mul3A_588, %mul3A_589 : vector<16xf32>
        %le3A_591 = arith.constant 4.000000e+00 : f32
        %le3A_592 = vector.broadcast %le3A_591 : f32 to vector<16xf32>
        %le3A_593 = arith.cmpf ole, %add3A_590, %le3A_592 : vector<16xf32>
        %jit3A_594 = arith.constant 0 : i32
        %broadcast_in_dim3A_595 = vector.broadcast %jit3A_594 : i32 to vector<16xi32>
        %select_n3A_596 = arith.select %le3A_593, %sub3A_549, %broadcast_in_dim3A_595 : vector<16xi1>, vector<16xi32>
        %or3A_597 = arith.ori %or3A_438, %select_n3A_596 : vector<16xi32>
        %sub3A_598 = arith.subf %get3A_89, %get3A_64 : vector<16xf32>
        %sub3A_599 = arith.subf %get3A_169, %get3A_144 : vector<16xf32>
        %mul3A_600 = arith.mulf %sub3A_598, %sub3A_598 : vector<16xf32>
        %mul3A_601 = arith.mulf %sub3A_599, %sub3A_599 : vector<16xf32>
        %add3A_602 = arith.addf %mul3A_600, %mul3A_601 : vector<16xf32>
        %le3A_603 = arith.constant 4.000000e+00 : f32
        %le3A_604 = vector.broadcast %le3A_603 : f32 to vector<16xf32>
        %le3A_605 = arith.cmpf ole, %add3A_602, %le3A_604 : vector<16xf32>
        %jit3A_606 = arith.constant 0 : i32
        %broadcast_in_dim3A_607 = vector.broadcast %jit3A_606 : i32 to vector<16xi32>
        %select_n3A_608 = arith.select %le3A_605, %sub3A_549, %broadcast_in_dim3A_607 : vector<16xi1>, vector<16xi32>
        %or3A_609 = arith.ori %or3A_450, %select_n3A_608 : vector<16xi32>
        %sub3A_610 = arith.subf %get3A_94, %get3A_64 : vector<16xf32>
        %sub3A_611 = arith.subf %get3A_174, %get3A_144 : vector<16xf32>
        %mul3A_612 = arith.mulf %sub3A_610, %sub3A_610 : vector<16xf32>
        %mul3A_613 = arith.mulf %sub3A_611, %sub3A_611 : vector<16xf32>
        %add3A_614 = arith.addf %mul3A_612, %mul3A_613 : vector<16xf32>
        %le3A_615 = arith.constant 4.000000e+00 : f32
        %le3A_616 = vector.broadcast %le3A_615 : f32 to vector<16xf32>
        %le3A_617 = arith.cmpf ole, %add3A_614, %le3A_616 : vector<16xf32>
        %jit3A_618 = arith.constant 0 : i32
        %broadcast_in_dim3A_619 = vector.broadcast %jit3A_618 : i32 to vector<16xi32>
        %select_n3A_620 = arith.select %le3A_617, %sub3A_549, %broadcast_in_dim3A_619 : vector<16xi1>, vector<16xi32>
        %or3A_621 = arith.ori %or3A_462, %select_n3A_620 : vector<16xi32>
        %sub3A_622 = arith.subf %get3A_99, %get3A_64 : vector<16xf32>
        %sub3A_623 = arith.subf %get3A_179, %get3A_144 : vector<16xf32>
        %mul3A_624 = arith.mulf %sub3A_622, %sub3A_622 : vector<16xf32>
        %mul3A_625 = arith.mulf %sub3A_623, %sub3A_623 : vector<16xf32>
        %add3A_626 = arith.addf %mul3A_624, %mul3A_625 : vector<16xf32>
        %le3A_627 = arith.constant 4.000000e+00 : f32
        %le3A_628 = vector.broadcast %le3A_627 : f32 to vector<16xf32>
        %le3A_629 = arith.cmpf ole, %add3A_626, %le3A_628 : vector<16xf32>
        %jit3A_630 = arith.constant 0 : i32
        %broadcast_in_dim3A_631 = vector.broadcast %jit3A_630 : i32 to vector<16xi32>
        %select_n3A_632 = arith.select %le3A_629, %sub3A_549, %broadcast_in_dim3A_631 : vector<16xi1>, vector<16xi32>
        %or3A_633 = arith.ori %or3A_474, %select_n3A_632 : vector<16xi32>
        %sub3A_634 = arith.subf %get3A_104, %get3A_64 : vector<16xf32>
        %sub3A_635 = arith.subf %get3A_184, %get3A_144 : vector<16xf32>
        %mul3A_636 = arith.mulf %sub3A_634, %sub3A_634 : vector<16xf32>
        %mul3A_637 = arith.mulf %sub3A_635, %sub3A_635 : vector<16xf32>
        %add3A_638 = arith.addf %mul3A_636, %mul3A_637 : vector<16xf32>
        %le3A_639 = arith.constant 4.000000e+00 : f32
        %le3A_640 = vector.broadcast %le3A_639 : f32 to vector<16xf32>
        %le3A_641 = arith.cmpf ole, %add3A_638, %le3A_640 : vector<16xf32>
        %jit3A_642 = arith.constant 0 : i32
        %broadcast_in_dim3A_643 = vector.broadcast %jit3A_642 : i32 to vector<16xi32>
        %select_n3A_644 = arith.select %le3A_641, %sub3A_549, %broadcast_in_dim3A_643 : vector<16xi1>, vector<16xi32>
        %or3A_645 = arith.ori %or3A_486, %select_n3A_644 : vector<16xi32>
        %sub3A_646 = arith.subf %get3A_109, %get3A_64 : vector<16xf32>
        %sub3A_647 = arith.subf %get3A_189, %get3A_144 : vector<16xf32>
        %mul3A_648 = arith.mulf %sub3A_646, %sub3A_646 : vector<16xf32>
        %mul3A_649 = arith.mulf %sub3A_647, %sub3A_647 : vector<16xf32>
        %add3A_650 = arith.addf %mul3A_648, %mul3A_649 : vector<16xf32>
        %le3A_651 = arith.constant 4.000000e+00 : f32
        %le3A_652 = vector.broadcast %le3A_651 : f32 to vector<16xf32>
        %le3A_653 = arith.cmpf ole, %add3A_650, %le3A_652 : vector<16xf32>
        %jit3A_654 = arith.constant 0 : i32
        %broadcast_in_dim3A_655 = vector.broadcast %jit3A_654 : i32 to vector<16xi32>
        %select_n3A_656 = arith.select %le3A_653, %sub3A_549, %broadcast_in_dim3A_655 : vector<16xi1>, vector<16xi32>
        %or3A_657 = arith.ori %or3A_498, %select_n3A_656 : vector<16xi32>
        %sub3A_658 = arith.subf %get3A_114, %get3A_64 : vector<16xf32>
        %sub3A_659 = arith.subf %get3A_194, %get3A_144 : vector<16xf32>
        %mul3A_660 = arith.mulf %sub3A_658, %sub3A_658 : vector<16xf32>
        %mul3A_661 = arith.mulf %sub3A_659, %sub3A_659 : vector<16xf32>
        %add3A_662 = arith.addf %mul3A_660, %mul3A_661 : vector<16xf32>
        %le3A_663 = arith.constant 4.000000e+00 : f32
        %le3A_664 = vector.broadcast %le3A_663 : f32 to vector<16xf32>
        %le3A_665 = arith.cmpf ole, %add3A_662, %le3A_664 : vector<16xf32>
        %jit3A_666 = arith.constant 0 : i32
        %broadcast_in_dim3A_667 = vector.broadcast %jit3A_666 : i32 to vector<16xi32>
        %select_n3A_668 = arith.select %le3A_665, %sub3A_549, %broadcast_in_dim3A_667 : vector<16xi1>, vector<16xi32>
        %or3A_669 = arith.ori %or3A_510, %select_n3A_668 : vector<16xi32>
        %sub3A_670 = arith.subf %get3A_119, %get3A_64 : vector<16xf32>
        %sub3A_671 = arith.subf %get3A_199, %get3A_144 : vector<16xf32>
        %mul3A_672 = arith.mulf %sub3A_670, %sub3A_670 : vector<16xf32>
        %mul3A_673 = arith.mulf %sub3A_671, %sub3A_671 : vector<16xf32>
        %add3A_674 = arith.addf %mul3A_672, %mul3A_673 : vector<16xf32>
        %le3A_675 = arith.constant 4.000000e+00 : f32
        %le3A_676 = vector.broadcast %le3A_675 : f32 to vector<16xf32>
        %le3A_677 = arith.cmpf ole, %add3A_674, %le3A_676 : vector<16xf32>
        %jit3A_678 = arith.constant 0 : i32
        %broadcast_in_dim3A_679 = vector.broadcast %jit3A_678 : i32 to vector<16xi32>
        %select_n3A_680 = arith.select %le3A_677, %sub3A_549, %broadcast_in_dim3A_679 : vector<16xi1>, vector<16xi32>
        %or3A_681 = arith.ori %or3A_522, %select_n3A_680 : vector<16xi32>
        %sub3A_682 = arith.subf %get3A_124, %get3A_64 : vector<16xf32>
        %sub3A_683 = arith.subf %get3A_204, %get3A_144 : vector<16xf32>
        %mul3A_684 = arith.mulf %sub3A_682, %sub3A_682 : vector<16xf32>
        %mul3A_685 = arith.mulf %sub3A_683, %sub3A_683 : vector<16xf32>
        %add3A_686 = arith.addf %mul3A_684, %mul3A_685 : vector<16xf32>
        %le3A_687 = arith.constant 4.000000e+00 : f32
        %le3A_688 = vector.broadcast %le3A_687 : f32 to vector<16xf32>
        %le3A_689 = arith.cmpf ole, %add3A_686, %le3A_688 : vector<16xf32>
        %jit3A_690 = arith.constant 0 : i32
        %broadcast_in_dim3A_691 = vector.broadcast %jit3A_690 : i32 to vector<16xi32>
        %select_n3A_692 = arith.select %le3A_689, %sub3A_549, %broadcast_in_dim3A_691 : vector<16xi1>, vector<16xi32>
        %or3A_693 = arith.ori %or3A_534, %select_n3A_692 : vector<16xi32>
        %sub3A_694 = arith.subf %get3A_129, %get3A_64 : vector<16xf32>
        %sub3A_695 = arith.subf %get3A_209, %get3A_144 : vector<16xf32>
        %mul3A_696 = arith.mulf %sub3A_694, %sub3A_694 : vector<16xf32>
        %mul3A_697 = arith.mulf %sub3A_695, %sub3A_695 : vector<16xf32>
        %add3A_698 = arith.addf %mul3A_696, %mul3A_697 : vector<16xf32>
        %le3A_699 = arith.constant 4.000000e+00 : f32
        %le3A_700 = vector.broadcast %le3A_699 : f32 to vector<16xf32>
        %le3A_701 = arith.cmpf ole, %add3A_698, %le3A_700 : vector<16xf32>
        %jit3A_702 = arith.constant 0 : i32
        %broadcast_in_dim3A_703 = vector.broadcast %jit3A_702 : i32 to vector<16xi32>
        %select_n3A_704 = arith.select %le3A_701, %sub3A_549, %broadcast_in_dim3A_703 : vector<16xi1>, vector<16xi32>
        %or3A_705 = arith.ori %or3A_546, %select_n3A_704 : vector<16xi32>
        %sub3A_706 = arith.constant 1 : i32
        %sub3A_707 = vector.broadcast %sub3A_706 : i32 to vector<16xi32>
        %sub3A_708 = arith.subi %sub3A_707, %or3A_561 : vector<16xi32>
        %sub3A_709 = arith.subf %get3A_74, %get3A_69 : vector<16xf32>
        %sub3A_710 = arith.subf %get3A_154, %get3A_149 : vector<16xf32>
        %mul3A_711 = arith.mulf %sub3A_709, %sub3A_709 : vector<16xf32>
        %mul3A_712 = arith.mulf %sub3A_710, %sub3A_710 : vector<16xf32>
        %add3A_713 = arith.addf %mul3A_711, %mul3A_712 : vector<16xf32>
        %le3A_714 = arith.constant 4.000000e+00 : f32
        %le3A_715 = vector.broadcast %le3A_714 : f32 to vector<16xf32>
        %le3A_716 = arith.cmpf ole, %add3A_713, %le3A_715 : vector<16xf32>
        %jit3A_717 = arith.constant 0 : i32
        %broadcast_in_dim3A_718 = vector.broadcast %jit3A_717 : i32 to vector<16xi32>
        %select_n3A_719 = arith.select %le3A_716, %sub3A_708, %broadcast_in_dim3A_718 : vector<16xi1>, vector<16xi32>
        %or3A_720 = arith.ori %or3A_573, %select_n3A_719 : vector<16xi32>
        %sub3A_721 = arith.subf %get3A_79, %get3A_69 : vector<16xf32>
        %sub3A_722 = arith.subf %get3A_159, %get3A_149 : vector<16xf32>
        %mul3A_723 = arith.mulf %sub3A_721, %sub3A_721 : vector<16xf32>
        %mul3A_724 = arith.mulf %sub3A_722, %sub3A_722 : vector<16xf32>
        %add3A_725 = arith.addf %mul3A_723, %mul3A_724 : vector<16xf32>
        %le3A_726 = arith.constant 4.000000e+00 : f32
        %le3A_727 = vector.broadcast %le3A_726 : f32 to vector<16xf32>
        %le3A_728 = arith.cmpf ole, %add3A_725, %le3A_727 : vector<16xf32>
        %jit3A_729 = arith.constant 0 : i32
        %broadcast_in_dim3A_730 = vector.broadcast %jit3A_729 : i32 to vector<16xi32>
        %select_n3A_731 = arith.select %le3A_728, %sub3A_708, %broadcast_in_dim3A_730 : vector<16xi1>, vector<16xi32>
        %or3A_732 = arith.ori %or3A_585, %select_n3A_731 : vector<16xi32>
        %sub3A_733 = arith.subf %get3A_84, %get3A_69 : vector<16xf32>
        %sub3A_734 = arith.subf %get3A_164, %get3A_149 : vector<16xf32>
        %mul3A_735 = arith.mulf %sub3A_733, %sub3A_733 : vector<16xf32>
        %mul3A_736 = arith.mulf %sub3A_734, %sub3A_734 : vector<16xf32>
        %add3A_737 = arith.addf %mul3A_735, %mul3A_736 : vector<16xf32>
        %le3A_738 = arith.constant 4.000000e+00 : f32
        %le3A_739 = vector.broadcast %le3A_738 : f32 to vector<16xf32>
        %le3A_740 = arith.cmpf ole, %add3A_737, %le3A_739 : vector<16xf32>
        %jit3A_741 = arith.constant 0 : i32
        %broadcast_in_dim3A_742 = vector.broadcast %jit3A_741 : i32 to vector<16xi32>
        %select_n3A_743 = arith.select %le3A_740, %sub3A_708, %broadcast_in_dim3A_742 : vector<16xi1>, vector<16xi32>
        %or3A_744 = arith.ori %or3A_597, %select_n3A_743 : vector<16xi32>
        %sub3A_745 = arith.subf %get3A_89, %get3A_69 : vector<16xf32>
        %sub3A_746 = arith.subf %get3A_169, %get3A_149 : vector<16xf32>
        %mul3A_747 = arith.mulf %sub3A_745, %sub3A_745 : vector<16xf32>
        %mul3A_748 = arith.mulf %sub3A_746, %sub3A_746 : vector<16xf32>
        %add3A_749 = arith.addf %mul3A_747, %mul3A_748 : vector<16xf32>
        %le3A_750 = arith.constant 4.000000e+00 : f32
        %le3A_751 = vector.broadcast %le3A_750 : f32 to vector<16xf32>
        %le3A_752 = arith.cmpf ole, %add3A_749, %le3A_751 : vector<16xf32>
        %jit3A_753 = arith.constant 0 : i32
        %broadcast_in_dim3A_754 = vector.broadcast %jit3A_753 : i32 to vector<16xi32>
        %select_n3A_755 = arith.select %le3A_752, %sub3A_708, %broadcast_in_dim3A_754 : vector<16xi1>, vector<16xi32>
        %or3A_756 = arith.ori %or3A_609, %select_n3A_755 : vector<16xi32>
        %sub3A_757 = arith.subf %get3A_94, %get3A_69 : vector<16xf32>
        %sub3A_758 = arith.subf %get3A_174, %get3A_149 : vector<16xf32>
        %mul3A_759 = arith.mulf %sub3A_757, %sub3A_757 : vector<16xf32>
        %mul3A_760 = arith.mulf %sub3A_758, %sub3A_758 : vector<16xf32>
        %add3A_761 = arith.addf %mul3A_759, %mul3A_760 : vector<16xf32>
        %le3A_762 = arith.constant 4.000000e+00 : f32
        %le3A_763 = vector.broadcast %le3A_762 : f32 to vector<16xf32>
        %le3A_764 = arith.cmpf ole, %add3A_761, %le3A_763 : vector<16xf32>
        %jit3A_765 = arith.constant 0 : i32
        %broadcast_in_dim3A_766 = vector.broadcast %jit3A_765 : i32 to vector<16xi32>
        %select_n3A_767 = arith.select %le3A_764, %sub3A_708, %broadcast_in_dim3A_766 : vector<16xi1>, vector<16xi32>
        %or3A_768 = arith.ori %or3A_621, %select_n3A_767 : vector<16xi32>
        %sub3A_769 = arith.subf %get3A_99, %get3A_69 : vector<16xf32>
        %sub3A_770 = arith.subf %get3A_179, %get3A_149 : vector<16xf32>
        %mul3A_771 = arith.mulf %sub3A_769, %sub3A_769 : vector<16xf32>
        %mul3A_772 = arith.mulf %sub3A_770, %sub3A_770 : vector<16xf32>
        %add3A_773 = arith.addf %mul3A_771, %mul3A_772 : vector<16xf32>
        %le3A_774 = arith.constant 4.000000e+00 : f32
        %le3A_775 = vector.broadcast %le3A_774 : f32 to vector<16xf32>
        %le3A_776 = arith.cmpf ole, %add3A_773, %le3A_775 : vector<16xf32>
        %jit3A_777 = arith.constant 0 : i32
        %broadcast_in_dim3A_778 = vector.broadcast %jit3A_777 : i32 to vector<16xi32>
        %select_n3A_779 = arith.select %le3A_776, %sub3A_708, %broadcast_in_dim3A_778 : vector<16xi1>, vector<16xi32>
        %or3A_780 = arith.ori %or3A_633, %select_n3A_779 : vector<16xi32>
        %sub3A_781 = arith.subf %get3A_104, %get3A_69 : vector<16xf32>
        %sub3A_782 = arith.subf %get3A_184, %get3A_149 : vector<16xf32>
        %mul3A_783 = arith.mulf %sub3A_781, %sub3A_781 : vector<16xf32>
        %mul3A_784 = arith.mulf %sub3A_782, %sub3A_782 : vector<16xf32>
        %add3A_785 = arith.addf %mul3A_783, %mul3A_784 : vector<16xf32>
        %le3A_786 = arith.constant 4.000000e+00 : f32
        %le3A_787 = vector.broadcast %le3A_786 : f32 to vector<16xf32>
        %le3A_788 = arith.cmpf ole, %add3A_785, %le3A_787 : vector<16xf32>
        %jit3A_789 = arith.constant 0 : i32
        %broadcast_in_dim3A_790 = vector.broadcast %jit3A_789 : i32 to vector<16xi32>
        %select_n3A_791 = arith.select %le3A_788, %sub3A_708, %broadcast_in_dim3A_790 : vector<16xi1>, vector<16xi32>
        %or3A_792 = arith.ori %or3A_645, %select_n3A_791 : vector<16xi32>
        %sub3A_793 = arith.subf %get3A_109, %get3A_69 : vector<16xf32>
        %sub3A_794 = arith.subf %get3A_189, %get3A_149 : vector<16xf32>
        %mul3A_795 = arith.mulf %sub3A_793, %sub3A_793 : vector<16xf32>
        %mul3A_796 = arith.mulf %sub3A_794, %sub3A_794 : vector<16xf32>
        %add3A_797 = arith.addf %mul3A_795, %mul3A_796 : vector<16xf32>
        %le3A_798 = arith.constant 4.000000e+00 : f32
        %le3A_799 = vector.broadcast %le3A_798 : f32 to vector<16xf32>
        %le3A_800 = arith.cmpf ole, %add3A_797, %le3A_799 : vector<16xf32>
        %jit3A_801 = arith.constant 0 : i32
        %broadcast_in_dim3A_802 = vector.broadcast %jit3A_801 : i32 to vector<16xi32>
        %select_n3A_803 = arith.select %le3A_800, %sub3A_708, %broadcast_in_dim3A_802 : vector<16xi1>, vector<16xi32>
        %or3A_804 = arith.ori %or3A_657, %select_n3A_803 : vector<16xi32>
        %sub3A_805 = arith.subf %get3A_114, %get3A_69 : vector<16xf32>
        %sub3A_806 = arith.subf %get3A_194, %get3A_149 : vector<16xf32>
        %mul3A_807 = arith.mulf %sub3A_805, %sub3A_805 : vector<16xf32>
        %mul3A_808 = arith.mulf %sub3A_806, %sub3A_806 : vector<16xf32>
        %add3A_809 = arith.addf %mul3A_807, %mul3A_808 : vector<16xf32>
        %le3A_810 = arith.constant 4.000000e+00 : f32
        %le3A_811 = vector.broadcast %le3A_810 : f32 to vector<16xf32>
        %le3A_812 = arith.cmpf ole, %add3A_809, %le3A_811 : vector<16xf32>
        %jit3A_813 = arith.constant 0 : i32
        %broadcast_in_dim3A_814 = vector.broadcast %jit3A_813 : i32 to vector<16xi32>
        %select_n3A_815 = arith.select %le3A_812, %sub3A_708, %broadcast_in_dim3A_814 : vector<16xi1>, vector<16xi32>
        %or3A_816 = arith.ori %or3A_669, %select_n3A_815 : vector<16xi32>
        %sub3A_817 = arith.subf %get3A_119, %get3A_69 : vector<16xf32>
        %sub3A_818 = arith.subf %get3A_199, %get3A_149 : vector<16xf32>
        %mul3A_819 = arith.mulf %sub3A_817, %sub3A_817 : vector<16xf32>
        %mul3A_820 = arith.mulf %sub3A_818, %sub3A_818 : vector<16xf32>
        %add3A_821 = arith.addf %mul3A_819, %mul3A_820 : vector<16xf32>
        %le3A_822 = arith.constant 4.000000e+00 : f32
        %le3A_823 = vector.broadcast %le3A_822 : f32 to vector<16xf32>
        %le3A_824 = arith.cmpf ole, %add3A_821, %le3A_823 : vector<16xf32>
        %jit3A_825 = arith.constant 0 : i32
        %broadcast_in_dim3A_826 = vector.broadcast %jit3A_825 : i32 to vector<16xi32>
        %select_n3A_827 = arith.select %le3A_824, %sub3A_708, %broadcast_in_dim3A_826 : vector<16xi1>, vector<16xi32>
        %or3A_828 = arith.ori %or3A_681, %select_n3A_827 : vector<16xi32>
        %sub3A_829 = arith.subf %get3A_124, %get3A_69 : vector<16xf32>
        %sub3A_830 = arith.subf %get3A_204, %get3A_149 : vector<16xf32>
        %mul3A_831 = arith.mulf %sub3A_829, %sub3A_829 : vector<16xf32>
        %mul3A_832 = arith.mulf %sub3A_830, %sub3A_830 : vector<16xf32>
        %add3A_833 = arith.addf %mul3A_831, %mul3A_832 : vector<16xf32>
        %le3A_834 = arith.constant 4.000000e+00 : f32
        %le3A_835 = vector.broadcast %le3A_834 : f32 to vector<16xf32>
        %le3A_836 = arith.cmpf ole, %add3A_833, %le3A_835 : vector<16xf32>
        %jit3A_837 = arith.constant 0 : i32
        %broadcast_in_dim3A_838 = vector.broadcast %jit3A_837 : i32 to vector<16xi32>
        %select_n3A_839 = arith.select %le3A_836, %sub3A_708, %broadcast_in_dim3A_838 : vector<16xi1>, vector<16xi32>
        %or3A_840 = arith.ori %or3A_693, %select_n3A_839 : vector<16xi32>
        %sub3A_841 = arith.subf %get3A_129, %get3A_69 : vector<16xf32>
        %sub3A_842 = arith.subf %get3A_209, %get3A_149 : vector<16xf32>
        %mul3A_843 = arith.mulf %sub3A_841, %sub3A_841 : vector<16xf32>
        %mul3A_844 = arith.mulf %sub3A_842, %sub3A_842 : vector<16xf32>
        %add3A_845 = arith.addf %mul3A_843, %mul3A_844 : vector<16xf32>
        %le3A_846 = arith.constant 4.000000e+00 : f32
        %le3A_847 = vector.broadcast %le3A_846 : f32 to vector<16xf32>
        %le3A_848 = arith.cmpf ole, %add3A_845, %le3A_847 : vector<16xf32>
        %jit3A_849 = arith.constant 0 : i32
        %broadcast_in_dim3A_850 = vector.broadcast %jit3A_849 : i32 to vector<16xi32>
        %select_n3A_851 = arith.select %le3A_848, %sub3A_708, %broadcast_in_dim3A_850 : vector<16xi1>, vector<16xi32>
        %or3A_852 = arith.ori %or3A_705, %select_n3A_851 : vector<16xi32>
        %sub3A_853 = arith.constant 1 : i32
        %sub3A_854 = vector.broadcast %sub3A_853 : i32 to vector<16xi32>
        %sub3A_855 = arith.subi %sub3A_854, %or3A_720 : vector<16xi32>
        %sub3A_856 = arith.subf %get3A_79, %get3A_74 : vector<16xf32>
        %sub3A_857 = arith.subf %get3A_159, %get3A_154 : vector<16xf32>
        %mul3A_858 = arith.mulf %sub3A_856, %sub3A_856 : vector<16xf32>
        %mul3A_859 = arith.mulf %sub3A_857, %sub3A_857 : vector<16xf32>
        %add3A_860 = arith.addf %mul3A_858, %mul3A_859 : vector<16xf32>
        %le3A_861 = arith.constant 4.000000e+00 : f32
        %le3A_862 = vector.broadcast %le3A_861 : f32 to vector<16xf32>
        %le3A_863 = arith.cmpf ole, %add3A_860, %le3A_862 : vector<16xf32>
        %jit3A_864 = arith.constant 0 : i32
        %broadcast_in_dim3A_865 = vector.broadcast %jit3A_864 : i32 to vector<16xi32>
        %select_n3A_866 = arith.select %le3A_863, %sub3A_855, %broadcast_in_dim3A_865 : vector<16xi1>, vector<16xi32>
        %or3A_867 = arith.ori %or3A_732, %select_n3A_866 : vector<16xi32>
        %sub3A_868 = arith.subf %get3A_84, %get3A_74 : vector<16xf32>
        %sub3A_869 = arith.subf %get3A_164, %get3A_154 : vector<16xf32>
        %mul3A_870 = arith.mulf %sub3A_868, %sub3A_868 : vector<16xf32>
        %mul3A_871 = arith.mulf %sub3A_869, %sub3A_869 : vector<16xf32>
        %add3A_872 = arith.addf %mul3A_870, %mul3A_871 : vector<16xf32>
        %le3A_873 = arith.constant 4.000000e+00 : f32
        %le3A_874 = vector.broadcast %le3A_873 : f32 to vector<16xf32>
        %le3A_875 = arith.cmpf ole, %add3A_872, %le3A_874 : vector<16xf32>
        %jit3A_876 = arith.constant 0 : i32
        %broadcast_in_dim3A_877 = vector.broadcast %jit3A_876 : i32 to vector<16xi32>
        %select_n3A_878 = arith.select %le3A_875, %sub3A_855, %broadcast_in_dim3A_877 : vector<16xi1>, vector<16xi32>
        %or3A_879 = arith.ori %or3A_744, %select_n3A_878 : vector<16xi32>
        %sub3A_880 = arith.subf %get3A_89, %get3A_74 : vector<16xf32>
        %sub3A_881 = arith.subf %get3A_169, %get3A_154 : vector<16xf32>
        %mul3A_882 = arith.mulf %sub3A_880, %sub3A_880 : vector<16xf32>
        %mul3A_883 = arith.mulf %sub3A_881, %sub3A_881 : vector<16xf32>
        %add3A_884 = arith.addf %mul3A_882, %mul3A_883 : vector<16xf32>
        %le3A_885 = arith.constant 4.000000e+00 : f32
        %le3A_886 = vector.broadcast %le3A_885 : f32 to vector<16xf32>
        %le3A_887 = arith.cmpf ole, %add3A_884, %le3A_886 : vector<16xf32>
        %jit3A_888 = arith.constant 0 : i32
        %broadcast_in_dim3A_889 = vector.broadcast %jit3A_888 : i32 to vector<16xi32>
        %select_n3A_890 = arith.select %le3A_887, %sub3A_855, %broadcast_in_dim3A_889 : vector<16xi1>, vector<16xi32>
        %or3A_891 = arith.ori %or3A_756, %select_n3A_890 : vector<16xi32>
        %sub3A_892 = arith.subf %get3A_94, %get3A_74 : vector<16xf32>
        %sub3A_893 = arith.subf %get3A_174, %get3A_154 : vector<16xf32>
        %mul3A_894 = arith.mulf %sub3A_892, %sub3A_892 : vector<16xf32>
        %mul3A_895 = arith.mulf %sub3A_893, %sub3A_893 : vector<16xf32>
        %add3A_896 = arith.addf %mul3A_894, %mul3A_895 : vector<16xf32>
        %le3A_897 = arith.constant 4.000000e+00 : f32
        %le3A_898 = vector.broadcast %le3A_897 : f32 to vector<16xf32>
        %le3A_899 = arith.cmpf ole, %add3A_896, %le3A_898 : vector<16xf32>
        %jit3A_900 = arith.constant 0 : i32
        %broadcast_in_dim3A_901 = vector.broadcast %jit3A_900 : i32 to vector<16xi32>
        %select_n3A_902 = arith.select %le3A_899, %sub3A_855, %broadcast_in_dim3A_901 : vector<16xi1>, vector<16xi32>
        %or3A_903 = arith.ori %or3A_768, %select_n3A_902 : vector<16xi32>
        %sub3A_904 = arith.subf %get3A_99, %get3A_74 : vector<16xf32>
        %sub3A_905 = arith.subf %get3A_179, %get3A_154 : vector<16xf32>
        %mul3A_906 = arith.mulf %sub3A_904, %sub3A_904 : vector<16xf32>
        %mul3A_907 = arith.mulf %sub3A_905, %sub3A_905 : vector<16xf32>
        %add3A_908 = arith.addf %mul3A_906, %mul3A_907 : vector<16xf32>
        %le3A_909 = arith.constant 4.000000e+00 : f32
        %le3A_910 = vector.broadcast %le3A_909 : f32 to vector<16xf32>
        %le3A_911 = arith.cmpf ole, %add3A_908, %le3A_910 : vector<16xf32>
        %jit3A_912 = arith.constant 0 : i32
        %broadcast_in_dim3A_913 = vector.broadcast %jit3A_912 : i32 to vector<16xi32>
        %select_n3A_914 = arith.select %le3A_911, %sub3A_855, %broadcast_in_dim3A_913 : vector<16xi1>, vector<16xi32>
        %or3A_915 = arith.ori %or3A_780, %select_n3A_914 : vector<16xi32>
        %sub3A_916 = arith.subf %get3A_104, %get3A_74 : vector<16xf32>
        %sub3A_917 = arith.subf %get3A_184, %get3A_154 : vector<16xf32>
        %mul3A_918 = arith.mulf %sub3A_916, %sub3A_916 : vector<16xf32>
        %mul3A_919 = arith.mulf %sub3A_917, %sub3A_917 : vector<16xf32>
        %add3A_920 = arith.addf %mul3A_918, %mul3A_919 : vector<16xf32>
        %le3A_921 = arith.constant 4.000000e+00 : f32
        %le3A_922 = vector.broadcast %le3A_921 : f32 to vector<16xf32>
        %le3A_923 = arith.cmpf ole, %add3A_920, %le3A_922 : vector<16xf32>
        %jit3A_924 = arith.constant 0 : i32
        %broadcast_in_dim3A_925 = vector.broadcast %jit3A_924 : i32 to vector<16xi32>
        %select_n3A_926 = arith.select %le3A_923, %sub3A_855, %broadcast_in_dim3A_925 : vector<16xi1>, vector<16xi32>
        %or3A_927 = arith.ori %or3A_792, %select_n3A_926 : vector<16xi32>
        %sub3A_928 = arith.subf %get3A_109, %get3A_74 : vector<16xf32>
        %sub3A_929 = arith.subf %get3A_189, %get3A_154 : vector<16xf32>
        %mul3A_930 = arith.mulf %sub3A_928, %sub3A_928 : vector<16xf32>
        %mul3A_931 = arith.mulf %sub3A_929, %sub3A_929 : vector<16xf32>
        %add3A_932 = arith.addf %mul3A_930, %mul3A_931 : vector<16xf32>
        %le3A_933 = arith.constant 4.000000e+00 : f32
        %le3A_934 = vector.broadcast %le3A_933 : f32 to vector<16xf32>
        %le3A_935 = arith.cmpf ole, %add3A_932, %le3A_934 : vector<16xf32>
        %jit3A_936 = arith.constant 0 : i32
        %broadcast_in_dim3A_937 = vector.broadcast %jit3A_936 : i32 to vector<16xi32>
        %select_n3A_938 = arith.select %le3A_935, %sub3A_855, %broadcast_in_dim3A_937 : vector<16xi1>, vector<16xi32>
        %or3A_939 = arith.ori %or3A_804, %select_n3A_938 : vector<16xi32>
        %sub3A_940 = arith.subf %get3A_114, %get3A_74 : vector<16xf32>
        %sub3A_941 = arith.subf %get3A_194, %get3A_154 : vector<16xf32>
        %mul3A_942 = arith.mulf %sub3A_940, %sub3A_940 : vector<16xf32>
        %mul3A_943 = arith.mulf %sub3A_941, %sub3A_941 : vector<16xf32>
        %add3A_944 = arith.addf %mul3A_942, %mul3A_943 : vector<16xf32>
        %le3A_945 = arith.constant 4.000000e+00 : f32
        %le3A_946 = vector.broadcast %le3A_945 : f32 to vector<16xf32>
        %le3A_947 = arith.cmpf ole, %add3A_944, %le3A_946 : vector<16xf32>
        %jit3A_948 = arith.constant 0 : i32
        %broadcast_in_dim3A_949 = vector.broadcast %jit3A_948 : i32 to vector<16xi32>
        %select_n3A_950 = arith.select %le3A_947, %sub3A_855, %broadcast_in_dim3A_949 : vector<16xi1>, vector<16xi32>
        %or3A_951 = arith.ori %or3A_816, %select_n3A_950 : vector<16xi32>
        %sub3A_952 = arith.subf %get3A_119, %get3A_74 : vector<16xf32>
        %sub3A_953 = arith.subf %get3A_199, %get3A_154 : vector<16xf32>
        %mul3A_954 = arith.mulf %sub3A_952, %sub3A_952 : vector<16xf32>
        %mul3A_955 = arith.mulf %sub3A_953, %sub3A_953 : vector<16xf32>
        %add3A_956 = arith.addf %mul3A_954, %mul3A_955 : vector<16xf32>
        %le3A_957 = arith.constant 4.000000e+00 : f32
        %le3A_958 = vector.broadcast %le3A_957 : f32 to vector<16xf32>
        %le3A_959 = arith.cmpf ole, %add3A_956, %le3A_958 : vector<16xf32>
        %jit3A_960 = arith.constant 0 : i32
        %broadcast_in_dim3A_961 = vector.broadcast %jit3A_960 : i32 to vector<16xi32>
        %select_n3A_962 = arith.select %le3A_959, %sub3A_855, %broadcast_in_dim3A_961 : vector<16xi1>, vector<16xi32>
        %or3A_963 = arith.ori %or3A_828, %select_n3A_962 : vector<16xi32>
        %sub3A_964 = arith.subf %get3A_124, %get3A_74 : vector<16xf32>
        %sub3A_965 = arith.subf %get3A_204, %get3A_154 : vector<16xf32>
        %mul3A_966 = arith.mulf %sub3A_964, %sub3A_964 : vector<16xf32>
        %mul3A_967 = arith.mulf %sub3A_965, %sub3A_965 : vector<16xf32>
        %add3A_968 = arith.addf %mul3A_966, %mul3A_967 : vector<16xf32>
        %le3A_969 = arith.constant 4.000000e+00 : f32
        %le3A_970 = vector.broadcast %le3A_969 : f32 to vector<16xf32>
        %le3A_971 = arith.cmpf ole, %add3A_968, %le3A_970 : vector<16xf32>
        %jit3A_972 = arith.constant 0 : i32
        %broadcast_in_dim3A_973 = vector.broadcast %jit3A_972 : i32 to vector<16xi32>
        %select_n3A_974 = arith.select %le3A_971, %sub3A_855, %broadcast_in_dim3A_973 : vector<16xi1>, vector<16xi32>
        %or3A_975 = arith.ori %or3A_840, %select_n3A_974 : vector<16xi32>
        %sub3A_976 = arith.subf %get3A_129, %get3A_74 : vector<16xf32>
        %sub3A_977 = arith.subf %get3A_209, %get3A_154 : vector<16xf32>
        %mul3A_978 = arith.mulf %sub3A_976, %sub3A_976 : vector<16xf32>
        %mul3A_979 = arith.mulf %sub3A_977, %sub3A_977 : vector<16xf32>
        %add3A_980 = arith.addf %mul3A_978, %mul3A_979 : vector<16xf32>
        %le3A_981 = arith.constant 4.000000e+00 : f32
        %le3A_982 = vector.broadcast %le3A_981 : f32 to vector<16xf32>
        %le3A_983 = arith.cmpf ole, %add3A_980, %le3A_982 : vector<16xf32>
        %jit3A_984 = arith.constant 0 : i32
        %broadcast_in_dim3A_985 = vector.broadcast %jit3A_984 : i32 to vector<16xi32>
        %select_n3A_986 = arith.select %le3A_983, %sub3A_855, %broadcast_in_dim3A_985 : vector<16xi1>, vector<16xi32>
        %or3A_987 = arith.ori %or3A_852, %select_n3A_986 : vector<16xi32>
        %sub3A_988 = arith.constant 1 : i32
        %sub3A_989 = vector.broadcast %sub3A_988 : i32 to vector<16xi32>
        %sub3A_990 = arith.subi %sub3A_989, %or3A_867 : vector<16xi32>
        %sub3A_991 = arith.subf %get3A_84, %get3A_79 : vector<16xf32>
        %sub3A_992 = arith.subf %get3A_164, %get3A_159 : vector<16xf32>
        %mul3A_993 = arith.mulf %sub3A_991, %sub3A_991 : vector<16xf32>
        %mul3A_994 = arith.mulf %sub3A_992, %sub3A_992 : vector<16xf32>
        %add3A_995 = arith.addf %mul3A_993, %mul3A_994 : vector<16xf32>
        %le3A_996 = arith.constant 4.000000e+00 : f32
        %le3A_997 = vector.broadcast %le3A_996 : f32 to vector<16xf32>
        %le3A_998 = arith.cmpf ole, %add3A_995, %le3A_997 : vector<16xf32>
        %jit3A_999 = arith.constant 0 : i32
        %broadcast_in_dim3A_1000 = vector.broadcast %jit3A_999 : i32 to vector<16xi32>
        %select_n3A_1001 = arith.select %le3A_998, %sub3A_990, %broadcast_in_dim3A_1000 : vector<16xi1>, vector<16xi32>
        %or3A_1002 = arith.ori %or3A_879, %select_n3A_1001 : vector<16xi32>
        %sub3A_1003 = arith.subf %get3A_89, %get3A_79 : vector<16xf32>
        %sub3A_1004 = arith.subf %get3A_169, %get3A_159 : vector<16xf32>
        %mul3A_1005 = arith.mulf %sub3A_1003, %sub3A_1003 : vector<16xf32>
        %mul3A_1006 = arith.mulf %sub3A_1004, %sub3A_1004 : vector<16xf32>
        %add3A_1007 = arith.addf %mul3A_1005, %mul3A_1006 : vector<16xf32>
        %le3A_1008 = arith.constant 4.000000e+00 : f32
        %le3A_1009 = vector.broadcast %le3A_1008 : f32 to vector<16xf32>
        %le3A_1010 = arith.cmpf ole, %add3A_1007, %le3A_1009 : vector<16xf32>
        %jit3A_1011 = arith.constant 0 : i32
        %broadcast_in_dim3A_1012 = vector.broadcast %jit3A_1011 : i32 to vector<16xi32>
        %select_n3A_1013 = arith.select %le3A_1010, %sub3A_990, %broadcast_in_dim3A_1012 : vector<16xi1>, vector<16xi32>
        %or3A_1014 = arith.ori %or3A_891, %select_n3A_1013 : vector<16xi32>
        %sub3A_1015 = arith.subf %get3A_94, %get3A_79 : vector<16xf32>
        %sub3A_1016 = arith.subf %get3A_174, %get3A_159 : vector<16xf32>
        %mul3A_1017 = arith.mulf %sub3A_1015, %sub3A_1015 : vector<16xf32>
        %mul3A_1018 = arith.mulf %sub3A_1016, %sub3A_1016 : vector<16xf32>
        %add3A_1019 = arith.addf %mul3A_1017, %mul3A_1018 : vector<16xf32>
        %le3A_1020 = arith.constant 4.000000e+00 : f32
        %le3A_1021 = vector.broadcast %le3A_1020 : f32 to vector<16xf32>
        %le3A_1022 = arith.cmpf ole, %add3A_1019, %le3A_1021 : vector<16xf32>
        %jit3A_1023 = arith.constant 0 : i32
        %broadcast_in_dim3A_1024 = vector.broadcast %jit3A_1023 : i32 to vector<16xi32>
        %select_n3A_1025 = arith.select %le3A_1022, %sub3A_990, %broadcast_in_dim3A_1024 : vector<16xi1>, vector<16xi32>
        %or3A_1026 = arith.ori %or3A_903, %select_n3A_1025 : vector<16xi32>
        %sub3A_1027 = arith.subf %get3A_99, %get3A_79 : vector<16xf32>
        %sub3A_1028 = arith.subf %get3A_179, %get3A_159 : vector<16xf32>
        %mul3A_1029 = arith.mulf %sub3A_1027, %sub3A_1027 : vector<16xf32>
        %mul3A_1030 = arith.mulf %sub3A_1028, %sub3A_1028 : vector<16xf32>
        %add3A_1031 = arith.addf %mul3A_1029, %mul3A_1030 : vector<16xf32>
        %le3A_1032 = arith.constant 4.000000e+00 : f32
        %le3A_1033 = vector.broadcast %le3A_1032 : f32 to vector<16xf32>
        %le3A_1034 = arith.cmpf ole, %add3A_1031, %le3A_1033 : vector<16xf32>
        %jit3A_1035 = arith.constant 0 : i32
        %broadcast_in_dim3A_1036 = vector.broadcast %jit3A_1035 : i32 to vector<16xi32>
        %select_n3A_1037 = arith.select %le3A_1034, %sub3A_990, %broadcast_in_dim3A_1036 : vector<16xi1>, vector<16xi32>
        %or3A_1038 = arith.ori %or3A_915, %select_n3A_1037 : vector<16xi32>
        %sub3A_1039 = arith.subf %get3A_104, %get3A_79 : vector<16xf32>
        %sub3A_1040 = arith.subf %get3A_184, %get3A_159 : vector<16xf32>
        %mul3A_1041 = arith.mulf %sub3A_1039, %sub3A_1039 : vector<16xf32>
        %mul3A_1042 = arith.mulf %sub3A_1040, %sub3A_1040 : vector<16xf32>
        %add3A_1043 = arith.addf %mul3A_1041, %mul3A_1042 : vector<16xf32>
        %le3A_1044 = arith.constant 4.000000e+00 : f32
        %le3A_1045 = vector.broadcast %le3A_1044 : f32 to vector<16xf32>
        %le3A_1046 = arith.cmpf ole, %add3A_1043, %le3A_1045 : vector<16xf32>
        %jit3A_1047 = arith.constant 0 : i32
        %broadcast_in_dim3A_1048 = vector.broadcast %jit3A_1047 : i32 to vector<16xi32>
        %select_n3A_1049 = arith.select %le3A_1046, %sub3A_990, %broadcast_in_dim3A_1048 : vector<16xi1>, vector<16xi32>
        %or3A_1050 = arith.ori %or3A_927, %select_n3A_1049 : vector<16xi32>
        %sub3A_1051 = arith.subf %get3A_109, %get3A_79 : vector<16xf32>
        %sub3A_1052 = arith.subf %get3A_189, %get3A_159 : vector<16xf32>
        %mul3A_1053 = arith.mulf %sub3A_1051, %sub3A_1051 : vector<16xf32>
        %mul3A_1054 = arith.mulf %sub3A_1052, %sub3A_1052 : vector<16xf32>
        %add3A_1055 = arith.addf %mul3A_1053, %mul3A_1054 : vector<16xf32>
        %le3A_1056 = arith.constant 4.000000e+00 : f32
        %le3A_1057 = vector.broadcast %le3A_1056 : f32 to vector<16xf32>
        %le3A_1058 = arith.cmpf ole, %add3A_1055, %le3A_1057 : vector<16xf32>
        %jit3A_1059 = arith.constant 0 : i32
        %broadcast_in_dim3A_1060 = vector.broadcast %jit3A_1059 : i32 to vector<16xi32>
        %select_n3A_1061 = arith.select %le3A_1058, %sub3A_990, %broadcast_in_dim3A_1060 : vector<16xi1>, vector<16xi32>
        %or3A_1062 = arith.ori %or3A_939, %select_n3A_1061 : vector<16xi32>
        %sub3A_1063 = arith.subf %get3A_114, %get3A_79 : vector<16xf32>
        %sub3A_1064 = arith.subf %get3A_194, %get3A_159 : vector<16xf32>
        %mul3A_1065 = arith.mulf %sub3A_1063, %sub3A_1063 : vector<16xf32>
        %mul3A_1066 = arith.mulf %sub3A_1064, %sub3A_1064 : vector<16xf32>
        %add3A_1067 = arith.addf %mul3A_1065, %mul3A_1066 : vector<16xf32>
        %le3A_1068 = arith.constant 4.000000e+00 : f32
        %le3A_1069 = vector.broadcast %le3A_1068 : f32 to vector<16xf32>
        %le3A_1070 = arith.cmpf ole, %add3A_1067, %le3A_1069 : vector<16xf32>
        %jit3A_1071 = arith.constant 0 : i32
        %broadcast_in_dim3A_1072 = vector.broadcast %jit3A_1071 : i32 to vector<16xi32>
        %select_n3A_1073 = arith.select %le3A_1070, %sub3A_990, %broadcast_in_dim3A_1072 : vector<16xi1>, vector<16xi32>
        %or3A_1074 = arith.ori %or3A_951, %select_n3A_1073 : vector<16xi32>
        %sub3A_1075 = arith.subf %get3A_119, %get3A_79 : vector<16xf32>
        %sub3A_1076 = arith.subf %get3A_199, %get3A_159 : vector<16xf32>
        %mul3A_1077 = arith.mulf %sub3A_1075, %sub3A_1075 : vector<16xf32>
        %mul3A_1078 = arith.mulf %sub3A_1076, %sub3A_1076 : vector<16xf32>
        %add3A_1079 = arith.addf %mul3A_1077, %mul3A_1078 : vector<16xf32>
        %le3A_1080 = arith.constant 4.000000e+00 : f32
        %le3A_1081 = vector.broadcast %le3A_1080 : f32 to vector<16xf32>
        %le3A_1082 = arith.cmpf ole, %add3A_1079, %le3A_1081 : vector<16xf32>
        %jit3A_1083 = arith.constant 0 : i32
        %broadcast_in_dim3A_1084 = vector.broadcast %jit3A_1083 : i32 to vector<16xi32>
        %select_n3A_1085 = arith.select %le3A_1082, %sub3A_990, %broadcast_in_dim3A_1084 : vector<16xi1>, vector<16xi32>
        %or3A_1086 = arith.ori %or3A_963, %select_n3A_1085 : vector<16xi32>
        %sub3A_1087 = arith.subf %get3A_124, %get3A_79 : vector<16xf32>
        %sub3A_1088 = arith.subf %get3A_204, %get3A_159 : vector<16xf32>
        %mul3A_1089 = arith.mulf %sub3A_1087, %sub3A_1087 : vector<16xf32>
        %mul3A_1090 = arith.mulf %sub3A_1088, %sub3A_1088 : vector<16xf32>
        %add3A_1091 = arith.addf %mul3A_1089, %mul3A_1090 : vector<16xf32>
        %le3A_1092 = arith.constant 4.000000e+00 : f32
        %le3A_1093 = vector.broadcast %le3A_1092 : f32 to vector<16xf32>
        %le3A_1094 = arith.cmpf ole, %add3A_1091, %le3A_1093 : vector<16xf32>
        %jit3A_1095 = arith.constant 0 : i32
        %broadcast_in_dim3A_1096 = vector.broadcast %jit3A_1095 : i32 to vector<16xi32>
        %select_n3A_1097 = arith.select %le3A_1094, %sub3A_990, %broadcast_in_dim3A_1096 : vector<16xi1>, vector<16xi32>
        %or3A_1098 = arith.ori %or3A_975, %select_n3A_1097 : vector<16xi32>
        %sub3A_1099 = arith.subf %get3A_129, %get3A_79 : vector<16xf32>
        %sub3A_1100 = arith.subf %get3A_209, %get3A_159 : vector<16xf32>
        %mul3A_1101 = arith.mulf %sub3A_1099, %sub3A_1099 : vector<16xf32>
        %mul3A_1102 = arith.mulf %sub3A_1100, %sub3A_1100 : vector<16xf32>
        %add3A_1103 = arith.addf %mul3A_1101, %mul3A_1102 : vector<16xf32>
        %le3A_1104 = arith.constant 4.000000e+00 : f32
        %le3A_1105 = vector.broadcast %le3A_1104 : f32 to vector<16xf32>
        %le3A_1106 = arith.cmpf ole, %add3A_1103, %le3A_1105 : vector<16xf32>
        %jit3A_1107 = arith.constant 0 : i32
        %broadcast_in_dim3A_1108 = vector.broadcast %jit3A_1107 : i32 to vector<16xi32>
        %select_n3A_1109 = arith.select %le3A_1106, %sub3A_990, %broadcast_in_dim3A_1108 : vector<16xi1>, vector<16xi32>
        %or3A_1110 = arith.ori %or3A_987, %select_n3A_1109 : vector<16xi32>
        %sub3A_1111 = arith.constant 1 : i32
        %sub3A_1112 = vector.broadcast %sub3A_1111 : i32 to vector<16xi32>
        %sub3A_1113 = arith.subi %sub3A_1112, %or3A_1002 : vector<16xi32>
        %sub3A_1114 = arith.subf %get3A_89, %get3A_84 : vector<16xf32>
        %sub3A_1115 = arith.subf %get3A_169, %get3A_164 : vector<16xf32>
        %mul3A_1116 = arith.mulf %sub3A_1114, %sub3A_1114 : vector<16xf32>
        %mul3A_1117 = arith.mulf %sub3A_1115, %sub3A_1115 : vector<16xf32>
        %add3A_1118 = arith.addf %mul3A_1116, %mul3A_1117 : vector<16xf32>
        %le3A_1119 = arith.constant 4.000000e+00 : f32
        %le3A_1120 = vector.broadcast %le3A_1119 : f32 to vector<16xf32>
        %le3A_1121 = arith.cmpf ole, %add3A_1118, %le3A_1120 : vector<16xf32>
        %jit3A_1122 = arith.constant 0 : i32
        %broadcast_in_dim3A_1123 = vector.broadcast %jit3A_1122 : i32 to vector<16xi32>
        %select_n3A_1124 = arith.select %le3A_1121, %sub3A_1113, %broadcast_in_dim3A_1123 : vector<16xi1>, vector<16xi32>
        %or3A_1125 = arith.ori %or3A_1014, %select_n3A_1124 : vector<16xi32>
        %sub3A_1126 = arith.subf %get3A_94, %get3A_84 : vector<16xf32>
        %sub3A_1127 = arith.subf %get3A_174, %get3A_164 : vector<16xf32>
        %mul3A_1128 = arith.mulf %sub3A_1126, %sub3A_1126 : vector<16xf32>
        %mul3A_1129 = arith.mulf %sub3A_1127, %sub3A_1127 : vector<16xf32>
        %add3A_1130 = arith.addf %mul3A_1128, %mul3A_1129 : vector<16xf32>
        %le3A_1131 = arith.constant 4.000000e+00 : f32
        %le3A_1132 = vector.broadcast %le3A_1131 : f32 to vector<16xf32>
        %le3A_1133 = arith.cmpf ole, %add3A_1130, %le3A_1132 : vector<16xf32>
        %jit3A_1134 = arith.constant 0 : i32
        %broadcast_in_dim3A_1135 = vector.broadcast %jit3A_1134 : i32 to vector<16xi32>
        %select_n3A_1136 = arith.select %le3A_1133, %sub3A_1113, %broadcast_in_dim3A_1135 : vector<16xi1>, vector<16xi32>
        %or3A_1137 = arith.ori %or3A_1026, %select_n3A_1136 : vector<16xi32>
        %sub3A_1138 = arith.subf %get3A_99, %get3A_84 : vector<16xf32>
        %sub3A_1139 = arith.subf %get3A_179, %get3A_164 : vector<16xf32>
        %mul3A_1140 = arith.mulf %sub3A_1138, %sub3A_1138 : vector<16xf32>
        %mul3A_1141 = arith.mulf %sub3A_1139, %sub3A_1139 : vector<16xf32>
        %add3A_1142 = arith.addf %mul3A_1140, %mul3A_1141 : vector<16xf32>
        %le3A_1143 = arith.constant 4.000000e+00 : f32
        %le3A_1144 = vector.broadcast %le3A_1143 : f32 to vector<16xf32>
        %le3A_1145 = arith.cmpf ole, %add3A_1142, %le3A_1144 : vector<16xf32>
        %jit3A_1146 = arith.constant 0 : i32
        %broadcast_in_dim3A_1147 = vector.broadcast %jit3A_1146 : i32 to vector<16xi32>
        %select_n3A_1148 = arith.select %le3A_1145, %sub3A_1113, %broadcast_in_dim3A_1147 : vector<16xi1>, vector<16xi32>
        %or3A_1149 = arith.ori %or3A_1038, %select_n3A_1148 : vector<16xi32>
        %sub3A_1150 = arith.subf %get3A_104, %get3A_84 : vector<16xf32>
        %sub3A_1151 = arith.subf %get3A_184, %get3A_164 : vector<16xf32>
        %mul3A_1152 = arith.mulf %sub3A_1150, %sub3A_1150 : vector<16xf32>
        %mul3A_1153 = arith.mulf %sub3A_1151, %sub3A_1151 : vector<16xf32>
        %add3A_1154 = arith.addf %mul3A_1152, %mul3A_1153 : vector<16xf32>
        %le3A_1155 = arith.constant 4.000000e+00 : f32
        %le3A_1156 = vector.broadcast %le3A_1155 : f32 to vector<16xf32>
        %le3A_1157 = arith.cmpf ole, %add3A_1154, %le3A_1156 : vector<16xf32>
        %jit3A_1158 = arith.constant 0 : i32
        %broadcast_in_dim3A_1159 = vector.broadcast %jit3A_1158 : i32 to vector<16xi32>
        %select_n3A_1160 = arith.select %le3A_1157, %sub3A_1113, %broadcast_in_dim3A_1159 : vector<16xi1>, vector<16xi32>
        %or3A_1161 = arith.ori %or3A_1050, %select_n3A_1160 : vector<16xi32>
        %sub3A_1162 = arith.subf %get3A_109, %get3A_84 : vector<16xf32>
        %sub3A_1163 = arith.subf %get3A_189, %get3A_164 : vector<16xf32>
        %mul3A_1164 = arith.mulf %sub3A_1162, %sub3A_1162 : vector<16xf32>
        %mul3A_1165 = arith.mulf %sub3A_1163, %sub3A_1163 : vector<16xf32>
        %add3A_1166 = arith.addf %mul3A_1164, %mul3A_1165 : vector<16xf32>
        %le3A_1167 = arith.constant 4.000000e+00 : f32
        %le3A_1168 = vector.broadcast %le3A_1167 : f32 to vector<16xf32>
        %le3A_1169 = arith.cmpf ole, %add3A_1166, %le3A_1168 : vector<16xf32>
        %jit3A_1170 = arith.constant 0 : i32
        %broadcast_in_dim3A_1171 = vector.broadcast %jit3A_1170 : i32 to vector<16xi32>
        %select_n3A_1172 = arith.select %le3A_1169, %sub3A_1113, %broadcast_in_dim3A_1171 : vector<16xi1>, vector<16xi32>
        %or3A_1173 = arith.ori %or3A_1062, %select_n3A_1172 : vector<16xi32>
        %sub3A_1174 = arith.subf %get3A_114, %get3A_84 : vector<16xf32>
        %sub3A_1175 = arith.subf %get3A_194, %get3A_164 : vector<16xf32>
        %mul3A_1176 = arith.mulf %sub3A_1174, %sub3A_1174 : vector<16xf32>
        %mul3A_1177 = arith.mulf %sub3A_1175, %sub3A_1175 : vector<16xf32>
        %add3A_1178 = arith.addf %mul3A_1176, %mul3A_1177 : vector<16xf32>
        %le3A_1179 = arith.constant 4.000000e+00 : f32
        %le3A_1180 = vector.broadcast %le3A_1179 : f32 to vector<16xf32>
        %le3A_1181 = arith.cmpf ole, %add3A_1178, %le3A_1180 : vector<16xf32>
        %jit3A_1182 = arith.constant 0 : i32
        %broadcast_in_dim3A_1183 = vector.broadcast %jit3A_1182 : i32 to vector<16xi32>
        %select_n3A_1184 = arith.select %le3A_1181, %sub3A_1113, %broadcast_in_dim3A_1183 : vector<16xi1>, vector<16xi32>
        %or3A_1185 = arith.ori %or3A_1074, %select_n3A_1184 : vector<16xi32>
        %sub3A_1186 = arith.subf %get3A_119, %get3A_84 : vector<16xf32>
        %sub3A_1187 = arith.subf %get3A_199, %get3A_164 : vector<16xf32>
        %mul3A_1188 = arith.mulf %sub3A_1186, %sub3A_1186 : vector<16xf32>
        %mul3A_1189 = arith.mulf %sub3A_1187, %sub3A_1187 : vector<16xf32>
        %add3A_1190 = arith.addf %mul3A_1188, %mul3A_1189 : vector<16xf32>
        %le3A_1191 = arith.constant 4.000000e+00 : f32
        %le3A_1192 = vector.broadcast %le3A_1191 : f32 to vector<16xf32>
        %le3A_1193 = arith.cmpf ole, %add3A_1190, %le3A_1192 : vector<16xf32>
        %jit3A_1194 = arith.constant 0 : i32
        %broadcast_in_dim3A_1195 = vector.broadcast %jit3A_1194 : i32 to vector<16xi32>
        %select_n3A_1196 = arith.select %le3A_1193, %sub3A_1113, %broadcast_in_dim3A_1195 : vector<16xi1>, vector<16xi32>
        %or3A_1197 = arith.ori %or3A_1086, %select_n3A_1196 : vector<16xi32>
        %sub3A_1198 = arith.subf %get3A_124, %get3A_84 : vector<16xf32>
        %sub3A_1199 = arith.subf %get3A_204, %get3A_164 : vector<16xf32>
        %mul3A_1200 = arith.mulf %sub3A_1198, %sub3A_1198 : vector<16xf32>
        %mul3A_1201 = arith.mulf %sub3A_1199, %sub3A_1199 : vector<16xf32>
        %add3A_1202 = arith.addf %mul3A_1200, %mul3A_1201 : vector<16xf32>
        %le3A_1203 = arith.constant 4.000000e+00 : f32
        %le3A_1204 = vector.broadcast %le3A_1203 : f32 to vector<16xf32>
        %le3A_1205 = arith.cmpf ole, %add3A_1202, %le3A_1204 : vector<16xf32>
        %jit3A_1206 = arith.constant 0 : i32
        %broadcast_in_dim3A_1207 = vector.broadcast %jit3A_1206 : i32 to vector<16xi32>
        %select_n3A_1208 = arith.select %le3A_1205, %sub3A_1113, %broadcast_in_dim3A_1207 : vector<16xi1>, vector<16xi32>
        %or3A_1209 = arith.ori %or3A_1098, %select_n3A_1208 : vector<16xi32>
        %sub3A_1210 = arith.subf %get3A_129, %get3A_84 : vector<16xf32>
        %sub3A_1211 = arith.subf %get3A_209, %get3A_164 : vector<16xf32>
        %mul3A_1212 = arith.mulf %sub3A_1210, %sub3A_1210 : vector<16xf32>
        %mul3A_1213 = arith.mulf %sub3A_1211, %sub3A_1211 : vector<16xf32>
        %add3A_1214 = arith.addf %mul3A_1212, %mul3A_1213 : vector<16xf32>
        %le3A_1215 = arith.constant 4.000000e+00 : f32
        %le3A_1216 = vector.broadcast %le3A_1215 : f32 to vector<16xf32>
        %le3A_1217 = arith.cmpf ole, %add3A_1214, %le3A_1216 : vector<16xf32>
        %jit3A_1218 = arith.constant 0 : i32
        %broadcast_in_dim3A_1219 = vector.broadcast %jit3A_1218 : i32 to vector<16xi32>
        %select_n3A_1220 = arith.select %le3A_1217, %sub3A_1113, %broadcast_in_dim3A_1219 : vector<16xi1>, vector<16xi32>
        %or3A_1221 = arith.ori %or3A_1110, %select_n3A_1220 : vector<16xi32>
        %sub3A_1222 = arith.constant 1 : i32
        %sub3A_1223 = vector.broadcast %sub3A_1222 : i32 to vector<16xi32>
        %sub3A_1224 = arith.subi %sub3A_1223, %or3A_1125 : vector<16xi32>
        %sub3A_1225 = arith.subf %get3A_94, %get3A_89 : vector<16xf32>
        %sub3A_1226 = arith.subf %get3A_174, %get3A_169 : vector<16xf32>
        %mul3A_1227 = arith.mulf %sub3A_1225, %sub3A_1225 : vector<16xf32>
        %mul3A_1228 = arith.mulf %sub3A_1226, %sub3A_1226 : vector<16xf32>
        %add3A_1229 = arith.addf %mul3A_1227, %mul3A_1228 : vector<16xf32>
        %le3A_1230 = arith.constant 4.000000e+00 : f32
        %le3A_1231 = vector.broadcast %le3A_1230 : f32 to vector<16xf32>
        %le3A_1232 = arith.cmpf ole, %add3A_1229, %le3A_1231 : vector<16xf32>
        %jit3A_1233 = arith.constant 0 : i32
        %broadcast_in_dim3A_1234 = vector.broadcast %jit3A_1233 : i32 to vector<16xi32>
        %select_n3A_1235 = arith.select %le3A_1232, %sub3A_1224, %broadcast_in_dim3A_1234 : vector<16xi1>, vector<16xi32>
        %or3A_1236 = arith.ori %or3A_1137, %select_n3A_1235 : vector<16xi32>
        %sub3A_1237 = arith.subf %get3A_99, %get3A_89 : vector<16xf32>
        %sub3A_1238 = arith.subf %get3A_179, %get3A_169 : vector<16xf32>
        %mul3A_1239 = arith.mulf %sub3A_1237, %sub3A_1237 : vector<16xf32>
        %mul3A_1240 = arith.mulf %sub3A_1238, %sub3A_1238 : vector<16xf32>
        %add3A_1241 = arith.addf %mul3A_1239, %mul3A_1240 : vector<16xf32>
        %le3A_1242 = arith.constant 4.000000e+00 : f32
        %le3A_1243 = vector.broadcast %le3A_1242 : f32 to vector<16xf32>
        %le3A_1244 = arith.cmpf ole, %add3A_1241, %le3A_1243 : vector<16xf32>
        %jit3A_1245 = arith.constant 0 : i32
        %broadcast_in_dim3A_1246 = vector.broadcast %jit3A_1245 : i32 to vector<16xi32>
        %select_n3A_1247 = arith.select %le3A_1244, %sub3A_1224, %broadcast_in_dim3A_1246 : vector<16xi1>, vector<16xi32>
        %or3A_1248 = arith.ori %or3A_1149, %select_n3A_1247 : vector<16xi32>
        %sub3A_1249 = arith.subf %get3A_104, %get3A_89 : vector<16xf32>
        %sub3A_1250 = arith.subf %get3A_184, %get3A_169 : vector<16xf32>
        %mul3A_1251 = arith.mulf %sub3A_1249, %sub3A_1249 : vector<16xf32>
        %mul3A_1252 = arith.mulf %sub3A_1250, %sub3A_1250 : vector<16xf32>
        %add3A_1253 = arith.addf %mul3A_1251, %mul3A_1252 : vector<16xf32>
        %le3A_1254 = arith.constant 4.000000e+00 : f32
        %le3A_1255 = vector.broadcast %le3A_1254 : f32 to vector<16xf32>
        %le3A_1256 = arith.cmpf ole, %add3A_1253, %le3A_1255 : vector<16xf32>
        %jit3A_1257 = arith.constant 0 : i32
        %broadcast_in_dim3A_1258 = vector.broadcast %jit3A_1257 : i32 to vector<16xi32>
        %select_n3A_1259 = arith.select %le3A_1256, %sub3A_1224, %broadcast_in_dim3A_1258 : vector<16xi1>, vector<16xi32>
        %or3A_1260 = arith.ori %or3A_1161, %select_n3A_1259 : vector<16xi32>
        %sub3A_1261 = arith.subf %get3A_109, %get3A_89 : vector<16xf32>
        %sub3A_1262 = arith.subf %get3A_189, %get3A_169 : vector<16xf32>
        %mul3A_1263 = arith.mulf %sub3A_1261, %sub3A_1261 : vector<16xf32>
        %mul3A_1264 = arith.mulf %sub3A_1262, %sub3A_1262 : vector<16xf32>
        %add3A_1265 = arith.addf %mul3A_1263, %mul3A_1264 : vector<16xf32>
        %le3A_1266 = arith.constant 4.000000e+00 : f32
        %le3A_1267 = vector.broadcast %le3A_1266 : f32 to vector<16xf32>
        %le3A_1268 = arith.cmpf ole, %add3A_1265, %le3A_1267 : vector<16xf32>
        %jit3A_1269 = arith.constant 0 : i32
        %broadcast_in_dim3A_1270 = vector.broadcast %jit3A_1269 : i32 to vector<16xi32>
        %select_n3A_1271 = arith.select %le3A_1268, %sub3A_1224, %broadcast_in_dim3A_1270 : vector<16xi1>, vector<16xi32>
        %or3A_1272 = arith.ori %or3A_1173, %select_n3A_1271 : vector<16xi32>
        %sub3A_1273 = arith.subf %get3A_114, %get3A_89 : vector<16xf32>
        %sub3A_1274 = arith.subf %get3A_194, %get3A_169 : vector<16xf32>
        %mul3A_1275 = arith.mulf %sub3A_1273, %sub3A_1273 : vector<16xf32>
        %mul3A_1276 = arith.mulf %sub3A_1274, %sub3A_1274 : vector<16xf32>
        %add3A_1277 = arith.addf %mul3A_1275, %mul3A_1276 : vector<16xf32>
        %le3A_1278 = arith.constant 4.000000e+00 : f32
        %le3A_1279 = vector.broadcast %le3A_1278 : f32 to vector<16xf32>
        %le3A_1280 = arith.cmpf ole, %add3A_1277, %le3A_1279 : vector<16xf32>
        %jit3A_1281 = arith.constant 0 : i32
        %broadcast_in_dim3A_1282 = vector.broadcast %jit3A_1281 : i32 to vector<16xi32>
        %select_n3A_1283 = arith.select %le3A_1280, %sub3A_1224, %broadcast_in_dim3A_1282 : vector<16xi1>, vector<16xi32>
        %or3A_1284 = arith.ori %or3A_1185, %select_n3A_1283 : vector<16xi32>
        %sub3A_1285 = arith.subf %get3A_119, %get3A_89 : vector<16xf32>
        %sub3A_1286 = arith.subf %get3A_199, %get3A_169 : vector<16xf32>
        %mul3A_1287 = arith.mulf %sub3A_1285, %sub3A_1285 : vector<16xf32>
        %mul3A_1288 = arith.mulf %sub3A_1286, %sub3A_1286 : vector<16xf32>
        %add3A_1289 = arith.addf %mul3A_1287, %mul3A_1288 : vector<16xf32>
        %le3A_1290 = arith.constant 4.000000e+00 : f32
        %le3A_1291 = vector.broadcast %le3A_1290 : f32 to vector<16xf32>
        %le3A_1292 = arith.cmpf ole, %add3A_1289, %le3A_1291 : vector<16xf32>
        %jit3A_1293 = arith.constant 0 : i32
        %broadcast_in_dim3A_1294 = vector.broadcast %jit3A_1293 : i32 to vector<16xi32>
        %select_n3A_1295 = arith.select %le3A_1292, %sub3A_1224, %broadcast_in_dim3A_1294 : vector<16xi1>, vector<16xi32>
        %or3A_1296 = arith.ori %or3A_1197, %select_n3A_1295 : vector<16xi32>
        %sub3A_1297 = arith.subf %get3A_124, %get3A_89 : vector<16xf32>
        %sub3A_1298 = arith.subf %get3A_204, %get3A_169 : vector<16xf32>
        %mul3A_1299 = arith.mulf %sub3A_1297, %sub3A_1297 : vector<16xf32>
        %mul3A_1300 = arith.mulf %sub3A_1298, %sub3A_1298 : vector<16xf32>
        %add3A_1301 = arith.addf %mul3A_1299, %mul3A_1300 : vector<16xf32>
        %le3A_1302 = arith.constant 4.000000e+00 : f32
        %le3A_1303 = vector.broadcast %le3A_1302 : f32 to vector<16xf32>
        %le3A_1304 = arith.cmpf ole, %add3A_1301, %le3A_1303 : vector<16xf32>
        %jit3A_1305 = arith.constant 0 : i32
        %broadcast_in_dim3A_1306 = vector.broadcast %jit3A_1305 : i32 to vector<16xi32>
        %select_n3A_1307 = arith.select %le3A_1304, %sub3A_1224, %broadcast_in_dim3A_1306 : vector<16xi1>, vector<16xi32>
        %or3A_1308 = arith.ori %or3A_1209, %select_n3A_1307 : vector<16xi32>
        %sub3A_1309 = arith.subf %get3A_129, %get3A_89 : vector<16xf32>
        %sub3A_1310 = arith.subf %get3A_209, %get3A_169 : vector<16xf32>
        %mul3A_1311 = arith.mulf %sub3A_1309, %sub3A_1309 : vector<16xf32>
        %mul3A_1312 = arith.mulf %sub3A_1310, %sub3A_1310 : vector<16xf32>
        %add3A_1313 = arith.addf %mul3A_1311, %mul3A_1312 : vector<16xf32>
        %le3A_1314 = arith.constant 4.000000e+00 : f32
        %le3A_1315 = vector.broadcast %le3A_1314 : f32 to vector<16xf32>
        %le3A_1316 = arith.cmpf ole, %add3A_1313, %le3A_1315 : vector<16xf32>
        %jit3A_1317 = arith.constant 0 : i32
        %broadcast_in_dim3A_1318 = vector.broadcast %jit3A_1317 : i32 to vector<16xi32>
        %select_n3A_1319 = arith.select %le3A_1316, %sub3A_1224, %broadcast_in_dim3A_1318 : vector<16xi1>, vector<16xi32>
        %or3A_1320 = arith.ori %or3A_1221, %select_n3A_1319 : vector<16xi32>
        %sub3A_1321 = arith.constant 1 : i32
        %sub3A_1322 = vector.broadcast %sub3A_1321 : i32 to vector<16xi32>
        %sub3A_1323 = arith.subi %sub3A_1322, %or3A_1236 : vector<16xi32>
        %sub3A_1324 = arith.subf %get3A_99, %get3A_94 : vector<16xf32>
        %sub3A_1325 = arith.subf %get3A_179, %get3A_174 : vector<16xf32>
        %mul3A_1326 = arith.mulf %sub3A_1324, %sub3A_1324 : vector<16xf32>
        %mul3A_1327 = arith.mulf %sub3A_1325, %sub3A_1325 : vector<16xf32>
        %add3A_1328 = arith.addf %mul3A_1326, %mul3A_1327 : vector<16xf32>
        %le3A_1329 = arith.constant 4.000000e+00 : f32
        %le3A_1330 = vector.broadcast %le3A_1329 : f32 to vector<16xf32>
        %le3A_1331 = arith.cmpf ole, %add3A_1328, %le3A_1330 : vector<16xf32>
        %jit3A_1332 = arith.constant 0 : i32
        %broadcast_in_dim3A_1333 = vector.broadcast %jit3A_1332 : i32 to vector<16xi32>
        %select_n3A_1334 = arith.select %le3A_1331, %sub3A_1323, %broadcast_in_dim3A_1333 : vector<16xi1>, vector<16xi32>
        %or3A_1335 = arith.ori %or3A_1248, %select_n3A_1334 : vector<16xi32>
        %sub3A_1336 = arith.subf %get3A_104, %get3A_94 : vector<16xf32>
        %sub3A_1337 = arith.subf %get3A_184, %get3A_174 : vector<16xf32>
        %mul3A_1338 = arith.mulf %sub3A_1336, %sub3A_1336 : vector<16xf32>
        %mul3A_1339 = arith.mulf %sub3A_1337, %sub3A_1337 : vector<16xf32>
        %add3A_1340 = arith.addf %mul3A_1338, %mul3A_1339 : vector<16xf32>
        %le3A_1341 = arith.constant 4.000000e+00 : f32
        %le3A_1342 = vector.broadcast %le3A_1341 : f32 to vector<16xf32>
        %le3A_1343 = arith.cmpf ole, %add3A_1340, %le3A_1342 : vector<16xf32>
        %jit3A_1344 = arith.constant 0 : i32
        %broadcast_in_dim3A_1345 = vector.broadcast %jit3A_1344 : i32 to vector<16xi32>
        %select_n3A_1346 = arith.select %le3A_1343, %sub3A_1323, %broadcast_in_dim3A_1345 : vector<16xi1>, vector<16xi32>
        %or3A_1347 = arith.ori %or3A_1260, %select_n3A_1346 : vector<16xi32>
        %sub3A_1348 = arith.subf %get3A_109, %get3A_94 : vector<16xf32>
        %sub3A_1349 = arith.subf %get3A_189, %get3A_174 : vector<16xf32>
        %mul3A_1350 = arith.mulf %sub3A_1348, %sub3A_1348 : vector<16xf32>
        %mul3A_1351 = arith.mulf %sub3A_1349, %sub3A_1349 : vector<16xf32>
        %add3A_1352 = arith.addf %mul3A_1350, %mul3A_1351 : vector<16xf32>
        %le3A_1353 = arith.constant 4.000000e+00 : f32
        %le3A_1354 = vector.broadcast %le3A_1353 : f32 to vector<16xf32>
        %le3A_1355 = arith.cmpf ole, %add3A_1352, %le3A_1354 : vector<16xf32>
        %jit3A_1356 = arith.constant 0 : i32
        %broadcast_in_dim3A_1357 = vector.broadcast %jit3A_1356 : i32 to vector<16xi32>
        %select_n3A_1358 = arith.select %le3A_1355, %sub3A_1323, %broadcast_in_dim3A_1357 : vector<16xi1>, vector<16xi32>
        %or3A_1359 = arith.ori %or3A_1272, %select_n3A_1358 : vector<16xi32>
        %sub3A_1360 = arith.subf %get3A_114, %get3A_94 : vector<16xf32>
        %sub3A_1361 = arith.subf %get3A_194, %get3A_174 : vector<16xf32>
        %mul3A_1362 = arith.mulf %sub3A_1360, %sub3A_1360 : vector<16xf32>
        %mul3A_1363 = arith.mulf %sub3A_1361, %sub3A_1361 : vector<16xf32>
        %add3A_1364 = arith.addf %mul3A_1362, %mul3A_1363 : vector<16xf32>
        %le3A_1365 = arith.constant 4.000000e+00 : f32
        %le3A_1366 = vector.broadcast %le3A_1365 : f32 to vector<16xf32>
        %le3A_1367 = arith.cmpf ole, %add3A_1364, %le3A_1366 : vector<16xf32>
        %jit3A_1368 = arith.constant 0 : i32
        %broadcast_in_dim3A_1369 = vector.broadcast %jit3A_1368 : i32 to vector<16xi32>
        %select_n3A_1370 = arith.select %le3A_1367, %sub3A_1323, %broadcast_in_dim3A_1369 : vector<16xi1>, vector<16xi32>
        %or3A_1371 = arith.ori %or3A_1284, %select_n3A_1370 : vector<16xi32>
        %sub3A_1372 = arith.subf %get3A_119, %get3A_94 : vector<16xf32>
        %sub3A_1373 = arith.subf %get3A_199, %get3A_174 : vector<16xf32>
        %mul3A_1374 = arith.mulf %sub3A_1372, %sub3A_1372 : vector<16xf32>
        %mul3A_1375 = arith.mulf %sub3A_1373, %sub3A_1373 : vector<16xf32>
        %add3A_1376 = arith.addf %mul3A_1374, %mul3A_1375 : vector<16xf32>
        %le3A_1377 = arith.constant 4.000000e+00 : f32
        %le3A_1378 = vector.broadcast %le3A_1377 : f32 to vector<16xf32>
        %le3A_1379 = arith.cmpf ole, %add3A_1376, %le3A_1378 : vector<16xf32>
        %jit3A_1380 = arith.constant 0 : i32
        %broadcast_in_dim3A_1381 = vector.broadcast %jit3A_1380 : i32 to vector<16xi32>
        %select_n3A_1382 = arith.select %le3A_1379, %sub3A_1323, %broadcast_in_dim3A_1381 : vector<16xi1>, vector<16xi32>
        %or3A_1383 = arith.ori %or3A_1296, %select_n3A_1382 : vector<16xi32>
        %sub3A_1384 = arith.subf %get3A_124, %get3A_94 : vector<16xf32>
        %sub3A_1385 = arith.subf %get3A_204, %get3A_174 : vector<16xf32>
        %mul3A_1386 = arith.mulf %sub3A_1384, %sub3A_1384 : vector<16xf32>
        %mul3A_1387 = arith.mulf %sub3A_1385, %sub3A_1385 : vector<16xf32>
        %add3A_1388 = arith.addf %mul3A_1386, %mul3A_1387 : vector<16xf32>
        %le3A_1389 = arith.constant 4.000000e+00 : f32
        %le3A_1390 = vector.broadcast %le3A_1389 : f32 to vector<16xf32>
        %le3A_1391 = arith.cmpf ole, %add3A_1388, %le3A_1390 : vector<16xf32>
        %jit3A_1392 = arith.constant 0 : i32
        %broadcast_in_dim3A_1393 = vector.broadcast %jit3A_1392 : i32 to vector<16xi32>
        %select_n3A_1394 = arith.select %le3A_1391, %sub3A_1323, %broadcast_in_dim3A_1393 : vector<16xi1>, vector<16xi32>
        %or3A_1395 = arith.ori %or3A_1308, %select_n3A_1394 : vector<16xi32>
        %sub3A_1396 = arith.subf %get3A_129, %get3A_94 : vector<16xf32>
        %sub3A_1397 = arith.subf %get3A_209, %get3A_174 : vector<16xf32>
        %mul3A_1398 = arith.mulf %sub3A_1396, %sub3A_1396 : vector<16xf32>
        %mul3A_1399 = arith.mulf %sub3A_1397, %sub3A_1397 : vector<16xf32>
        %add3A_1400 = arith.addf %mul3A_1398, %mul3A_1399 : vector<16xf32>
        %le3A_1401 = arith.constant 4.000000e+00 : f32
        %le3A_1402 = vector.broadcast %le3A_1401 : f32 to vector<16xf32>
        %le3A_1403 = arith.cmpf ole, %add3A_1400, %le3A_1402 : vector<16xf32>
        %jit3A_1404 = arith.constant 0 : i32
        %broadcast_in_dim3A_1405 = vector.broadcast %jit3A_1404 : i32 to vector<16xi32>
        %select_n3A_1406 = arith.select %le3A_1403, %sub3A_1323, %broadcast_in_dim3A_1405 : vector<16xi1>, vector<16xi32>
        %or3A_1407 = arith.ori %or3A_1320, %select_n3A_1406 : vector<16xi32>
        %sub3A_1408 = arith.constant 1 : i32
        %sub3A_1409 = vector.broadcast %sub3A_1408 : i32 to vector<16xi32>
        %sub3A_1410 = arith.subi %sub3A_1409, %or3A_1335 : vector<16xi32>
        %sub3A_1411 = arith.subf %get3A_104, %get3A_99 : vector<16xf32>
        %sub3A_1412 = arith.subf %get3A_184, %get3A_179 : vector<16xf32>
        %mul3A_1413 = arith.mulf %sub3A_1411, %sub3A_1411 : vector<16xf32>
        %mul3A_1414 = arith.mulf %sub3A_1412, %sub3A_1412 : vector<16xf32>
        %add3A_1415 = arith.addf %mul3A_1413, %mul3A_1414 : vector<16xf32>
        %le3A_1416 = arith.constant 4.000000e+00 : f32
        %le3A_1417 = vector.broadcast %le3A_1416 : f32 to vector<16xf32>
        %le3A_1418 = arith.cmpf ole, %add3A_1415, %le3A_1417 : vector<16xf32>
        %jit3A_1419 = arith.constant 0 : i32
        %broadcast_in_dim3A_1420 = vector.broadcast %jit3A_1419 : i32 to vector<16xi32>
        %select_n3A_1421 = arith.select %le3A_1418, %sub3A_1410, %broadcast_in_dim3A_1420 : vector<16xi1>, vector<16xi32>
        %or3A_1422 = arith.ori %or3A_1347, %select_n3A_1421 : vector<16xi32>
        %sub3A_1423 = arith.subf %get3A_109, %get3A_99 : vector<16xf32>
        %sub3A_1424 = arith.subf %get3A_189, %get3A_179 : vector<16xf32>
        %mul3A_1425 = arith.mulf %sub3A_1423, %sub3A_1423 : vector<16xf32>
        %mul3A_1426 = arith.mulf %sub3A_1424, %sub3A_1424 : vector<16xf32>
        %add3A_1427 = arith.addf %mul3A_1425, %mul3A_1426 : vector<16xf32>
        %le3A_1428 = arith.constant 4.000000e+00 : f32
        %le3A_1429 = vector.broadcast %le3A_1428 : f32 to vector<16xf32>
        %le3A_1430 = arith.cmpf ole, %add3A_1427, %le3A_1429 : vector<16xf32>
        %jit3A_1431 = arith.constant 0 : i32
        %broadcast_in_dim3A_1432 = vector.broadcast %jit3A_1431 : i32 to vector<16xi32>
        %select_n3A_1433 = arith.select %le3A_1430, %sub3A_1410, %broadcast_in_dim3A_1432 : vector<16xi1>, vector<16xi32>
        %or3A_1434 = arith.ori %or3A_1359, %select_n3A_1433 : vector<16xi32>
        %sub3A_1435 = arith.subf %get3A_114, %get3A_99 : vector<16xf32>
        %sub3A_1436 = arith.subf %get3A_194, %get3A_179 : vector<16xf32>
        %mul3A_1437 = arith.mulf %sub3A_1435, %sub3A_1435 : vector<16xf32>
        %mul3A_1438 = arith.mulf %sub3A_1436, %sub3A_1436 : vector<16xf32>
        %add3A_1439 = arith.addf %mul3A_1437, %mul3A_1438 : vector<16xf32>
        %le3A_1440 = arith.constant 4.000000e+00 : f32
        %le3A_1441 = vector.broadcast %le3A_1440 : f32 to vector<16xf32>
        %le3A_1442 = arith.cmpf ole, %add3A_1439, %le3A_1441 : vector<16xf32>
        %jit3A_1443 = arith.constant 0 : i32
        %broadcast_in_dim3A_1444 = vector.broadcast %jit3A_1443 : i32 to vector<16xi32>
        %select_n3A_1445 = arith.select %le3A_1442, %sub3A_1410, %broadcast_in_dim3A_1444 : vector<16xi1>, vector<16xi32>
        %or3A_1446 = arith.ori %or3A_1371, %select_n3A_1445 : vector<16xi32>
        %sub3A_1447 = arith.subf %get3A_119, %get3A_99 : vector<16xf32>
        %sub3A_1448 = arith.subf %get3A_199, %get3A_179 : vector<16xf32>
        %mul3A_1449 = arith.mulf %sub3A_1447, %sub3A_1447 : vector<16xf32>
        %mul3A_1450 = arith.mulf %sub3A_1448, %sub3A_1448 : vector<16xf32>
        %add3A_1451 = arith.addf %mul3A_1449, %mul3A_1450 : vector<16xf32>
        %le3A_1452 = arith.constant 4.000000e+00 : f32
        %le3A_1453 = vector.broadcast %le3A_1452 : f32 to vector<16xf32>
        %le3A_1454 = arith.cmpf ole, %add3A_1451, %le3A_1453 : vector<16xf32>
        %jit3A_1455 = arith.constant 0 : i32
        %broadcast_in_dim3A_1456 = vector.broadcast %jit3A_1455 : i32 to vector<16xi32>
        %select_n3A_1457 = arith.select %le3A_1454, %sub3A_1410, %broadcast_in_dim3A_1456 : vector<16xi1>, vector<16xi32>
        %or3A_1458 = arith.ori %or3A_1383, %select_n3A_1457 : vector<16xi32>
        %sub3A_1459 = arith.subf %get3A_124, %get3A_99 : vector<16xf32>
        %sub3A_1460 = arith.subf %get3A_204, %get3A_179 : vector<16xf32>
        %mul3A_1461 = arith.mulf %sub3A_1459, %sub3A_1459 : vector<16xf32>
        %mul3A_1462 = arith.mulf %sub3A_1460, %sub3A_1460 : vector<16xf32>
        %add3A_1463 = arith.addf %mul3A_1461, %mul3A_1462 : vector<16xf32>
        %le3A_1464 = arith.constant 4.000000e+00 : f32
        %le3A_1465 = vector.broadcast %le3A_1464 : f32 to vector<16xf32>
        %le3A_1466 = arith.cmpf ole, %add3A_1463, %le3A_1465 : vector<16xf32>
        %jit3A_1467 = arith.constant 0 : i32
        %broadcast_in_dim3A_1468 = vector.broadcast %jit3A_1467 : i32 to vector<16xi32>
        %select_n3A_1469 = arith.select %le3A_1466, %sub3A_1410, %broadcast_in_dim3A_1468 : vector<16xi1>, vector<16xi32>
        %or3A_1470 = arith.ori %or3A_1395, %select_n3A_1469 : vector<16xi32>
        %sub3A_1471 = arith.subf %get3A_129, %get3A_99 : vector<16xf32>
        %sub3A_1472 = arith.subf %get3A_209, %get3A_179 : vector<16xf32>
        %mul3A_1473 = arith.mulf %sub3A_1471, %sub3A_1471 : vector<16xf32>
        %mul3A_1474 = arith.mulf %sub3A_1472, %sub3A_1472 : vector<16xf32>
        %add3A_1475 = arith.addf %mul3A_1473, %mul3A_1474 : vector<16xf32>
        %le3A_1476 = arith.constant 4.000000e+00 : f32
        %le3A_1477 = vector.broadcast %le3A_1476 : f32 to vector<16xf32>
        %le3A_1478 = arith.cmpf ole, %add3A_1475, %le3A_1477 : vector<16xf32>
        %jit3A_1479 = arith.constant 0 : i32
        %broadcast_in_dim3A_1480 = vector.broadcast %jit3A_1479 : i32 to vector<16xi32>
        %select_n3A_1481 = arith.select %le3A_1478, %sub3A_1410, %broadcast_in_dim3A_1480 : vector<16xi1>, vector<16xi32>
        %or3A_1482 = arith.ori %or3A_1407, %select_n3A_1481 : vector<16xi32>
        %sub3A_1483 = arith.constant 1 : i32
        %sub3A_1484 = vector.broadcast %sub3A_1483 : i32 to vector<16xi32>
        %sub3A_1485 = arith.subi %sub3A_1484, %or3A_1422 : vector<16xi32>
        %sub3A_1486 = arith.subf %get3A_109, %get3A_104 : vector<16xf32>
        %sub3A_1487 = arith.subf %get3A_189, %get3A_184 : vector<16xf32>
        %mul3A_1488 = arith.mulf %sub3A_1486, %sub3A_1486 : vector<16xf32>
        %mul3A_1489 = arith.mulf %sub3A_1487, %sub3A_1487 : vector<16xf32>
        %add3A_1490 = arith.addf %mul3A_1488, %mul3A_1489 : vector<16xf32>
        %le3A_1491 = arith.constant 4.000000e+00 : f32
        %le3A_1492 = vector.broadcast %le3A_1491 : f32 to vector<16xf32>
        %le3A_1493 = arith.cmpf ole, %add3A_1490, %le3A_1492 : vector<16xf32>
        %jit3A_1494 = arith.constant 0 : i32
        %broadcast_in_dim3A_1495 = vector.broadcast %jit3A_1494 : i32 to vector<16xi32>
        %select_n3A_1496 = arith.select %le3A_1493, %sub3A_1485, %broadcast_in_dim3A_1495 : vector<16xi1>, vector<16xi32>
        %or3A_1497 = arith.ori %or3A_1434, %select_n3A_1496 : vector<16xi32>
        %sub3A_1498 = arith.subf %get3A_114, %get3A_104 : vector<16xf32>
        %sub3A_1499 = arith.subf %get3A_194, %get3A_184 : vector<16xf32>
        %mul3A_1500 = arith.mulf %sub3A_1498, %sub3A_1498 : vector<16xf32>
        %mul3A_1501 = arith.mulf %sub3A_1499, %sub3A_1499 : vector<16xf32>
        %add3A_1502 = arith.addf %mul3A_1500, %mul3A_1501 : vector<16xf32>
        %le3A_1503 = arith.constant 4.000000e+00 : f32
        %le3A_1504 = vector.broadcast %le3A_1503 : f32 to vector<16xf32>
        %le3A_1505 = arith.cmpf ole, %add3A_1502, %le3A_1504 : vector<16xf32>
        %jit3A_1506 = arith.constant 0 : i32
        %broadcast_in_dim3A_1507 = vector.broadcast %jit3A_1506 : i32 to vector<16xi32>
        %select_n3A_1508 = arith.select %le3A_1505, %sub3A_1485, %broadcast_in_dim3A_1507 : vector<16xi1>, vector<16xi32>
        %or3A_1509 = arith.ori %or3A_1446, %select_n3A_1508 : vector<16xi32>
        %sub3A_1510 = arith.subf %get3A_119, %get3A_104 : vector<16xf32>
        %sub3A_1511 = arith.subf %get3A_199, %get3A_184 : vector<16xf32>
        %mul3A_1512 = arith.mulf %sub3A_1510, %sub3A_1510 : vector<16xf32>
        %mul3A_1513 = arith.mulf %sub3A_1511, %sub3A_1511 : vector<16xf32>
        %add3A_1514 = arith.addf %mul3A_1512, %mul3A_1513 : vector<16xf32>
        %le3A_1515 = arith.constant 4.000000e+00 : f32
        %le3A_1516 = vector.broadcast %le3A_1515 : f32 to vector<16xf32>
        %le3A_1517 = arith.cmpf ole, %add3A_1514, %le3A_1516 : vector<16xf32>
        %jit3A_1518 = arith.constant 0 : i32
        %broadcast_in_dim3A_1519 = vector.broadcast %jit3A_1518 : i32 to vector<16xi32>
        %select_n3A_1520 = arith.select %le3A_1517, %sub3A_1485, %broadcast_in_dim3A_1519 : vector<16xi1>, vector<16xi32>
        %or3A_1521 = arith.ori %or3A_1458, %select_n3A_1520 : vector<16xi32>
        %sub3A_1522 = arith.subf %get3A_124, %get3A_104 : vector<16xf32>
        %sub3A_1523 = arith.subf %get3A_204, %get3A_184 : vector<16xf32>
        %mul3A_1524 = arith.mulf %sub3A_1522, %sub3A_1522 : vector<16xf32>
        %mul3A_1525 = arith.mulf %sub3A_1523, %sub3A_1523 : vector<16xf32>
        %add3A_1526 = arith.addf %mul3A_1524, %mul3A_1525 : vector<16xf32>
        %le3A_1527 = arith.constant 4.000000e+00 : f32
        %le3A_1528 = vector.broadcast %le3A_1527 : f32 to vector<16xf32>
        %le3A_1529 = arith.cmpf ole, %add3A_1526, %le3A_1528 : vector<16xf32>
        %jit3A_1530 = arith.constant 0 : i32
        %broadcast_in_dim3A_1531 = vector.broadcast %jit3A_1530 : i32 to vector<16xi32>
        %select_n3A_1532 = arith.select %le3A_1529, %sub3A_1485, %broadcast_in_dim3A_1531 : vector<16xi1>, vector<16xi32>
        %or3A_1533 = arith.ori %or3A_1470, %select_n3A_1532 : vector<16xi32>
        %sub3A_1534 = arith.subf %get3A_129, %get3A_104 : vector<16xf32>
        %sub3A_1535 = arith.subf %get3A_209, %get3A_184 : vector<16xf32>
        %mul3A_1536 = arith.mulf %sub3A_1534, %sub3A_1534 : vector<16xf32>
        %mul3A_1537 = arith.mulf %sub3A_1535, %sub3A_1535 : vector<16xf32>
        %add3A_1538 = arith.addf %mul3A_1536, %mul3A_1537 : vector<16xf32>
        %le3A_1539 = arith.constant 4.000000e+00 : f32
        %le3A_1540 = vector.broadcast %le3A_1539 : f32 to vector<16xf32>
        %le3A_1541 = arith.cmpf ole, %add3A_1538, %le3A_1540 : vector<16xf32>
        %jit3A_1542 = arith.constant 0 : i32
        %broadcast_in_dim3A_1543 = vector.broadcast %jit3A_1542 : i32 to vector<16xi32>
        %select_n3A_1544 = arith.select %le3A_1541, %sub3A_1485, %broadcast_in_dim3A_1543 : vector<16xi1>, vector<16xi32>
        %or3A_1545 = arith.ori %or3A_1482, %select_n3A_1544 : vector<16xi32>
        %sub3A_1546 = arith.constant 1 : i32
        %sub3A_1547 = vector.broadcast %sub3A_1546 : i32 to vector<16xi32>
        %sub3A_1548 = arith.subi %sub3A_1547, %or3A_1497 : vector<16xi32>
        %sub3A_1549 = arith.subf %get3A_114, %get3A_109 : vector<16xf32>
        %sub3A_1550 = arith.subf %get3A_194, %get3A_189 : vector<16xf32>
        %mul3A_1551 = arith.mulf %sub3A_1549, %sub3A_1549 : vector<16xf32>
        %mul3A_1552 = arith.mulf %sub3A_1550, %sub3A_1550 : vector<16xf32>
        %add3A_1553 = arith.addf %mul3A_1551, %mul3A_1552 : vector<16xf32>
        %le3A_1554 = arith.constant 4.000000e+00 : f32
        %le3A_1555 = vector.broadcast %le3A_1554 : f32 to vector<16xf32>
        %le3A_1556 = arith.cmpf ole, %add3A_1553, %le3A_1555 : vector<16xf32>
        %jit3A_1557 = arith.constant 0 : i32
        %broadcast_in_dim3A_1558 = vector.broadcast %jit3A_1557 : i32 to vector<16xi32>
        %select_n3A_1559 = arith.select %le3A_1556, %sub3A_1548, %broadcast_in_dim3A_1558 : vector<16xi1>, vector<16xi32>
        %or3A_1560 = arith.ori %or3A_1509, %select_n3A_1559 : vector<16xi32>
        %sub3A_1561 = arith.subf %get3A_119, %get3A_109 : vector<16xf32>
        %sub3A_1562 = arith.subf %get3A_199, %get3A_189 : vector<16xf32>
        %mul3A_1563 = arith.mulf %sub3A_1561, %sub3A_1561 : vector<16xf32>
        %mul3A_1564 = arith.mulf %sub3A_1562, %sub3A_1562 : vector<16xf32>
        %add3A_1565 = arith.addf %mul3A_1563, %mul3A_1564 : vector<16xf32>
        %le3A_1566 = arith.constant 4.000000e+00 : f32
        %le3A_1567 = vector.broadcast %le3A_1566 : f32 to vector<16xf32>
        %le3A_1568 = arith.cmpf ole, %add3A_1565, %le3A_1567 : vector<16xf32>
        %jit3A_1569 = arith.constant 0 : i32
        %broadcast_in_dim3A_1570 = vector.broadcast %jit3A_1569 : i32 to vector<16xi32>
        %select_n3A_1571 = arith.select %le3A_1568, %sub3A_1548, %broadcast_in_dim3A_1570 : vector<16xi1>, vector<16xi32>
        %or3A_1572 = arith.ori %or3A_1521, %select_n3A_1571 : vector<16xi32>
        %sub3A_1573 = arith.subf %get3A_124, %get3A_109 : vector<16xf32>
        %sub3A_1574 = arith.subf %get3A_204, %get3A_189 : vector<16xf32>
        %mul3A_1575 = arith.mulf %sub3A_1573, %sub3A_1573 : vector<16xf32>
        %mul3A_1576 = arith.mulf %sub3A_1574, %sub3A_1574 : vector<16xf32>
        %add3A_1577 = arith.addf %mul3A_1575, %mul3A_1576 : vector<16xf32>
        %le3A_1578 = arith.constant 4.000000e+00 : f32
        %le3A_1579 = vector.broadcast %le3A_1578 : f32 to vector<16xf32>
        %le3A_1580 = arith.cmpf ole, %add3A_1577, %le3A_1579 : vector<16xf32>
        %jit3A_1581 = arith.constant 0 : i32
        %broadcast_in_dim3A_1582 = vector.broadcast %jit3A_1581 : i32 to vector<16xi32>
        %select_n3A_1583 = arith.select %le3A_1580, %sub3A_1548, %broadcast_in_dim3A_1582 : vector<16xi1>, vector<16xi32>
        %or3A_1584 = arith.ori %or3A_1533, %select_n3A_1583 : vector<16xi32>
        %sub3A_1585 = arith.subf %get3A_129, %get3A_109 : vector<16xf32>
        %sub3A_1586 = arith.subf %get3A_209, %get3A_189 : vector<16xf32>
        %mul3A_1587 = arith.mulf %sub3A_1585, %sub3A_1585 : vector<16xf32>
        %mul3A_1588 = arith.mulf %sub3A_1586, %sub3A_1586 : vector<16xf32>
        %add3A_1589 = arith.addf %mul3A_1587, %mul3A_1588 : vector<16xf32>
        %le3A_1590 = arith.constant 4.000000e+00 : f32
        %le3A_1591 = vector.broadcast %le3A_1590 : f32 to vector<16xf32>
        %le3A_1592 = arith.cmpf ole, %add3A_1589, %le3A_1591 : vector<16xf32>
        %jit3A_1593 = arith.constant 0 : i32
        %broadcast_in_dim3A_1594 = vector.broadcast %jit3A_1593 : i32 to vector<16xi32>
        %select_n3A_1595 = arith.select %le3A_1592, %sub3A_1548, %broadcast_in_dim3A_1594 : vector<16xi1>, vector<16xi32>
        %or3A_1596 = arith.ori %or3A_1545, %select_n3A_1595 : vector<16xi32>
        %sub3A_1597 = arith.constant 1 : i32
        %sub3A_1598 = vector.broadcast %sub3A_1597 : i32 to vector<16xi32>
        %sub3A_1599 = arith.subi %sub3A_1598, %or3A_1560 : vector<16xi32>
        %sub3A_1600 = arith.subf %get3A_119, %get3A_114 : vector<16xf32>
        %sub3A_1601 = arith.subf %get3A_199, %get3A_194 : vector<16xf32>
        %mul3A_1602 = arith.mulf %sub3A_1600, %sub3A_1600 : vector<16xf32>
        %mul3A_1603 = arith.mulf %sub3A_1601, %sub3A_1601 : vector<16xf32>
        %add3A_1604 = arith.addf %mul3A_1602, %mul3A_1603 : vector<16xf32>
        %le3A_1605 = arith.constant 4.000000e+00 : f32
        %le3A_1606 = vector.broadcast %le3A_1605 : f32 to vector<16xf32>
        %le3A_1607 = arith.cmpf ole, %add3A_1604, %le3A_1606 : vector<16xf32>
        %jit3A_1608 = arith.constant 0 : i32
        %broadcast_in_dim3A_1609 = vector.broadcast %jit3A_1608 : i32 to vector<16xi32>
        %select_n3A_1610 = arith.select %le3A_1607, %sub3A_1599, %broadcast_in_dim3A_1609 : vector<16xi1>, vector<16xi32>
        %or3A_1611 = arith.ori %or3A_1572, %select_n3A_1610 : vector<16xi32>
        %sub3A_1612 = arith.subf %get3A_124, %get3A_114 : vector<16xf32>
        %sub3A_1613 = arith.subf %get3A_204, %get3A_194 : vector<16xf32>
        %mul3A_1614 = arith.mulf %sub3A_1612, %sub3A_1612 : vector<16xf32>
        %mul3A_1615 = arith.mulf %sub3A_1613, %sub3A_1613 : vector<16xf32>
        %add3A_1616 = arith.addf %mul3A_1614, %mul3A_1615 : vector<16xf32>
        %le3A_1617 = arith.constant 4.000000e+00 : f32
        %le3A_1618 = vector.broadcast %le3A_1617 : f32 to vector<16xf32>
        %le3A_1619 = arith.cmpf ole, %add3A_1616, %le3A_1618 : vector<16xf32>
        %jit3A_1620 = arith.constant 0 : i32
        %broadcast_in_dim3A_1621 = vector.broadcast %jit3A_1620 : i32 to vector<16xi32>
        %select_n3A_1622 = arith.select %le3A_1619, %sub3A_1599, %broadcast_in_dim3A_1621 : vector<16xi1>, vector<16xi32>
        %or3A_1623 = arith.ori %or3A_1584, %select_n3A_1622 : vector<16xi32>
        %sub3A_1624 = arith.subf %get3A_129, %get3A_114 : vector<16xf32>
        %sub3A_1625 = arith.subf %get3A_209, %get3A_194 : vector<16xf32>
        %mul3A_1626 = arith.mulf %sub3A_1624, %sub3A_1624 : vector<16xf32>
        %mul3A_1627 = arith.mulf %sub3A_1625, %sub3A_1625 : vector<16xf32>
        %add3A_1628 = arith.addf %mul3A_1626, %mul3A_1627 : vector<16xf32>
        %le3A_1629 = arith.constant 4.000000e+00 : f32
        %le3A_1630 = vector.broadcast %le3A_1629 : f32 to vector<16xf32>
        %le3A_1631 = arith.cmpf ole, %add3A_1628, %le3A_1630 : vector<16xf32>
        %jit3A_1632 = arith.constant 0 : i32
        %broadcast_in_dim3A_1633 = vector.broadcast %jit3A_1632 : i32 to vector<16xi32>
        %select_n3A_1634 = arith.select %le3A_1631, %sub3A_1599, %broadcast_in_dim3A_1633 : vector<16xi1>, vector<16xi32>
        %or3A_1635 = arith.ori %or3A_1596, %select_n3A_1634 : vector<16xi32>
        %sub3A_1636 = arith.constant 1 : i32
        %sub3A_1637 = vector.broadcast %sub3A_1636 : i32 to vector<16xi32>
        %sub3A_1638 = arith.subi %sub3A_1637, %or3A_1611 : vector<16xi32>
        %sub3A_1639 = arith.subf %get3A_124, %get3A_119 : vector<16xf32>
        %sub3A_1640 = arith.subf %get3A_204, %get3A_199 : vector<16xf32>
        %mul3A_1641 = arith.mulf %sub3A_1639, %sub3A_1639 : vector<16xf32>
        %mul3A_1642 = arith.mulf %sub3A_1640, %sub3A_1640 : vector<16xf32>
        %add3A_1643 = arith.addf %mul3A_1641, %mul3A_1642 : vector<16xf32>
        %le3A_1644 = arith.constant 4.000000e+00 : f32
        %le3A_1645 = vector.broadcast %le3A_1644 : f32 to vector<16xf32>
        %le3A_1646 = arith.cmpf ole, %add3A_1643, %le3A_1645 : vector<16xf32>
        %jit3A_1647 = arith.constant 0 : i32
        %broadcast_in_dim3A_1648 = vector.broadcast %jit3A_1647 : i32 to vector<16xi32>
        %select_n3A_1649 = arith.select %le3A_1646, %sub3A_1638, %broadcast_in_dim3A_1648 : vector<16xi1>, vector<16xi32>
        %or3A_1650 = arith.ori %or3A_1623, %select_n3A_1649 : vector<16xi32>
        %sub3A_1651 = arith.subf %get3A_129, %get3A_119 : vector<16xf32>
        %sub3A_1652 = arith.subf %get3A_209, %get3A_199 : vector<16xf32>
        %mul3A_1653 = arith.mulf %sub3A_1651, %sub3A_1651 : vector<16xf32>
        %mul3A_1654 = arith.mulf %sub3A_1652, %sub3A_1652 : vector<16xf32>
        %add3A_1655 = arith.addf %mul3A_1653, %mul3A_1654 : vector<16xf32>
        %le3A_1656 = arith.constant 4.000000e+00 : f32
        %le3A_1657 = vector.broadcast %le3A_1656 : f32 to vector<16xf32>
        %le3A_1658 = arith.cmpf ole, %add3A_1655, %le3A_1657 : vector<16xf32>
        %jit3A_1659 = arith.constant 0 : i32
        %broadcast_in_dim3A_1660 = vector.broadcast %jit3A_1659 : i32 to vector<16xi32>
        %select_n3A_1661 = arith.select %le3A_1658, %sub3A_1638, %broadcast_in_dim3A_1660 : vector<16xi1>, vector<16xi32>
        %or3A_1662 = arith.ori %or3A_1635, %select_n3A_1661 : vector<16xi32>
        %sub3A_1663 = arith.constant 1 : i32
        %sub3A_1664 = vector.broadcast %sub3A_1663 : i32 to vector<16xi32>
        %sub3A_1665 = arith.subi %sub3A_1664, %or3A_1650 : vector<16xi32>
        %sub3A_1666 = arith.subf %get3A_129, %get3A_124 : vector<16xf32>
        %sub3A_1667 = arith.subf %get3A_209, %get3A_204 : vector<16xf32>
        %mul3A_1668 = arith.mulf %sub3A_1666, %sub3A_1666 : vector<16xf32>
        %mul3A_1669 = arith.mulf %sub3A_1667, %sub3A_1667 : vector<16xf32>
        %add3A_1670 = arith.addf %mul3A_1668, %mul3A_1669 : vector<16xf32>
        %le3A_1671 = arith.constant 4.000000e+00 : f32
        %le3A_1672 = vector.broadcast %le3A_1671 : f32 to vector<16xf32>
        %le3A_1673 = arith.cmpf ole, %add3A_1670, %le3A_1672 : vector<16xf32>
        %jit3A_1674 = arith.constant 0 : i32
        %broadcast_in_dim3A_1675 = vector.broadcast %jit3A_1674 : i32 to vector<16xi32>
        %select_n3A_1676 = arith.select %le3A_1673, %sub3A_1665, %broadcast_in_dim3A_1675 : vector<16xi1>, vector<16xi32>
        %or3A_1677 = arith.ori %or3A_1662, %select_n3A_1676 : vector<16xi32>
        %sub3A_1678 = arith.constant 1 : i32
        %sub3A_1679 = vector.broadcast %sub3A_1678 : i32 to vector<16xi32>
        %sub3A_1680 = arith.subi %sub3A_1679, %or3A_1677 : vector<16xi32>
        %add3A_1681 = arith.addi %broadcast_in_dim3A_210, %broadcast_in_dim3A_212 : vector<16xi32>
        %add3A_1682 = arith.addi %add3A_1681, %sub3A_379 : vector<16xi32>
        %add3A_1683 = arith.addi %add3A_1682, %sub3A_549 : vector<16xi32>
        %add3A_1684 = arith.addi %add3A_1683, %sub3A_708 : vector<16xi32>
        %add3A_1685 = arith.addi %add3A_1684, %sub3A_855 : vector<16xi32>
        %add3A_1686 = arith.addi %add3A_1685, %sub3A_990 : vector<16xi32>
        %add3A_1687 = arith.addi %add3A_1686, %sub3A_1113 : vector<16xi32>
        %add3A_1688 = arith.addi %add3A_1687, %sub3A_1224 : vector<16xi32>
        %add3A_1689 = arith.addi %add3A_1688, %sub3A_1323 : vector<16xi32>
        %add3A_1690 = arith.addi %add3A_1689, %sub3A_1410 : vector<16xi32>
        %add3A_1691 = arith.addi %add3A_1690, %sub3A_1485 : vector<16xi32>
        %add3A_1692 = arith.addi %add3A_1691, %sub3A_1548 : vector<16xi32>
        %add3A_1693 = arith.addi %add3A_1692, %sub3A_1599 : vector<16xi32>
        %add3A_1694 = arith.addi %add3A_1693, %sub3A_1638 : vector<16xi32>
        %add3A_1695 = arith.addi %add3A_1694, %sub3A_1665 : vector<16xi32>
        %add3A_1696 = arith.addi %add3A_1695, %sub3A_1680 : vector<16xi32>
        %eq3A_1697 = arith.constant 1 : i32
        %eq3A_1698 = vector.broadcast %eq3A_1697 : i32 to vector<16xi32>
        %eq3A_1699 = arith.cmpi eq, %broadcast_in_dim3A_212, %eq3A_1698 : vector<16xi32>
        %sub3A_1700 = arith.constant 0 : i32
        %sub3A_1701 = vector.broadcast %sub3A_1700 : i32 to vector<16xi32>
        %sub3A_1702 = arith.subi %sub3A_1701, %broadcast_in_dim3A_210 : vector<16xi32>
        %add3A_1703 = arith.addi %add3A_1696, %sub3A_1702 : vector<16xi32>
        %select_n3A_1704 = arith.select %eq3A_1699, %broadcast_in_dim3A_210, %add3A_1703 : vector<16xi1>, vector<16xi32>
        %eq3A_1705 = arith.constant 0 : i32
        %eq3A_1706 = vector.broadcast %eq3A_1705 : i32 to vector<16xi32>
        %eq3A_1707 = arith.cmpi eq, %select_n3A_1704, %eq3A_1706 : vector<16xi32>
        %jit3A_1708 = arith.constant 0 : i32
        %jit3A_1709 = arith.constant 0 : i32
        %broadcast_in_dim3A_1710 = vector.broadcast %jit3A_1708 : i32 to vector<16xi32>
        %broadcast_in_dim3A_1711 = vector.broadcast %jit3A_1709 : i32 to vector<16xi32>
        %select_n3A_1712 = arith.select %eq3A_1707, %broadcast_in_dim3A_1710, %broadcast_in_dim3A_1711 : vector<16xi1>, vector<16xi32>
        %or3A_1713 = arith.ori %broadcast_in_dim3A_210, %select_n3A_1712 : vector<16xi32>
        %eq3A_1714 = arith.constant 1 : i32
        %eq3A_1715 = vector.broadcast %eq3A_1714 : i32 to vector<16xi32>
        %eq3A_1716 = arith.cmpi eq, %select_n3A_1704, %eq3A_1715 : vector<16xi32>
        %jit3A_1717 = arith.constant 0 : i32
        %jit3A_1718 = arith.constant 0 : i32
        %broadcast_in_dim3A_1719 = vector.broadcast %jit3A_1717 : i32 to vector<16xi32>
        %broadcast_in_dim3A_1720 = vector.broadcast %jit3A_1718 : i32 to vector<16xi32>
        %select_n3A_1721 = arith.select %eq3A_1716, %broadcast_in_dim3A_1719, %broadcast_in_dim3A_1720 : vector<16xi1>, vector<16xi32>
        %or3A_1722 = arith.ori %broadcast_in_dim3A_210, %select_n3A_1721 : vector<16xi32>
        %eq3A_1723 = arith.constant 2 : i32
        %eq3A_1724 = vector.broadcast %eq3A_1723 : i32 to vector<16xi32>
        %eq3A_1725 = arith.cmpi eq, %select_n3A_1704, %eq3A_1724 : vector<16xi32>
        %jit3A_1726 = arith.constant 0 : i32
        %jit3A_1727 = arith.constant 0 : i32
        %broadcast_in_dim3A_1728 = vector.broadcast %jit3A_1726 : i32 to vector<16xi32>
        %broadcast_in_dim3A_1729 = vector.broadcast %jit3A_1727 : i32 to vector<16xi32>
        %select_n3A_1730 = arith.select %eq3A_1725, %broadcast_in_dim3A_1728, %broadcast_in_dim3A_1729 : vector<16xi1>, vector<16xi32>
        %or3A_1731 = arith.ori %broadcast_in_dim3A_210, %select_n3A_1730 : vector<16xi32>
        %eq3A_1732 = arith.constant 3 : i32
        %eq3A_1733 = vector.broadcast %eq3A_1732 : i32 to vector<16xi32>
        %eq3A_1734 = arith.cmpi eq, %select_n3A_1704, %eq3A_1733 : vector<16xi32>
        %jit3A_1735 = arith.constant 0 : i32
        %jit3A_1736 = arith.constant 0 : i32
        %broadcast_in_dim3A_1737 = vector.broadcast %jit3A_1735 : i32 to vector<16xi32>
        %broadcast_in_dim3A_1738 = vector.broadcast %jit3A_1736 : i32 to vector<16xi32>
        %select_n3A_1739 = arith.select %eq3A_1734, %broadcast_in_dim3A_1737, %broadcast_in_dim3A_1738 : vector<16xi1>, vector<16xi32>
        %or3A_1740 = arith.ori %broadcast_in_dim3A_210, %select_n3A_1739 : vector<16xi32>
        %eq3A_1741 = arith.constant 1 : i32
        %eq3A_1742 = vector.broadcast %eq3A_1741 : i32 to vector<16xi32>
        %eq3A_1743 = arith.cmpi eq, %sub3A_379, %eq3A_1742 : vector<16xi32>
        %sub3A_1744 = arith.constant 1 : i32
        %sub3A_1745 = vector.broadcast %sub3A_1744 : i32 to vector<16xi32>
        %sub3A_1746 = arith.subi %sub3A_1745, %add3A_1681 : vector<16xi32>
        %add3A_1747 = arith.addi %add3A_1696, %sub3A_1746 : vector<16xi32>
        %select_n3A_1748 = arith.select %eq3A_1743, %add3A_1681, %add3A_1747 : vector<16xi1>, vector<16xi32>
        %eq3A_1749 = arith.constant 0 : i32
        %eq3A_1750 = vector.broadcast %eq3A_1749 : i32 to vector<16xi32>
        %eq3A_1751 = arith.cmpi eq, %select_n3A_1748, %eq3A_1750 : vector<16xi32>
        %jit3A_1752 = arith.constant 1 : i32
        %jit3A_1753 = arith.constant 0 : i32
        %broadcast_in_dim3A_1754 = vector.broadcast %jit3A_1752 : i32 to vector<16xi32>
        %broadcast_in_dim3A_1755 = vector.broadcast %jit3A_1753 : i32 to vector<16xi32>
        %select_n3A_1756 = arith.select %eq3A_1751, %broadcast_in_dim3A_1754, %broadcast_in_dim3A_1755 : vector<16xi1>, vector<16xi32>
        %or3A_1757 = arith.ori %or3A_1713, %select_n3A_1756 : vector<16xi32>
        %eq3A_1758 = arith.constant 1 : i32
        %eq3A_1759 = vector.broadcast %eq3A_1758 : i32 to vector<16xi32>
        %eq3A_1760 = arith.cmpi eq, %select_n3A_1748, %eq3A_1759 : vector<16xi32>
        %jit3A_1761 = arith.constant 1 : i32
        %jit3A_1762 = arith.constant 0 : i32
        %broadcast_in_dim3A_1763 = vector.broadcast %jit3A_1761 : i32 to vector<16xi32>
        %broadcast_in_dim3A_1764 = vector.broadcast %jit3A_1762 : i32 to vector<16xi32>
        %select_n3A_1765 = arith.select %eq3A_1760, %broadcast_in_dim3A_1763, %broadcast_in_dim3A_1764 : vector<16xi1>, vector<16xi32>
        %or3A_1766 = arith.ori %or3A_1722, %select_n3A_1765 : vector<16xi32>
        %eq3A_1767 = arith.constant 2 : i32
        %eq3A_1768 = vector.broadcast %eq3A_1767 : i32 to vector<16xi32>
        %eq3A_1769 = arith.cmpi eq, %select_n3A_1748, %eq3A_1768 : vector<16xi32>
        %jit3A_1770 = arith.constant 1 : i32
        %jit3A_1771 = arith.constant 0 : i32
        %broadcast_in_dim3A_1772 = vector.broadcast %jit3A_1770 : i32 to vector<16xi32>
        %broadcast_in_dim3A_1773 = vector.broadcast %jit3A_1771 : i32 to vector<16xi32>
        %select_n3A_1774 = arith.select %eq3A_1769, %broadcast_in_dim3A_1772, %broadcast_in_dim3A_1773 : vector<16xi1>, vector<16xi32>
        %or3A_1775 = arith.ori %or3A_1731, %select_n3A_1774 : vector<16xi32>
        %eq3A_1776 = arith.constant 3 : i32
        %eq3A_1777 = vector.broadcast %eq3A_1776 : i32 to vector<16xi32>
        %eq3A_1778 = arith.cmpi eq, %select_n3A_1748, %eq3A_1777 : vector<16xi32>
        %jit3A_1779 = arith.constant 1 : i32
        %jit3A_1780 = arith.constant 0 : i32
        %broadcast_in_dim3A_1781 = vector.broadcast %jit3A_1779 : i32 to vector<16xi32>
        %broadcast_in_dim3A_1782 = vector.broadcast %jit3A_1780 : i32 to vector<16xi32>
        %select_n3A_1783 = arith.select %eq3A_1778, %broadcast_in_dim3A_1781, %broadcast_in_dim3A_1782 : vector<16xi1>, vector<16xi32>
        %or3A_1784 = arith.ori %or3A_1740, %select_n3A_1783 : vector<16xi32>
        %eq3A_1785 = arith.constant 1 : i32
        %eq3A_1786 = vector.broadcast %eq3A_1785 : i32 to vector<16xi32>
        %eq3A_1787 = arith.cmpi eq, %sub3A_549, %eq3A_1786 : vector<16xi32>
        %sub3A_1788 = arith.constant 2 : i32
        %sub3A_1789 = vector.broadcast %sub3A_1788 : i32 to vector<16xi32>
        %sub3A_1790 = arith.subi %sub3A_1789, %add3A_1682 : vector<16xi32>
        %add3A_1791 = arith.addi %add3A_1696, %sub3A_1790 : vector<16xi32>
        %select_n3A_1792 = arith.select %eq3A_1787, %add3A_1682, %add3A_1791 : vector<16xi1>, vector<16xi32>
        %eq3A_1793 = arith.constant 0 : i32
        %eq3A_1794 = vector.broadcast %eq3A_1793 : i32 to vector<16xi32>
        %eq3A_1795 = arith.cmpi eq, %select_n3A_1792, %eq3A_1794 : vector<16xi32>
        %jit3A_1796 = arith.constant 2 : i32
        %jit3A_1797 = arith.constant 0 : i32
        %broadcast_in_dim3A_1798 = vector.broadcast %jit3A_1796 : i32 to vector<16xi32>
        %broadcast_in_dim3A_1799 = vector.broadcast %jit3A_1797 : i32 to vector<16xi32>
        %select_n3A_1800 = arith.select %eq3A_1795, %broadcast_in_dim3A_1798, %broadcast_in_dim3A_1799 : vector<16xi1>, vector<16xi32>
        %or3A_1801 = arith.ori %or3A_1757, %select_n3A_1800 : vector<16xi32>
        %eq3A_1802 = arith.constant 1 : i32
        %eq3A_1803 = vector.broadcast %eq3A_1802 : i32 to vector<16xi32>
        %eq3A_1804 = arith.cmpi eq, %select_n3A_1792, %eq3A_1803 : vector<16xi32>
        %jit3A_1805 = arith.constant 2 : i32
        %jit3A_1806 = arith.constant 0 : i32
        %broadcast_in_dim3A_1807 = vector.broadcast %jit3A_1805 : i32 to vector<16xi32>
        %broadcast_in_dim3A_1808 = vector.broadcast %jit3A_1806 : i32 to vector<16xi32>
        %select_n3A_1809 = arith.select %eq3A_1804, %broadcast_in_dim3A_1807, %broadcast_in_dim3A_1808 : vector<16xi1>, vector<16xi32>
        %or3A_1810 = arith.ori %or3A_1766, %select_n3A_1809 : vector<16xi32>
        %eq3A_1811 = arith.constant 2 : i32
        %eq3A_1812 = vector.broadcast %eq3A_1811 : i32 to vector<16xi32>
        %eq3A_1813 = arith.cmpi eq, %select_n3A_1792, %eq3A_1812 : vector<16xi32>
        %jit3A_1814 = arith.constant 2 : i32
        %jit3A_1815 = arith.constant 0 : i32
        %broadcast_in_dim3A_1816 = vector.broadcast %jit3A_1814 : i32 to vector<16xi32>
        %broadcast_in_dim3A_1817 = vector.broadcast %jit3A_1815 : i32 to vector<16xi32>
        %select_n3A_1818 = arith.select %eq3A_1813, %broadcast_in_dim3A_1816, %broadcast_in_dim3A_1817 : vector<16xi1>, vector<16xi32>
        %or3A_1819 = arith.ori %or3A_1775, %select_n3A_1818 : vector<16xi32>
        %eq3A_1820 = arith.constant 3 : i32
        %eq3A_1821 = vector.broadcast %eq3A_1820 : i32 to vector<16xi32>
        %eq3A_1822 = arith.cmpi eq, %select_n3A_1792, %eq3A_1821 : vector<16xi32>
        %jit3A_1823 = arith.constant 2 : i32
        %jit3A_1824 = arith.constant 0 : i32
        %broadcast_in_dim3A_1825 = vector.broadcast %jit3A_1823 : i32 to vector<16xi32>
        %broadcast_in_dim3A_1826 = vector.broadcast %jit3A_1824 : i32 to vector<16xi32>
        %select_n3A_1827 = arith.select %eq3A_1822, %broadcast_in_dim3A_1825, %broadcast_in_dim3A_1826 : vector<16xi1>, vector<16xi32>
        %or3A_1828 = arith.ori %or3A_1784, %select_n3A_1827 : vector<16xi32>
        %eq3A_1829 = arith.constant 1 : i32
        %eq3A_1830 = vector.broadcast %eq3A_1829 : i32 to vector<16xi32>
        %eq3A_1831 = arith.cmpi eq, %sub3A_708, %eq3A_1830 : vector<16xi32>
        %sub3A_1832 = arith.constant 3 : i32
        %sub3A_1833 = vector.broadcast %sub3A_1832 : i32 to vector<16xi32>
        %sub3A_1834 = arith.subi %sub3A_1833, %add3A_1683 : vector<16xi32>
        %add3A_1835 = arith.addi %add3A_1696, %sub3A_1834 : vector<16xi32>
        %select_n3A_1836 = arith.select %eq3A_1831, %add3A_1683, %add3A_1835 : vector<16xi1>, vector<16xi32>
        %eq3A_1837 = arith.constant 0 : i32
        %eq3A_1838 = vector.broadcast %eq3A_1837 : i32 to vector<16xi32>
        %eq3A_1839 = arith.cmpi eq, %select_n3A_1836, %eq3A_1838 : vector<16xi32>
        %jit3A_1840 = arith.constant 3 : i32
        %jit3A_1841 = arith.constant 0 : i32
        %broadcast_in_dim3A_1842 = vector.broadcast %jit3A_1840 : i32 to vector<16xi32>
        %broadcast_in_dim3A_1843 = vector.broadcast %jit3A_1841 : i32 to vector<16xi32>
        %select_n3A_1844 = arith.select %eq3A_1839, %broadcast_in_dim3A_1842, %broadcast_in_dim3A_1843 : vector<16xi1>, vector<16xi32>
        %or3A_1845 = arith.ori %or3A_1801, %select_n3A_1844 : vector<16xi32>
        %eq3A_1846 = arith.constant 1 : i32
        %eq3A_1847 = vector.broadcast %eq3A_1846 : i32 to vector<16xi32>
        %eq3A_1848 = arith.cmpi eq, %select_n3A_1836, %eq3A_1847 : vector<16xi32>
        %jit3A_1849 = arith.constant 3 : i32
        %jit3A_1850 = arith.constant 0 : i32
        %broadcast_in_dim3A_1851 = vector.broadcast %jit3A_1849 : i32 to vector<16xi32>
        %broadcast_in_dim3A_1852 = vector.broadcast %jit3A_1850 : i32 to vector<16xi32>
        %select_n3A_1853 = arith.select %eq3A_1848, %broadcast_in_dim3A_1851, %broadcast_in_dim3A_1852 : vector<16xi1>, vector<16xi32>
        %or3A_1854 = arith.ori %or3A_1810, %select_n3A_1853 : vector<16xi32>
        %eq3A_1855 = arith.constant 2 : i32
        %eq3A_1856 = vector.broadcast %eq3A_1855 : i32 to vector<16xi32>
        %eq3A_1857 = arith.cmpi eq, %select_n3A_1836, %eq3A_1856 : vector<16xi32>
        %jit3A_1858 = arith.constant 3 : i32
        %jit3A_1859 = arith.constant 0 : i32
        %broadcast_in_dim3A_1860 = vector.broadcast %jit3A_1858 : i32 to vector<16xi32>
        %broadcast_in_dim3A_1861 = vector.broadcast %jit3A_1859 : i32 to vector<16xi32>
        %select_n3A_1862 = arith.select %eq3A_1857, %broadcast_in_dim3A_1860, %broadcast_in_dim3A_1861 : vector<16xi1>, vector<16xi32>
        %or3A_1863 = arith.ori %or3A_1819, %select_n3A_1862 : vector<16xi32>
        %eq3A_1864 = arith.constant 3 : i32
        %eq3A_1865 = vector.broadcast %eq3A_1864 : i32 to vector<16xi32>
        %eq3A_1866 = arith.cmpi eq, %select_n3A_1836, %eq3A_1865 : vector<16xi32>
        %jit3A_1867 = arith.constant 3 : i32
        %jit3A_1868 = arith.constant 0 : i32
        %broadcast_in_dim3A_1869 = vector.broadcast %jit3A_1867 : i32 to vector<16xi32>
        %broadcast_in_dim3A_1870 = vector.broadcast %jit3A_1868 : i32 to vector<16xi32>
        %select_n3A_1871 = arith.select %eq3A_1866, %broadcast_in_dim3A_1869, %broadcast_in_dim3A_1870 : vector<16xi1>, vector<16xi32>
        %or3A_1872 = arith.ori %or3A_1828, %select_n3A_1871 : vector<16xi32>
        %eq3A_1873 = arith.constant 1 : i32
        %eq3A_1874 = vector.broadcast %eq3A_1873 : i32 to vector<16xi32>
        %eq3A_1875 = arith.cmpi eq, %sub3A_855, %eq3A_1874 : vector<16xi32>
        %sub3A_1876 = arith.constant 4 : i32
        %sub3A_1877 = vector.broadcast %sub3A_1876 : i32 to vector<16xi32>
        %sub3A_1878 = arith.subi %sub3A_1877, %add3A_1684 : vector<16xi32>
        %add3A_1879 = arith.addi %add3A_1696, %sub3A_1878 : vector<16xi32>
        %select_n3A_1880 = arith.select %eq3A_1875, %add3A_1684, %add3A_1879 : vector<16xi1>, vector<16xi32>
        %eq3A_1881 = arith.constant 0 : i32
        %eq3A_1882 = vector.broadcast %eq3A_1881 : i32 to vector<16xi32>
        %eq3A_1883 = arith.cmpi eq, %select_n3A_1880, %eq3A_1882 : vector<16xi32>
        %jit3A_1884 = arith.constant 4 : i32
        %jit3A_1885 = arith.constant 0 : i32
        %broadcast_in_dim3A_1886 = vector.broadcast %jit3A_1884 : i32 to vector<16xi32>
        %broadcast_in_dim3A_1887 = vector.broadcast %jit3A_1885 : i32 to vector<16xi32>
        %select_n3A_1888 = arith.select %eq3A_1883, %broadcast_in_dim3A_1886, %broadcast_in_dim3A_1887 : vector<16xi1>, vector<16xi32>
        %or3A_1889 = arith.ori %or3A_1845, %select_n3A_1888 : vector<16xi32>
        %eq3A_1890 = arith.constant 1 : i32
        %eq3A_1891 = vector.broadcast %eq3A_1890 : i32 to vector<16xi32>
        %eq3A_1892 = arith.cmpi eq, %select_n3A_1880, %eq3A_1891 : vector<16xi32>
        %jit3A_1893 = arith.constant 4 : i32
        %jit3A_1894 = arith.constant 0 : i32
        %broadcast_in_dim3A_1895 = vector.broadcast %jit3A_1893 : i32 to vector<16xi32>
        %broadcast_in_dim3A_1896 = vector.broadcast %jit3A_1894 : i32 to vector<16xi32>
        %select_n3A_1897 = arith.select %eq3A_1892, %broadcast_in_dim3A_1895, %broadcast_in_dim3A_1896 : vector<16xi1>, vector<16xi32>
        %or3A_1898 = arith.ori %or3A_1854, %select_n3A_1897 : vector<16xi32>
        %eq3A_1899 = arith.constant 2 : i32
        %eq3A_1900 = vector.broadcast %eq3A_1899 : i32 to vector<16xi32>
        %eq3A_1901 = arith.cmpi eq, %select_n3A_1880, %eq3A_1900 : vector<16xi32>
        %jit3A_1902 = arith.constant 4 : i32
        %jit3A_1903 = arith.constant 0 : i32
        %broadcast_in_dim3A_1904 = vector.broadcast %jit3A_1902 : i32 to vector<16xi32>
        %broadcast_in_dim3A_1905 = vector.broadcast %jit3A_1903 : i32 to vector<16xi32>
        %select_n3A_1906 = arith.select %eq3A_1901, %broadcast_in_dim3A_1904, %broadcast_in_dim3A_1905 : vector<16xi1>, vector<16xi32>
        %or3A_1907 = arith.ori %or3A_1863, %select_n3A_1906 : vector<16xi32>
        %eq3A_1908 = arith.constant 3 : i32
        %eq3A_1909 = vector.broadcast %eq3A_1908 : i32 to vector<16xi32>
        %eq3A_1910 = arith.cmpi eq, %select_n3A_1880, %eq3A_1909 : vector<16xi32>
        %jit3A_1911 = arith.constant 4 : i32
        %jit3A_1912 = arith.constant 0 : i32
        %broadcast_in_dim3A_1913 = vector.broadcast %jit3A_1911 : i32 to vector<16xi32>
        %broadcast_in_dim3A_1914 = vector.broadcast %jit3A_1912 : i32 to vector<16xi32>
        %select_n3A_1915 = arith.select %eq3A_1910, %broadcast_in_dim3A_1913, %broadcast_in_dim3A_1914 : vector<16xi1>, vector<16xi32>
        %or3A_1916 = arith.ori %or3A_1872, %select_n3A_1915 : vector<16xi32>
        %eq3A_1917 = arith.constant 1 : i32
        %eq3A_1918 = vector.broadcast %eq3A_1917 : i32 to vector<16xi32>
        %eq3A_1919 = arith.cmpi eq, %sub3A_990, %eq3A_1918 : vector<16xi32>
        %sub3A_1920 = arith.constant 5 : i32
        %sub3A_1921 = vector.broadcast %sub3A_1920 : i32 to vector<16xi32>
        %sub3A_1922 = arith.subi %sub3A_1921, %add3A_1685 : vector<16xi32>
        %add3A_1923 = arith.addi %add3A_1696, %sub3A_1922 : vector<16xi32>
        %select_n3A_1924 = arith.select %eq3A_1919, %add3A_1685, %add3A_1923 : vector<16xi1>, vector<16xi32>
        %eq3A_1925 = arith.constant 0 : i32
        %eq3A_1926 = vector.broadcast %eq3A_1925 : i32 to vector<16xi32>
        %eq3A_1927 = arith.cmpi eq, %select_n3A_1924, %eq3A_1926 : vector<16xi32>
        %jit3A_1928 = arith.constant 5 : i32
        %jit3A_1929 = arith.constant 0 : i32
        %broadcast_in_dim3A_1930 = vector.broadcast %jit3A_1928 : i32 to vector<16xi32>
        %broadcast_in_dim3A_1931 = vector.broadcast %jit3A_1929 : i32 to vector<16xi32>
        %select_n3A_1932 = arith.select %eq3A_1927, %broadcast_in_dim3A_1930, %broadcast_in_dim3A_1931 : vector<16xi1>, vector<16xi32>
        %or3A_1933 = arith.ori %or3A_1889, %select_n3A_1932 : vector<16xi32>
        %eq3A_1934 = arith.constant 1 : i32
        %eq3A_1935 = vector.broadcast %eq3A_1934 : i32 to vector<16xi32>
        %eq3A_1936 = arith.cmpi eq, %select_n3A_1924, %eq3A_1935 : vector<16xi32>
        %jit3A_1937 = arith.constant 5 : i32
        %jit3A_1938 = arith.constant 0 : i32
        %broadcast_in_dim3A_1939 = vector.broadcast %jit3A_1937 : i32 to vector<16xi32>
        %broadcast_in_dim3A_1940 = vector.broadcast %jit3A_1938 : i32 to vector<16xi32>
        %select_n3A_1941 = arith.select %eq3A_1936, %broadcast_in_dim3A_1939, %broadcast_in_dim3A_1940 : vector<16xi1>, vector<16xi32>
        %or3A_1942 = arith.ori %or3A_1898, %select_n3A_1941 : vector<16xi32>
        %eq3A_1943 = arith.constant 2 : i32
        %eq3A_1944 = vector.broadcast %eq3A_1943 : i32 to vector<16xi32>
        %eq3A_1945 = arith.cmpi eq, %select_n3A_1924, %eq3A_1944 : vector<16xi32>
        %jit3A_1946 = arith.constant 5 : i32
        %jit3A_1947 = arith.constant 0 : i32
        %broadcast_in_dim3A_1948 = vector.broadcast %jit3A_1946 : i32 to vector<16xi32>
        %broadcast_in_dim3A_1949 = vector.broadcast %jit3A_1947 : i32 to vector<16xi32>
        %select_n3A_1950 = arith.select %eq3A_1945, %broadcast_in_dim3A_1948, %broadcast_in_dim3A_1949 : vector<16xi1>, vector<16xi32>
        %or3A_1951 = arith.ori %or3A_1907, %select_n3A_1950 : vector<16xi32>
        %eq3A_1952 = arith.constant 3 : i32
        %eq3A_1953 = vector.broadcast %eq3A_1952 : i32 to vector<16xi32>
        %eq3A_1954 = arith.cmpi eq, %select_n3A_1924, %eq3A_1953 : vector<16xi32>
        %jit3A_1955 = arith.constant 5 : i32
        %jit3A_1956 = arith.constant 0 : i32
        %broadcast_in_dim3A_1957 = vector.broadcast %jit3A_1955 : i32 to vector<16xi32>
        %broadcast_in_dim3A_1958 = vector.broadcast %jit3A_1956 : i32 to vector<16xi32>
        %select_n3A_1959 = arith.select %eq3A_1954, %broadcast_in_dim3A_1957, %broadcast_in_dim3A_1958 : vector<16xi1>, vector<16xi32>
        %or3A_1960 = arith.ori %or3A_1916, %select_n3A_1959 : vector<16xi32>
        %eq3A_1961 = arith.constant 1 : i32
        %eq3A_1962 = vector.broadcast %eq3A_1961 : i32 to vector<16xi32>
        %eq3A_1963 = arith.cmpi eq, %sub3A_1113, %eq3A_1962 : vector<16xi32>
        %sub3A_1964 = arith.constant 6 : i32
        %sub3A_1965 = vector.broadcast %sub3A_1964 : i32 to vector<16xi32>
        %sub3A_1966 = arith.subi %sub3A_1965, %add3A_1686 : vector<16xi32>
        %add3A_1967 = arith.addi %add3A_1696, %sub3A_1966 : vector<16xi32>
        %select_n3A_1968 = arith.select %eq3A_1963, %add3A_1686, %add3A_1967 : vector<16xi1>, vector<16xi32>
        %eq3A_1969 = arith.constant 0 : i32
        %eq3A_1970 = vector.broadcast %eq3A_1969 : i32 to vector<16xi32>
        %eq3A_1971 = arith.cmpi eq, %select_n3A_1968, %eq3A_1970 : vector<16xi32>
        %jit3A_1972 = arith.constant 6 : i32
        %jit3A_1973 = arith.constant 0 : i32
        %broadcast_in_dim3A_1974 = vector.broadcast %jit3A_1972 : i32 to vector<16xi32>
        %broadcast_in_dim3A_1975 = vector.broadcast %jit3A_1973 : i32 to vector<16xi32>
        %select_n3A_1976 = arith.select %eq3A_1971, %broadcast_in_dim3A_1974, %broadcast_in_dim3A_1975 : vector<16xi1>, vector<16xi32>
        %or3A_1977 = arith.ori %or3A_1933, %select_n3A_1976 : vector<16xi32>
        %eq3A_1978 = arith.constant 1 : i32
        %eq3A_1979 = vector.broadcast %eq3A_1978 : i32 to vector<16xi32>
        %eq3A_1980 = arith.cmpi eq, %select_n3A_1968, %eq3A_1979 : vector<16xi32>
        %jit3A_1981 = arith.constant 6 : i32
        %jit3A_1982 = arith.constant 0 : i32
        %broadcast_in_dim3A_1983 = vector.broadcast %jit3A_1981 : i32 to vector<16xi32>
        %broadcast_in_dim3A_1984 = vector.broadcast %jit3A_1982 : i32 to vector<16xi32>
        %select_n3A_1985 = arith.select %eq3A_1980, %broadcast_in_dim3A_1983, %broadcast_in_dim3A_1984 : vector<16xi1>, vector<16xi32>
        %or3A_1986 = arith.ori %or3A_1942, %select_n3A_1985 : vector<16xi32>
        %eq3A_1987 = arith.constant 2 : i32
        %eq3A_1988 = vector.broadcast %eq3A_1987 : i32 to vector<16xi32>
        %eq3A_1989 = arith.cmpi eq, %select_n3A_1968, %eq3A_1988 : vector<16xi32>
        %jit3A_1990 = arith.constant 6 : i32
        %jit3A_1991 = arith.constant 0 : i32
        %broadcast_in_dim3A_1992 = vector.broadcast %jit3A_1990 : i32 to vector<16xi32>
        %broadcast_in_dim3A_1993 = vector.broadcast %jit3A_1991 : i32 to vector<16xi32>
        %select_n3A_1994 = arith.select %eq3A_1989, %broadcast_in_dim3A_1992, %broadcast_in_dim3A_1993 : vector<16xi1>, vector<16xi32>
        %or3A_1995 = arith.ori %or3A_1951, %select_n3A_1994 : vector<16xi32>
        %eq3A_1996 = arith.constant 3 : i32
        %eq3A_1997 = vector.broadcast %eq3A_1996 : i32 to vector<16xi32>
        %eq3A_1998 = arith.cmpi eq, %select_n3A_1968, %eq3A_1997 : vector<16xi32>
        %jit3A_1999 = arith.constant 6 : i32
        %jit3A_2000 = arith.constant 0 : i32
        %broadcast_in_dim3A_2001 = vector.broadcast %jit3A_1999 : i32 to vector<16xi32>
        %broadcast_in_dim3A_2002 = vector.broadcast %jit3A_2000 : i32 to vector<16xi32>
        %select_n3A_2003 = arith.select %eq3A_1998, %broadcast_in_dim3A_2001, %broadcast_in_dim3A_2002 : vector<16xi1>, vector<16xi32>
        %or3A_2004 = arith.ori %or3A_1960, %select_n3A_2003 : vector<16xi32>
        %eq3A_2005 = arith.constant 1 : i32
        %eq3A_2006 = vector.broadcast %eq3A_2005 : i32 to vector<16xi32>
        %eq3A_2007 = arith.cmpi eq, %sub3A_1224, %eq3A_2006 : vector<16xi32>
        %sub3A_2008 = arith.constant 7 : i32
        %sub3A_2009 = vector.broadcast %sub3A_2008 : i32 to vector<16xi32>
        %sub3A_2010 = arith.subi %sub3A_2009, %add3A_1687 : vector<16xi32>
        %add3A_2011 = arith.addi %add3A_1696, %sub3A_2010 : vector<16xi32>
        %select_n3A_2012 = arith.select %eq3A_2007, %add3A_1687, %add3A_2011 : vector<16xi1>, vector<16xi32>
        %eq3A_2013 = arith.constant 0 : i32
        %eq3A_2014 = vector.broadcast %eq3A_2013 : i32 to vector<16xi32>
        %eq3A_2015 = arith.cmpi eq, %select_n3A_2012, %eq3A_2014 : vector<16xi32>
        %jit3A_2016 = arith.constant 7 : i32
        %jit3A_2017 = arith.constant 0 : i32
        %broadcast_in_dim3A_2018 = vector.broadcast %jit3A_2016 : i32 to vector<16xi32>
        %broadcast_in_dim3A_2019 = vector.broadcast %jit3A_2017 : i32 to vector<16xi32>
        %select_n3A_2020 = arith.select %eq3A_2015, %broadcast_in_dim3A_2018, %broadcast_in_dim3A_2019 : vector<16xi1>, vector<16xi32>
        %or3A_2021 = arith.ori %or3A_1977, %select_n3A_2020 : vector<16xi32>
        %eq3A_2022 = arith.constant 1 : i32
        %eq3A_2023 = vector.broadcast %eq3A_2022 : i32 to vector<16xi32>
        %eq3A_2024 = arith.cmpi eq, %select_n3A_2012, %eq3A_2023 : vector<16xi32>
        %jit3A_2025 = arith.constant 7 : i32
        %jit3A_2026 = arith.constant 0 : i32
        %broadcast_in_dim3A_2027 = vector.broadcast %jit3A_2025 : i32 to vector<16xi32>
        %broadcast_in_dim3A_2028 = vector.broadcast %jit3A_2026 : i32 to vector<16xi32>
        %select_n3A_2029 = arith.select %eq3A_2024, %broadcast_in_dim3A_2027, %broadcast_in_dim3A_2028 : vector<16xi1>, vector<16xi32>
        %or3A_2030 = arith.ori %or3A_1986, %select_n3A_2029 : vector<16xi32>
        %eq3A_2031 = arith.constant 2 : i32
        %eq3A_2032 = vector.broadcast %eq3A_2031 : i32 to vector<16xi32>
        %eq3A_2033 = arith.cmpi eq, %select_n3A_2012, %eq3A_2032 : vector<16xi32>
        %jit3A_2034 = arith.constant 7 : i32
        %jit3A_2035 = arith.constant 0 : i32
        %broadcast_in_dim3A_2036 = vector.broadcast %jit3A_2034 : i32 to vector<16xi32>
        %broadcast_in_dim3A_2037 = vector.broadcast %jit3A_2035 : i32 to vector<16xi32>
        %select_n3A_2038 = arith.select %eq3A_2033, %broadcast_in_dim3A_2036, %broadcast_in_dim3A_2037 : vector<16xi1>, vector<16xi32>
        %or3A_2039 = arith.ori %or3A_1995, %select_n3A_2038 : vector<16xi32>
        %eq3A_2040 = arith.constant 3 : i32
        %eq3A_2041 = vector.broadcast %eq3A_2040 : i32 to vector<16xi32>
        %eq3A_2042 = arith.cmpi eq, %select_n3A_2012, %eq3A_2041 : vector<16xi32>
        %jit3A_2043 = arith.constant 7 : i32
        %jit3A_2044 = arith.constant 0 : i32
        %broadcast_in_dim3A_2045 = vector.broadcast %jit3A_2043 : i32 to vector<16xi32>
        %broadcast_in_dim3A_2046 = vector.broadcast %jit3A_2044 : i32 to vector<16xi32>
        %select_n3A_2047 = arith.select %eq3A_2042, %broadcast_in_dim3A_2045, %broadcast_in_dim3A_2046 : vector<16xi1>, vector<16xi32>
        %or3A_2048 = arith.ori %or3A_2004, %select_n3A_2047 : vector<16xi32>
        %eq3A_2049 = arith.constant 1 : i32
        %eq3A_2050 = vector.broadcast %eq3A_2049 : i32 to vector<16xi32>
        %eq3A_2051 = arith.cmpi eq, %sub3A_1323, %eq3A_2050 : vector<16xi32>
        %sub3A_2052 = arith.constant 8 : i32
        %sub3A_2053 = vector.broadcast %sub3A_2052 : i32 to vector<16xi32>
        %sub3A_2054 = arith.subi %sub3A_2053, %add3A_1688 : vector<16xi32>
        %add3A_2055 = arith.addi %add3A_1696, %sub3A_2054 : vector<16xi32>
        %select_n3A_2056 = arith.select %eq3A_2051, %add3A_1688, %add3A_2055 : vector<16xi1>, vector<16xi32>
        %eq3A_2057 = arith.constant 0 : i32
        %eq3A_2058 = vector.broadcast %eq3A_2057 : i32 to vector<16xi32>
        %eq3A_2059 = arith.cmpi eq, %select_n3A_2056, %eq3A_2058 : vector<16xi32>
        %jit3A_2060 = arith.constant 8 : i32
        %jit3A_2061 = arith.constant 0 : i32
        %broadcast_in_dim3A_2062 = vector.broadcast %jit3A_2060 : i32 to vector<16xi32>
        %broadcast_in_dim3A_2063 = vector.broadcast %jit3A_2061 : i32 to vector<16xi32>
        %select_n3A_2064 = arith.select %eq3A_2059, %broadcast_in_dim3A_2062, %broadcast_in_dim3A_2063 : vector<16xi1>, vector<16xi32>
        %or3A_2065 = arith.ori %or3A_2021, %select_n3A_2064 : vector<16xi32>
        %eq3A_2066 = arith.constant 1 : i32
        %eq3A_2067 = vector.broadcast %eq3A_2066 : i32 to vector<16xi32>
        %eq3A_2068 = arith.cmpi eq, %select_n3A_2056, %eq3A_2067 : vector<16xi32>
        %jit3A_2069 = arith.constant 8 : i32
        %jit3A_2070 = arith.constant 0 : i32
        %broadcast_in_dim3A_2071 = vector.broadcast %jit3A_2069 : i32 to vector<16xi32>
        %broadcast_in_dim3A_2072 = vector.broadcast %jit3A_2070 : i32 to vector<16xi32>
        %select_n3A_2073 = arith.select %eq3A_2068, %broadcast_in_dim3A_2071, %broadcast_in_dim3A_2072 : vector<16xi1>, vector<16xi32>
        %or3A_2074 = arith.ori %or3A_2030, %select_n3A_2073 : vector<16xi32>
        %eq3A_2075 = arith.constant 2 : i32
        %eq3A_2076 = vector.broadcast %eq3A_2075 : i32 to vector<16xi32>
        %eq3A_2077 = arith.cmpi eq, %select_n3A_2056, %eq3A_2076 : vector<16xi32>
        %jit3A_2078 = arith.constant 8 : i32
        %jit3A_2079 = arith.constant 0 : i32
        %broadcast_in_dim3A_2080 = vector.broadcast %jit3A_2078 : i32 to vector<16xi32>
        %broadcast_in_dim3A_2081 = vector.broadcast %jit3A_2079 : i32 to vector<16xi32>
        %select_n3A_2082 = arith.select %eq3A_2077, %broadcast_in_dim3A_2080, %broadcast_in_dim3A_2081 : vector<16xi1>, vector<16xi32>
        %or3A_2083 = arith.ori %or3A_2039, %select_n3A_2082 : vector<16xi32>
        %eq3A_2084 = arith.constant 3 : i32
        %eq3A_2085 = vector.broadcast %eq3A_2084 : i32 to vector<16xi32>
        %eq3A_2086 = arith.cmpi eq, %select_n3A_2056, %eq3A_2085 : vector<16xi32>
        %jit3A_2087 = arith.constant 8 : i32
        %jit3A_2088 = arith.constant 0 : i32
        %broadcast_in_dim3A_2089 = vector.broadcast %jit3A_2087 : i32 to vector<16xi32>
        %broadcast_in_dim3A_2090 = vector.broadcast %jit3A_2088 : i32 to vector<16xi32>
        %select_n3A_2091 = arith.select %eq3A_2086, %broadcast_in_dim3A_2089, %broadcast_in_dim3A_2090 : vector<16xi1>, vector<16xi32>
        %or3A_2092 = arith.ori %or3A_2048, %select_n3A_2091 : vector<16xi32>
        %eq3A_2093 = arith.constant 1 : i32
        %eq3A_2094 = vector.broadcast %eq3A_2093 : i32 to vector<16xi32>
        %eq3A_2095 = arith.cmpi eq, %sub3A_1410, %eq3A_2094 : vector<16xi32>
        %sub3A_2096 = arith.constant 9 : i32
        %sub3A_2097 = vector.broadcast %sub3A_2096 : i32 to vector<16xi32>
        %sub3A_2098 = arith.subi %sub3A_2097, %add3A_1689 : vector<16xi32>
        %add3A_2099 = arith.addi %add3A_1696, %sub3A_2098 : vector<16xi32>
        %select_n3A_2100 = arith.select %eq3A_2095, %add3A_1689, %add3A_2099 : vector<16xi1>, vector<16xi32>
        %eq3A_2101 = arith.constant 0 : i32
        %eq3A_2102 = vector.broadcast %eq3A_2101 : i32 to vector<16xi32>
        %eq3A_2103 = arith.cmpi eq, %select_n3A_2100, %eq3A_2102 : vector<16xi32>
        %jit3A_2104 = arith.constant 9 : i32
        %jit3A_2105 = arith.constant 0 : i32
        %broadcast_in_dim3A_2106 = vector.broadcast %jit3A_2104 : i32 to vector<16xi32>
        %broadcast_in_dim3A_2107 = vector.broadcast %jit3A_2105 : i32 to vector<16xi32>
        %select_n3A_2108 = arith.select %eq3A_2103, %broadcast_in_dim3A_2106, %broadcast_in_dim3A_2107 : vector<16xi1>, vector<16xi32>
        %or3A_2109 = arith.ori %or3A_2065, %select_n3A_2108 : vector<16xi32>
        %eq3A_2110 = arith.constant 1 : i32
        %eq3A_2111 = vector.broadcast %eq3A_2110 : i32 to vector<16xi32>
        %eq3A_2112 = arith.cmpi eq, %select_n3A_2100, %eq3A_2111 : vector<16xi32>
        %jit3A_2113 = arith.constant 9 : i32
        %jit3A_2114 = arith.constant 0 : i32
        %broadcast_in_dim3A_2115 = vector.broadcast %jit3A_2113 : i32 to vector<16xi32>
        %broadcast_in_dim3A_2116 = vector.broadcast %jit3A_2114 : i32 to vector<16xi32>
        %select_n3A_2117 = arith.select %eq3A_2112, %broadcast_in_dim3A_2115, %broadcast_in_dim3A_2116 : vector<16xi1>, vector<16xi32>
        %or3A_2118 = arith.ori %or3A_2074, %select_n3A_2117 : vector<16xi32>
        %eq3A_2119 = arith.constant 2 : i32
        %eq3A_2120 = vector.broadcast %eq3A_2119 : i32 to vector<16xi32>
        %eq3A_2121 = arith.cmpi eq, %select_n3A_2100, %eq3A_2120 : vector<16xi32>
        %jit3A_2122 = arith.constant 9 : i32
        %jit3A_2123 = arith.constant 0 : i32
        %broadcast_in_dim3A_2124 = vector.broadcast %jit3A_2122 : i32 to vector<16xi32>
        %broadcast_in_dim3A_2125 = vector.broadcast %jit3A_2123 : i32 to vector<16xi32>
        %select_n3A_2126 = arith.select %eq3A_2121, %broadcast_in_dim3A_2124, %broadcast_in_dim3A_2125 : vector<16xi1>, vector<16xi32>
        %or3A_2127 = arith.ori %or3A_2083, %select_n3A_2126 : vector<16xi32>
        %eq3A_2128 = arith.constant 3 : i32
        %eq3A_2129 = vector.broadcast %eq3A_2128 : i32 to vector<16xi32>
        %eq3A_2130 = arith.cmpi eq, %select_n3A_2100, %eq3A_2129 : vector<16xi32>
        %jit3A_2131 = arith.constant 9 : i32
        %jit3A_2132 = arith.constant 0 : i32
        %broadcast_in_dim3A_2133 = vector.broadcast %jit3A_2131 : i32 to vector<16xi32>
        %broadcast_in_dim3A_2134 = vector.broadcast %jit3A_2132 : i32 to vector<16xi32>
        %select_n3A_2135 = arith.select %eq3A_2130, %broadcast_in_dim3A_2133, %broadcast_in_dim3A_2134 : vector<16xi1>, vector<16xi32>
        %or3A_2136 = arith.ori %or3A_2092, %select_n3A_2135 : vector<16xi32>
        %eq3A_2137 = arith.constant 1 : i32
        %eq3A_2138 = vector.broadcast %eq3A_2137 : i32 to vector<16xi32>
        %eq3A_2139 = arith.cmpi eq, %sub3A_1485, %eq3A_2138 : vector<16xi32>
        %sub3A_2140 = arith.constant 10 : i32
        %sub3A_2141 = vector.broadcast %sub3A_2140 : i32 to vector<16xi32>
        %sub3A_2142 = arith.subi %sub3A_2141, %add3A_1690 : vector<16xi32>
        %add3A_2143 = arith.addi %add3A_1696, %sub3A_2142 : vector<16xi32>
        %select_n3A_2144 = arith.select %eq3A_2139, %add3A_1690, %add3A_2143 : vector<16xi1>, vector<16xi32>
        %eq3A_2145 = arith.constant 0 : i32
        %eq3A_2146 = vector.broadcast %eq3A_2145 : i32 to vector<16xi32>
        %eq3A_2147 = arith.cmpi eq, %select_n3A_2144, %eq3A_2146 : vector<16xi32>
        %jit3A_2148 = arith.constant 10 : i32
        %jit3A_2149 = arith.constant 0 : i32
        %broadcast_in_dim3A_2150 = vector.broadcast %jit3A_2148 : i32 to vector<16xi32>
        %broadcast_in_dim3A_2151 = vector.broadcast %jit3A_2149 : i32 to vector<16xi32>
        %select_n3A_2152 = arith.select %eq3A_2147, %broadcast_in_dim3A_2150, %broadcast_in_dim3A_2151 : vector<16xi1>, vector<16xi32>
        %or3A_2153 = arith.ori %or3A_2109, %select_n3A_2152 : vector<16xi32>
        %eq3A_2154 = arith.constant 1 : i32
        %eq3A_2155 = vector.broadcast %eq3A_2154 : i32 to vector<16xi32>
        %eq3A_2156 = arith.cmpi eq, %select_n3A_2144, %eq3A_2155 : vector<16xi32>
        %jit3A_2157 = arith.constant 10 : i32
        %jit3A_2158 = arith.constant 0 : i32
        %broadcast_in_dim3A_2159 = vector.broadcast %jit3A_2157 : i32 to vector<16xi32>
        %broadcast_in_dim3A_2160 = vector.broadcast %jit3A_2158 : i32 to vector<16xi32>
        %select_n3A_2161 = arith.select %eq3A_2156, %broadcast_in_dim3A_2159, %broadcast_in_dim3A_2160 : vector<16xi1>, vector<16xi32>
        %or3A_2162 = arith.ori %or3A_2118, %select_n3A_2161 : vector<16xi32>
        %eq3A_2163 = arith.constant 2 : i32
        %eq3A_2164 = vector.broadcast %eq3A_2163 : i32 to vector<16xi32>
        %eq3A_2165 = arith.cmpi eq, %select_n3A_2144, %eq3A_2164 : vector<16xi32>
        %jit3A_2166 = arith.constant 10 : i32
        %jit3A_2167 = arith.constant 0 : i32
        %broadcast_in_dim3A_2168 = vector.broadcast %jit3A_2166 : i32 to vector<16xi32>
        %broadcast_in_dim3A_2169 = vector.broadcast %jit3A_2167 : i32 to vector<16xi32>
        %select_n3A_2170 = arith.select %eq3A_2165, %broadcast_in_dim3A_2168, %broadcast_in_dim3A_2169 : vector<16xi1>, vector<16xi32>
        %or3A_2171 = arith.ori %or3A_2127, %select_n3A_2170 : vector<16xi32>
        %eq3A_2172 = arith.constant 3 : i32
        %eq3A_2173 = vector.broadcast %eq3A_2172 : i32 to vector<16xi32>
        %eq3A_2174 = arith.cmpi eq, %select_n3A_2144, %eq3A_2173 : vector<16xi32>
        %jit3A_2175 = arith.constant 10 : i32
        %jit3A_2176 = arith.constant 0 : i32
        %broadcast_in_dim3A_2177 = vector.broadcast %jit3A_2175 : i32 to vector<16xi32>
        %broadcast_in_dim3A_2178 = vector.broadcast %jit3A_2176 : i32 to vector<16xi32>
        %select_n3A_2179 = arith.select %eq3A_2174, %broadcast_in_dim3A_2177, %broadcast_in_dim3A_2178 : vector<16xi1>, vector<16xi32>
        %or3A_2180 = arith.ori %or3A_2136, %select_n3A_2179 : vector<16xi32>
        %eq3A_2181 = arith.constant 1 : i32
        %eq3A_2182 = vector.broadcast %eq3A_2181 : i32 to vector<16xi32>
        %eq3A_2183 = arith.cmpi eq, %sub3A_1548, %eq3A_2182 : vector<16xi32>
        %sub3A_2184 = arith.constant 11 : i32
        %sub3A_2185 = vector.broadcast %sub3A_2184 : i32 to vector<16xi32>
        %sub3A_2186 = arith.subi %sub3A_2185, %add3A_1691 : vector<16xi32>
        %add3A_2187 = arith.addi %add3A_1696, %sub3A_2186 : vector<16xi32>
        %select_n3A_2188 = arith.select %eq3A_2183, %add3A_1691, %add3A_2187 : vector<16xi1>, vector<16xi32>
        %eq3A_2189 = arith.constant 0 : i32
        %eq3A_2190 = vector.broadcast %eq3A_2189 : i32 to vector<16xi32>
        %eq3A_2191 = arith.cmpi eq, %select_n3A_2188, %eq3A_2190 : vector<16xi32>
        %jit3A_2192 = arith.constant 11 : i32
        %jit3A_2193 = arith.constant 0 : i32
        %broadcast_in_dim3A_2194 = vector.broadcast %jit3A_2192 : i32 to vector<16xi32>
        %broadcast_in_dim3A_2195 = vector.broadcast %jit3A_2193 : i32 to vector<16xi32>
        %select_n3A_2196 = arith.select %eq3A_2191, %broadcast_in_dim3A_2194, %broadcast_in_dim3A_2195 : vector<16xi1>, vector<16xi32>
        %or3A_2197 = arith.ori %or3A_2153, %select_n3A_2196 : vector<16xi32>
        %eq3A_2198 = arith.constant 1 : i32
        %eq3A_2199 = vector.broadcast %eq3A_2198 : i32 to vector<16xi32>
        %eq3A_2200 = arith.cmpi eq, %select_n3A_2188, %eq3A_2199 : vector<16xi32>
        %jit3A_2201 = arith.constant 11 : i32
        %jit3A_2202 = arith.constant 0 : i32
        %broadcast_in_dim3A_2203 = vector.broadcast %jit3A_2201 : i32 to vector<16xi32>
        %broadcast_in_dim3A_2204 = vector.broadcast %jit3A_2202 : i32 to vector<16xi32>
        %select_n3A_2205 = arith.select %eq3A_2200, %broadcast_in_dim3A_2203, %broadcast_in_dim3A_2204 : vector<16xi1>, vector<16xi32>
        %or3A_2206 = arith.ori %or3A_2162, %select_n3A_2205 : vector<16xi32>
        %eq3A_2207 = arith.constant 2 : i32
        %eq3A_2208 = vector.broadcast %eq3A_2207 : i32 to vector<16xi32>
        %eq3A_2209 = arith.cmpi eq, %select_n3A_2188, %eq3A_2208 : vector<16xi32>
        %jit3A_2210 = arith.constant 11 : i32
        %jit3A_2211 = arith.constant 0 : i32
        %broadcast_in_dim3A_2212 = vector.broadcast %jit3A_2210 : i32 to vector<16xi32>
        %broadcast_in_dim3A_2213 = vector.broadcast %jit3A_2211 : i32 to vector<16xi32>
        %select_n3A_2214 = arith.select %eq3A_2209, %broadcast_in_dim3A_2212, %broadcast_in_dim3A_2213 : vector<16xi1>, vector<16xi32>
        %or3A_2215 = arith.ori %or3A_2171, %select_n3A_2214 : vector<16xi32>
        %eq3A_2216 = arith.constant 3 : i32
        %eq3A_2217 = vector.broadcast %eq3A_2216 : i32 to vector<16xi32>
        %eq3A_2218 = arith.cmpi eq, %select_n3A_2188, %eq3A_2217 : vector<16xi32>
        %jit3A_2219 = arith.constant 11 : i32
        %jit3A_2220 = arith.constant 0 : i32
        %broadcast_in_dim3A_2221 = vector.broadcast %jit3A_2219 : i32 to vector<16xi32>
        %broadcast_in_dim3A_2222 = vector.broadcast %jit3A_2220 : i32 to vector<16xi32>
        %select_n3A_2223 = arith.select %eq3A_2218, %broadcast_in_dim3A_2221, %broadcast_in_dim3A_2222 : vector<16xi1>, vector<16xi32>
        %or3A_2224 = arith.ori %or3A_2180, %select_n3A_2223 : vector<16xi32>
        %eq3A_2225 = arith.constant 1 : i32
        %eq3A_2226 = vector.broadcast %eq3A_2225 : i32 to vector<16xi32>
        %eq3A_2227 = arith.cmpi eq, %sub3A_1599, %eq3A_2226 : vector<16xi32>
        %sub3A_2228 = arith.constant 12 : i32
        %sub3A_2229 = vector.broadcast %sub3A_2228 : i32 to vector<16xi32>
        %sub3A_2230 = arith.subi %sub3A_2229, %add3A_1692 : vector<16xi32>
        %add3A_2231 = arith.addi %add3A_1696, %sub3A_2230 : vector<16xi32>
        %select_n3A_2232 = arith.select %eq3A_2227, %add3A_1692, %add3A_2231 : vector<16xi1>, vector<16xi32>
        %eq3A_2233 = arith.constant 0 : i32
        %eq3A_2234 = vector.broadcast %eq3A_2233 : i32 to vector<16xi32>
        %eq3A_2235 = arith.cmpi eq, %select_n3A_2232, %eq3A_2234 : vector<16xi32>
        %jit3A_2236 = arith.constant 12 : i32
        %jit3A_2237 = arith.constant 0 : i32
        %broadcast_in_dim3A_2238 = vector.broadcast %jit3A_2236 : i32 to vector<16xi32>
        %broadcast_in_dim3A_2239 = vector.broadcast %jit3A_2237 : i32 to vector<16xi32>
        %select_n3A_2240 = arith.select %eq3A_2235, %broadcast_in_dim3A_2238, %broadcast_in_dim3A_2239 : vector<16xi1>, vector<16xi32>
        %or3A_2241 = arith.ori %or3A_2197, %select_n3A_2240 : vector<16xi32>
        %eq3A_2242 = arith.constant 1 : i32
        %eq3A_2243 = vector.broadcast %eq3A_2242 : i32 to vector<16xi32>
        %eq3A_2244 = arith.cmpi eq, %select_n3A_2232, %eq3A_2243 : vector<16xi32>
        %jit3A_2245 = arith.constant 12 : i32
        %jit3A_2246 = arith.constant 0 : i32
        %broadcast_in_dim3A_2247 = vector.broadcast %jit3A_2245 : i32 to vector<16xi32>
        %broadcast_in_dim3A_2248 = vector.broadcast %jit3A_2246 : i32 to vector<16xi32>
        %select_n3A_2249 = arith.select %eq3A_2244, %broadcast_in_dim3A_2247, %broadcast_in_dim3A_2248 : vector<16xi1>, vector<16xi32>
        %or3A_2250 = arith.ori %or3A_2206, %select_n3A_2249 : vector<16xi32>
        %eq3A_2251 = arith.constant 2 : i32
        %eq3A_2252 = vector.broadcast %eq3A_2251 : i32 to vector<16xi32>
        %eq3A_2253 = arith.cmpi eq, %select_n3A_2232, %eq3A_2252 : vector<16xi32>
        %jit3A_2254 = arith.constant 12 : i32
        %jit3A_2255 = arith.constant 0 : i32
        %broadcast_in_dim3A_2256 = vector.broadcast %jit3A_2254 : i32 to vector<16xi32>
        %broadcast_in_dim3A_2257 = vector.broadcast %jit3A_2255 : i32 to vector<16xi32>
        %select_n3A_2258 = arith.select %eq3A_2253, %broadcast_in_dim3A_2256, %broadcast_in_dim3A_2257 : vector<16xi1>, vector<16xi32>
        %or3A_2259 = arith.ori %or3A_2215, %select_n3A_2258 : vector<16xi32>
        %eq3A_2260 = arith.constant 3 : i32
        %eq3A_2261 = vector.broadcast %eq3A_2260 : i32 to vector<16xi32>
        %eq3A_2262 = arith.cmpi eq, %select_n3A_2232, %eq3A_2261 : vector<16xi32>
        %jit3A_2263 = arith.constant 12 : i32
        %jit3A_2264 = arith.constant 0 : i32
        %broadcast_in_dim3A_2265 = vector.broadcast %jit3A_2263 : i32 to vector<16xi32>
        %broadcast_in_dim3A_2266 = vector.broadcast %jit3A_2264 : i32 to vector<16xi32>
        %select_n3A_2267 = arith.select %eq3A_2262, %broadcast_in_dim3A_2265, %broadcast_in_dim3A_2266 : vector<16xi1>, vector<16xi32>
        %or3A_2268 = arith.ori %or3A_2224, %select_n3A_2267 : vector<16xi32>
        %eq3A_2269 = arith.constant 1 : i32
        %eq3A_2270 = vector.broadcast %eq3A_2269 : i32 to vector<16xi32>
        %eq3A_2271 = arith.cmpi eq, %sub3A_1638, %eq3A_2270 : vector<16xi32>
        %sub3A_2272 = arith.constant 13 : i32
        %sub3A_2273 = vector.broadcast %sub3A_2272 : i32 to vector<16xi32>
        %sub3A_2274 = arith.subi %sub3A_2273, %add3A_1693 : vector<16xi32>
        %add3A_2275 = arith.addi %add3A_1696, %sub3A_2274 : vector<16xi32>
        %select_n3A_2276 = arith.select %eq3A_2271, %add3A_1693, %add3A_2275 : vector<16xi1>, vector<16xi32>
        %eq3A_2277 = arith.constant 0 : i32
        %eq3A_2278 = vector.broadcast %eq3A_2277 : i32 to vector<16xi32>
        %eq3A_2279 = arith.cmpi eq, %select_n3A_2276, %eq3A_2278 : vector<16xi32>
        %jit3A_2280 = arith.constant 13 : i32
        %jit3A_2281 = arith.constant 0 : i32
        %broadcast_in_dim3A_2282 = vector.broadcast %jit3A_2280 : i32 to vector<16xi32>
        %broadcast_in_dim3A_2283 = vector.broadcast %jit3A_2281 : i32 to vector<16xi32>
        %select_n3A_2284 = arith.select %eq3A_2279, %broadcast_in_dim3A_2282, %broadcast_in_dim3A_2283 : vector<16xi1>, vector<16xi32>
        %or3A_2285 = arith.ori %or3A_2241, %select_n3A_2284 : vector<16xi32>
        %eq3A_2286 = arith.constant 1 : i32
        %eq3A_2287 = vector.broadcast %eq3A_2286 : i32 to vector<16xi32>
        %eq3A_2288 = arith.cmpi eq, %select_n3A_2276, %eq3A_2287 : vector<16xi32>
        %jit3A_2289 = arith.constant 13 : i32
        %jit3A_2290 = arith.constant 0 : i32
        %broadcast_in_dim3A_2291 = vector.broadcast %jit3A_2289 : i32 to vector<16xi32>
        %broadcast_in_dim3A_2292 = vector.broadcast %jit3A_2290 : i32 to vector<16xi32>
        %select_n3A_2293 = arith.select %eq3A_2288, %broadcast_in_dim3A_2291, %broadcast_in_dim3A_2292 : vector<16xi1>, vector<16xi32>
        %or3A_2294 = arith.ori %or3A_2250, %select_n3A_2293 : vector<16xi32>
        %eq3A_2295 = arith.constant 2 : i32
        %eq3A_2296 = vector.broadcast %eq3A_2295 : i32 to vector<16xi32>
        %eq3A_2297 = arith.cmpi eq, %select_n3A_2276, %eq3A_2296 : vector<16xi32>
        %jit3A_2298 = arith.constant 13 : i32
        %jit3A_2299 = arith.constant 0 : i32
        %broadcast_in_dim3A_2300 = vector.broadcast %jit3A_2298 : i32 to vector<16xi32>
        %broadcast_in_dim3A_2301 = vector.broadcast %jit3A_2299 : i32 to vector<16xi32>
        %select_n3A_2302 = arith.select %eq3A_2297, %broadcast_in_dim3A_2300, %broadcast_in_dim3A_2301 : vector<16xi1>, vector<16xi32>
        %or3A_2303 = arith.ori %or3A_2259, %select_n3A_2302 : vector<16xi32>
        %eq3A_2304 = arith.constant 3 : i32
        %eq3A_2305 = vector.broadcast %eq3A_2304 : i32 to vector<16xi32>
        %eq3A_2306 = arith.cmpi eq, %select_n3A_2276, %eq3A_2305 : vector<16xi32>
        %jit3A_2307 = arith.constant 13 : i32
        %jit3A_2308 = arith.constant 0 : i32
        %broadcast_in_dim3A_2309 = vector.broadcast %jit3A_2307 : i32 to vector<16xi32>
        %broadcast_in_dim3A_2310 = vector.broadcast %jit3A_2308 : i32 to vector<16xi32>
        %select_n3A_2311 = arith.select %eq3A_2306, %broadcast_in_dim3A_2309, %broadcast_in_dim3A_2310 : vector<16xi1>, vector<16xi32>
        %or3A_2312 = arith.ori %or3A_2268, %select_n3A_2311 : vector<16xi32>
        %eq3A_2313 = arith.constant 1 : i32
        %eq3A_2314 = vector.broadcast %eq3A_2313 : i32 to vector<16xi32>
        %eq3A_2315 = arith.cmpi eq, %sub3A_1665, %eq3A_2314 : vector<16xi32>
        %sub3A_2316 = arith.constant 14 : i32
        %sub3A_2317 = vector.broadcast %sub3A_2316 : i32 to vector<16xi32>
        %sub3A_2318 = arith.subi %sub3A_2317, %add3A_1694 : vector<16xi32>
        %add3A_2319 = arith.addi %add3A_1696, %sub3A_2318 : vector<16xi32>
        %select_n3A_2320 = arith.select %eq3A_2315, %add3A_1694, %add3A_2319 : vector<16xi1>, vector<16xi32>
        %eq3A_2321 = arith.constant 0 : i32
        %eq3A_2322 = vector.broadcast %eq3A_2321 : i32 to vector<16xi32>
        %eq3A_2323 = arith.cmpi eq, %select_n3A_2320, %eq3A_2322 : vector<16xi32>
        %jit3A_2324 = arith.constant 14 : i32
        %jit3A_2325 = arith.constant 0 : i32
        %broadcast_in_dim3A_2326 = vector.broadcast %jit3A_2324 : i32 to vector<16xi32>
        %broadcast_in_dim3A_2327 = vector.broadcast %jit3A_2325 : i32 to vector<16xi32>
        %select_n3A_2328 = arith.select %eq3A_2323, %broadcast_in_dim3A_2326, %broadcast_in_dim3A_2327 : vector<16xi1>, vector<16xi32>
        %or3A_2329 = arith.ori %or3A_2285, %select_n3A_2328 : vector<16xi32>
        %eq3A_2330 = arith.constant 1 : i32
        %eq3A_2331 = vector.broadcast %eq3A_2330 : i32 to vector<16xi32>
        %eq3A_2332 = arith.cmpi eq, %select_n3A_2320, %eq3A_2331 : vector<16xi32>
        %jit3A_2333 = arith.constant 14 : i32
        %jit3A_2334 = arith.constant 0 : i32
        %broadcast_in_dim3A_2335 = vector.broadcast %jit3A_2333 : i32 to vector<16xi32>
        %broadcast_in_dim3A_2336 = vector.broadcast %jit3A_2334 : i32 to vector<16xi32>
        %select_n3A_2337 = arith.select %eq3A_2332, %broadcast_in_dim3A_2335, %broadcast_in_dim3A_2336 : vector<16xi1>, vector<16xi32>
        %or3A_2338 = arith.ori %or3A_2294, %select_n3A_2337 : vector<16xi32>
        %eq3A_2339 = arith.constant 2 : i32
        %eq3A_2340 = vector.broadcast %eq3A_2339 : i32 to vector<16xi32>
        %eq3A_2341 = arith.cmpi eq, %select_n3A_2320, %eq3A_2340 : vector<16xi32>
        %jit3A_2342 = arith.constant 14 : i32
        %jit3A_2343 = arith.constant 0 : i32
        %broadcast_in_dim3A_2344 = vector.broadcast %jit3A_2342 : i32 to vector<16xi32>
        %broadcast_in_dim3A_2345 = vector.broadcast %jit3A_2343 : i32 to vector<16xi32>
        %select_n3A_2346 = arith.select %eq3A_2341, %broadcast_in_dim3A_2344, %broadcast_in_dim3A_2345 : vector<16xi1>, vector<16xi32>
        %or3A_2347 = arith.ori %or3A_2303, %select_n3A_2346 : vector<16xi32>
        %eq3A_2348 = arith.constant 3 : i32
        %eq3A_2349 = vector.broadcast %eq3A_2348 : i32 to vector<16xi32>
        %eq3A_2350 = arith.cmpi eq, %select_n3A_2320, %eq3A_2349 : vector<16xi32>
        %jit3A_2351 = arith.constant 14 : i32
        %jit3A_2352 = arith.constant 0 : i32
        %broadcast_in_dim3A_2353 = vector.broadcast %jit3A_2351 : i32 to vector<16xi32>
        %broadcast_in_dim3A_2354 = vector.broadcast %jit3A_2352 : i32 to vector<16xi32>
        %select_n3A_2355 = arith.select %eq3A_2350, %broadcast_in_dim3A_2353, %broadcast_in_dim3A_2354 : vector<16xi1>, vector<16xi32>
        %or3A_2356 = arith.ori %or3A_2312, %select_n3A_2355 : vector<16xi32>
        %eq3A_2357 = arith.constant 1 : i32
        %eq3A_2358 = vector.broadcast %eq3A_2357 : i32 to vector<16xi32>
        %eq3A_2359 = arith.cmpi eq, %sub3A_1680, %eq3A_2358 : vector<16xi32>
        %sub3A_2360 = arith.constant 15 : i32
        %sub3A_2361 = vector.broadcast %sub3A_2360 : i32 to vector<16xi32>
        %sub3A_2362 = arith.subi %sub3A_2361, %add3A_1695 : vector<16xi32>
        %add3A_2363 = arith.addi %add3A_1696, %sub3A_2362 : vector<16xi32>
        %select_n3A_2364 = arith.select %eq3A_2359, %add3A_1695, %add3A_2363 : vector<16xi1>, vector<16xi32>
        %eq3A_2365 = arith.constant 0 : i32
        %eq3A_2366 = vector.broadcast %eq3A_2365 : i32 to vector<16xi32>
        %eq3A_2367 = arith.cmpi eq, %select_n3A_2364, %eq3A_2366 : vector<16xi32>
        %jit3A_2368 = arith.constant 15 : i32
        %jit3A_2369 = arith.constant 0 : i32
        %broadcast_in_dim3A_2370 = vector.broadcast %jit3A_2368 : i32 to vector<16xi32>
        %broadcast_in_dim3A_2371 = vector.broadcast %jit3A_2369 : i32 to vector<16xi32>
        %select_n3A_2372 = arith.select %eq3A_2367, %broadcast_in_dim3A_2370, %broadcast_in_dim3A_2371 : vector<16xi1>, vector<16xi32>
        %or3A_2373 = arith.ori %or3A_2329, %select_n3A_2372 : vector<16xi32>
        %eq3A_2374 = arith.constant 1 : i32
        %eq3A_2375 = vector.broadcast %eq3A_2374 : i32 to vector<16xi32>
        %eq3A_2376 = arith.cmpi eq, %select_n3A_2364, %eq3A_2375 : vector<16xi32>
        %jit3A_2377 = arith.constant 15 : i32
        %jit3A_2378 = arith.constant 0 : i32
        %broadcast_in_dim3A_2379 = vector.broadcast %jit3A_2377 : i32 to vector<16xi32>
        %broadcast_in_dim3A_2380 = vector.broadcast %jit3A_2378 : i32 to vector<16xi32>
        %select_n3A_2381 = arith.select %eq3A_2376, %broadcast_in_dim3A_2379, %broadcast_in_dim3A_2380 : vector<16xi1>, vector<16xi32>
        %or3A_2382 = arith.ori %or3A_2338, %select_n3A_2381 : vector<16xi32>
        %eq3A_2383 = arith.constant 2 : i32
        %eq3A_2384 = vector.broadcast %eq3A_2383 : i32 to vector<16xi32>
        %eq3A_2385 = arith.cmpi eq, %select_n3A_2364, %eq3A_2384 : vector<16xi32>
        %jit3A_2386 = arith.constant 15 : i32
        %jit3A_2387 = arith.constant 0 : i32
        %broadcast_in_dim3A_2388 = vector.broadcast %jit3A_2386 : i32 to vector<16xi32>
        %broadcast_in_dim3A_2389 = vector.broadcast %jit3A_2387 : i32 to vector<16xi32>
        %select_n3A_2390 = arith.select %eq3A_2385, %broadcast_in_dim3A_2388, %broadcast_in_dim3A_2389 : vector<16xi1>, vector<16xi32>
        %or3A_2391 = arith.ori %or3A_2347, %select_n3A_2390 : vector<16xi32>
        %eq3A_2392 = arith.constant 3 : i32
        %eq3A_2393 = vector.broadcast %eq3A_2392 : i32 to vector<16xi32>
        %eq3A_2394 = arith.cmpi eq, %select_n3A_2364, %eq3A_2393 : vector<16xi32>
        %jit3A_2395 = arith.constant 15 : i32
        %jit3A_2396 = arith.constant 0 : i32
        %broadcast_in_dim3A_2397 = vector.broadcast %jit3A_2395 : i32 to vector<16xi32>
        %broadcast_in_dim3A_2398 = vector.broadcast %jit3A_2396 : i32 to vector<16xi32>
        %select_n3A_2399 = arith.select %eq3A_2394, %broadcast_in_dim3A_2397, %broadcast_in_dim3A_2398 : vector<16xi1>, vector<16xi32>
        %or3A_2400 = arith.ori %or3A_2356, %select_n3A_2399 : vector<16xi32>
        %swap3A = arith.constant 0 : i32
        %swap3A_2401 = arith.index_cast %swap3A : i32 to index
        %swap3A_2402 = arith.index_cast %mul3A_50 : i32 to index
        %swap3A_2403 = tpu.vector_load %arg5[%swap3A_2401, %swap3A_2402] {strides = array<i32>} : memref<4x512xi32, #tpu.memory_space<vmem>>, vector<1x16xi32>,
        %swap3A_2404 = vector.shape_cast %swap3A_2403 : vector<1x16xi32> to vector<16xi32>
        %swap3A_2405 = vector.shape_cast %or3A_2373 : vector<16xi32> to vector<1x16xi32>
        tpu.vector_store %arg5[%swap3A_2401, %swap3A_2402], %swap3A_2405 {strides = array<i32>} : memref<4x512xi32, #tpu.memory_space<vmem>>, vector<1x16xi32>,
        %swap3A_2406 = arith.constant 1 : i32
        %swap3A_2407 = arith.index_cast %swap3A_2406 : i32 to index
        %swap3A_2408 = arith.index_cast %mul3A_50 : i32 to index
        %swap3A_2409 = tpu.vector_load %arg5[%swap3A_2407, %swap3A_2408] {strides = array<i32>} : memref<4x512xi32, #tpu.memory_space<vmem>>, vector<1x16xi32>,
        %swap3A_2410 = vector.shape_cast %swap3A_2409 : vector<1x16xi32> to vector<16xi32>
        %swap3A_2411 = vector.shape_cast %or3A_2382 : vector<16xi32> to vector<1x16xi32>
        tpu.vector_store %arg5[%swap3A_2407, %swap3A_2408], %swap3A_2411 {strides = array<i32>} : memref<4x512xi32, #tpu.memory_space<vmem>>, vector<1x16xi32>,
        %swap3A_2412 = arith.constant 2 : i32
        %swap3A_2413 = arith.index_cast %swap3A_2412 : i32 to index
        %swap3A_2414 = arith.index_cast %mul3A_50 : i32 to index
        %swap3A_2415 = tpu.vector_load %arg5[%swap3A_2413, %swap3A_2414] {strides = array<i32>} : memref<4x512xi32, #tpu.memory_space<vmem>>, vector<1x16xi32>,
        %swap3A_2416 = vector.shape_cast %swap3A_2415 : vector<1x16xi32> to vector<16xi32>
        %swap3A_2417 = vector.shape_cast %or3A_2391 : vector<16xi32> to vector<1x16xi32>
        tpu.vector_store %arg5[%swap3A_2413, %swap3A_2414], %swap3A_2417 {strides = array<i32>} : memref<4x512xi32, #tpu.memory_space<vmem>>, vector<1x16xi32>,
        %swap3A_2418 = arith.constant 3 : i32
        %swap3A_2419 = arith.index_cast %swap3A_2418 : i32 to index
        %swap3A_2420 = arith.index_cast %mul3A_50 : i32 to index
        %swap3A_2421 = tpu.vector_load %arg5[%swap3A_2419, %swap3A_2420] {strides = array<i32>} : memref<4x512xi32, #tpu.memory_space<vmem>>, vector<1x16xi32>,
        %swap3A_2422 = vector.shape_cast %swap3A_2421 : vector<1x16xi32> to vector<16xi32>
        %swap3A_2423 = vector.shape_cast %or3A_2400 : vector<16xi32> to vector<1x16xi32>
        tpu.vector_store %arg5[%swap3A_2419, %swap3A_2420], %swap3A_2423 {strides = array<i32>} : memref<4x512xi32, #tpu.memory_space<vmem>>, vector<1x16xi32>,
      }
      %scan3A_47 = arith.constant 32 : i32
      "tpu.region"() ({
        %run_scoped3A = tpu.sem_alloc : memref<!tpu.dma_semaphore, #tpu.memory_space<semaphore_mem>>
        %dma_start3A = arith.constant 0 : i32
        %dma_start3A_48 = tpu.memref_slice %arg3[%select_n3A, %dma_start3A, %add3A_41] : memref<4x4x65536xi32, #tpu.memory_space<hbm>> -> memref<1x4x512xi32, #tpu.memory_space<hbm>>
        %dma_start3A_49 = tpu.memref_squeeze %dma_start3A_48 : memref<1x4x512xi32, #tpu.memory_space<hbm>> -> memref<4x512xi32, #tpu.memory_space<hbm>>
        %dma_start3A_50 = arith.constant 0 : i32
        %dma_start3A_51 = tpu.memref_slice %arg3[%select_n3A, %dma_start3A_50, %add3A_41] : memref<4x4x65536xi32, #tpu.memory_space<hbm>> -> memref<1x4x512xi32, #tpu.memory_space<hbm>>
        %dma_start3A_52 = tpu.memref_squeeze %dma_start3A_51 : memref<1x4x512xi32, #tpu.memory_space<hbm>> -> memref<4x512xi32, #tpu.memory_space<hbm>>
        tpu.enqueue_dma source(%arg5 : memref<4x512xi32, #tpu.memory_space<vmem>>) target(%dma_start3A_52 : memref<4x512xi32, #tpu.memory_space<hbm>>) target_semaphore(%run_scoped3A : memref<!tpu.dma_semaphore, #tpu.memory_space<semaphore_mem>>)
        %dma_wait3A = arith.constant 0 : i32
        %dma_wait3A_53 = tpu.memref_slice %arg3[%select_n3A, %dma_wait3A, %add3A_41] : memref<4x4x65536xi32, #tpu.memory_space<hbm>> -> memref<1x4x512xi32, #tpu.memory_space<hbm>>
        %dma_wait3A_54 = tpu.memref_squeeze %dma_wait3A_53 : memref<1x4x512xi32, #tpu.memory_space<hbm>> -> memref<4x512xi32, #tpu.memory_space<hbm>>
        %dma_wait3A_55 = arith.constant 0 : i32
        %dma_wait3A_56 = tpu.memref_slice %arg3[%select_n3A, %dma_wait3A_55, %add3A_41] : memref<4x4x65536xi32, #tpu.memory_space<hbm>> -> memref<1x4x512xi32, #tpu.memory_space<hbm>>
        %dma_wait3A_57 = tpu.memref_squeeze %dma_wait3A_56 : memref<1x4x512xi32, #tpu.memory_space<hbm>> -> memref<4x512xi32, #tpu.memory_space<hbm>>
        tpu.wait_dma2 semaphore(%run_scoped3A : memref<!tpu.dma_semaphore, #tpu.memory_space<semaphore_mem>>) src(%arg5 : memref<4x512xi32, #tpu.memory_space<vmem>>) dst(%dma_wait3A_57 : memref<4x512xi32, #tpu.memory_space<hbm>>)
        tpu.yield
      }) : () -> ()
    }
    %scan3A_5 = arith.constant 16 : i32
    return
  }
}

</mosaic_0001>

<sc_bundles>
// kernel: kernel.3.cloned.1.call-start
scs
__scs_entry_jumppad:
0x0: {  	(pc) =	sbr.rel $0x88, $3  }
0x1: {  	(tag) =	ssettag $0x0;
	lr =	simm.s32 $0x1  }
0x2: {  	[smem:$0x3F9F] =	sst lr;
	_ =	strace $0xD0000000  }
0x3: {  	_ = 	snop  }
0x4: {  	_ = 	snop  }
0x5: {  	_ = 	snop  }
0x6: {  	_ = 	snop  }
0x7: {  	_ = 	snop  }
__scs_overlays_trampoline_lowered:
0x8: {  	[smem:$0x3FAE] =	sst s0  }
0x9: {  	[smem:$0x3FAF] =	sst s1  }
0xa: {  	[smem:$0x3FB0] =	sst s2  }
0xb: {  	[smem:$0x3FB1] =	sst s3  }
0xc: {  	[smem:$0x3FB2] =	sst s4  }
0xd: {  	[smem:$0x3FB3] =	sst s5  }
0xe: {  	[smem:$0x3FB4] =	sst s6  }
0xf: {  	[smem:$0x3FB5] =	sst s7  }
0x10: {  	[smem:$0x3FB6] =	sst s8  }
0x11: {  	[smem:$0x3FB7] =	sst s9;
	s0 =	simm.s32 @!p0 $0x0  }
0x12: {  	s1 =	sld [smem:$0x3F9D];
	s0 =	simm.s32 @p0 $0x1  }
0x13: {  	[smem:$0x3FB8] =	sst s0;
	s0 =	simm.s32 @!p1 $0x0  }
0x14: {  	s2 =	sld [smem:$0x3F9C];
	s0 =	simm.s32 @p1 $0x1  }
0x15: {  	[smem:$0x3FB9] =	sst s0;
	s0 =	simm.s32 @!p2 $0x0  }
0x16: {  	s3 =	sld [smem:$0x3FDB];
	s0 =	simm.s32 @p2 $0x1  }
0x17: {  	s4 =	simm.s32 $0x1BF5;
	[smem:$0x3FBB] =	sst s0  }
0x18: {  	s0 =	sld [smem:$0x3F9E];
	_ =	swait.ge [sflag:s4], $0x0  }
0x19: {  	s7 =	sld [smem:$0x3F9F]  }
0x1a: {  	s8 =	sadd.s32 $0xFFFFE003, lr  }
0x1b: {  	s9 =	sadd.s32 $0xFFFFFEF7, lr;
	s5 =	simm.s32 $0xFFFFFFFF;
	p2 =	slt.u32 s8, $0xFFFFF086  }
0x1c: {  	p1 =	slt.u32 s9, $0xF7A;
	s5 =	simm.s32 @!p2 $0x0  }
0x1d: {  	s5 =	simm.s32 @p1 $0x1;
	p0 =	seq.s32 s7, s2  }
0x1e: {  	s7 =	smul.u32 @!p0 $0xF7A, s2;
	p2 =	seq.s32 @!p0 s5, $0x0  }
0x1f: {  	s9 =	smul.u32 $0xF7A, s1;
	s8 =	simm.s32 @!p0 $0x1BF5;
	p2 =	por !p2, p0  }
0x20: {  	[sflag:s8] =	ssyncset.s32 @!p0 $0xFFFFF086;
	s6 =	sadd.s32 @!p0 s3, s7;
	s7 =	simm.s32 @!p0 $0x108  }
0x21: {  	s3 =	sadd.s32 s3, s9;
	s6 =	sadd.s32 @!p0 $0x88, s6;
	s7 =	simm.s32 @p2 $0x1082  }
0x22: {  	[simem:s7], [sflag:s8] =	dma.local @!p0 [hbm:s6], $0xF7A  }
0x23: {  	s9 =	sor.u32 $0xD0000000, s2;
	s6 =	simm.s32 $0x108;
	_ =	swait.ge @!p0 [sflag:s8], $0x0  }
0x24: {  	s3 =	sadd.s32 $0x88, s3;
	s6 =	simm.s32 @!p1 $0x1082;
	[sflag:s4] =	ssyncset.s32 $0xFFFFF086  }
0x25: {  	[simem:s6], [sflag:s4] =	dma.local [hbm:s3], $0xF7A  }
0x26: {  	[smem:$0x3F9F] =	sst s1;
	(tag) =	ssettag s2;
	_ =	strace s9  }
0x27: {  	s1 =	sld [smem:$0x3FAF]  }
0x28: {  	s2 =	sld [smem:$0x3FB0]  }
0x29: {  	s4 =	sld [smem:$0x3FB2]  }
0x2a: {  	p0 =	seq.s32 s5, $0x0;
	s5 =	sld [smem:$0x3FB3]  }
0x2b: {  	s6 =	sld [smem:$0x3FB4]  }
0x2c: {  	s7 =	sld [smem:$0x3FB5]  }
0x2d: {  	s3 =	simm.s32 $0x108;
	s8 =	sld [smem:$0x3FB6]  }
0x2e: {  	s3 =	simm.s32 @!p0 $0x1082;
	s9 =	sld [smem:$0x3FB7]  }
0x2f: {  	lr =	sadd.s32 s0, s3;
	s0 =	sld [smem:$0x3FAE]  }
0x30: {  	s3 =	sld [smem:$0x3FB1]  }
0x31: {  	[smem:$0x3FBA] =	sst s10  }
0x32: {  	s10 =	sld [smem:$0x3FB8];
	_ =	sdelay $0x3  }
0x33: {  	p0 =	seq.s32 s10, $0x1;
	s10 =	sld [smem:$0x3FBA];
	_ =	sdelay $0x3  }
0x34: {  	[smem:$0x3FBA] =	sst s10  }
0x35: {  	s10 =	sld [smem:$0x3FB9];
	_ =	sdelay $0x3  }
0x36: {  	p1 =	seq.s32 s10, $0x1;
	s10 =	sld [smem:$0x3FBA];
	_ =	sdelay $0x3  }
0x37: {  	[smem:$0x3FBA] =	sst s10  }
0x38: {  	s10 =	sld [smem:$0x3FBB]  }
0x39: {  	_ = 	snop;
	(pc) =	sbr.ind lr, $3  }
0x3a: {  	_ = 	snop  }
0x3b: {  	_ = 	snop  }
0x3c: {  	p2 =	seq.s32 s10, $0x1;
	s10 =	sld [smem:$0x3FBA]  }
0x3d: {  	_ =	shalt  }
0x3e: {  	_ =	shalt  }
0x3f: {  	_ =	shalt  }
0x40: {  	_ =	shalt  }
0x41: {  	_ =	shalt  }
0x42: {  	_ =	shalt  }
0x43: {  	_ =	shalt  }
0x44: {  	_ =	shalt  }
0x45: {  	_ =	shalt  }
0x46: {  	_ =	shalt  }
0x47: {  	_ =	shalt  }
0x48: {  	_ =	shalt  }
0x49: {  	_ =	shalt  }
0x4a: {  	_ =	shalt  }
0x4b: {  	_ =	shalt  }
0x4c: {  	_ =	shalt  }
0x4d: {  	_ =	shalt  }
0x4e: {  	_ =	shalt  }
0x4f: {  	_ =	shalt  }
0x50: {  	_ =	shalt  }
0x51: {  	_ =	shalt  }
0x52: {  	_ =	shalt  }
0x53: {  	_ =	shalt  }
0x54: {  	_ =	shalt  }
0x55: {  	_ =	shalt  }
0x56: {  	_ =	shalt  }
0x57: {  	_ =	shalt  }
0x58: {  	_ =	shalt  }
0x59: {  	_ =	shalt  }
0x5a: {  	_ =	shalt  }
0x5b: {  	_ =	shalt  }
0x5c: {  	_ =	shalt  }
0x5d: {  	_ =	shalt  }
0x5e: {  	_ =	shalt  }
0x5f: {  	_ =	shalt  }
0x60: {  	_ =	shalt  }
0x61: {  	_ =	shalt  }
0x62: {  	_ =	shalt  }
0x63: {  	_ =	shalt  }
0x64: {  	_ =	shalt  }
0x65: {  	_ =	shalt  }
0x66: {  	_ =	shalt  }
0x67: {  	_ =	shalt  }
0x68: {  	_ =	shalt  }
0x69: {  	_ =	shalt  }
0x6a: {  	_ =	shalt  }
0x6b: {  	_ =	shalt  }
0x6c: {  	_ =	shalt  }
0x6d: {  	_ =	shalt  }
0x6e: {  	_ =	shalt  }
0x6f: {  	_ =	shalt  }
0x70: {  	_ =	shalt  }
0x71: {  	_ =	shalt  }
0x72: {  	_ =	shalt  }
0x73: {  	_ =	shalt  }
0x74: {  	_ =	shalt  }
0x75: {  	_ =	shalt  }
0x76: {  	_ =	shalt  }
0x77: {  	_ =	shalt  }
0x78: {  	_ =	shalt  }
0x79: {  	_ =	shalt  }
0x7a: {  	_ =	shalt  }
0x7b: {  	_ =	shalt  }
0x7c: {  	_ =	shalt  }
0x7d: {  	_ =	shalt  }
0x7e: {  	_ =	shalt  }
0x7f: {  	_ =	shalt  }
0x80: {  	_ =	shalt  }
0x81: {  	_ =	shalt  }
0x82: {  	_ =	shalt  }
0x83: {  	_ =	shalt  }
0x84: {  	_ =	shalt  }
0x85: {  	_ =	shalt  }
0x86: {  	_ =	shalt  }
0x87: {  	_ =	shalt  }
.Lfunc_end0:
.L_simem_size_0:
called_computation.1_lowered:
.L_overlay_start_0:
0x88: {  	s2 =	sld [smem:$0x3FD9]  }
0x89: {  	s3 =	sld [smem:$0x3FFE];
	_ =	sdelay $0x1  }
0x8a: {  	s1 =	srdreg.scid  }
0x8b: {  	s0 =	sand.u32 $0x1, s1  }
0x8c: {  	s17 =	sshll.u32 s0, $0xA;
	s2 =	sadd.s32 s3, s2  }
0x8d: {  	s2 =	sadd.s32 s2, s17  }
0x8e: {  	[smem:$0x3FC6] =	sst s2  }
0x8f: {  	_ = 	snop  }
0x90: {  	s2 =	sld [smem:$0x3FD0];
	(tm) =	ssettm $0x1  }
0x91: {  	s18 =	sld [smem:$0x3FFB];
	_ =	sdelay $0x3  }
0x92: {  	_ =	strace s18  }
0x93: {  	s3 =	sld [smem:$0x3FFC];
	_ =	sdelay $0x3  }
0x94: {  	_ =	strace s3  }
0x95: {  	s3 =	sld [smem:$0x3FFD];
	_ =	sdelay $0x3  }
0x96: {  	_ =	strace s3  }
0x97: {  	_ =	strace $0x8FFFFFFF  }
0x98: {  	s19 =	sld [smem:$0x3FDB];
	_ =	sdelay $0x1  }
0x99: {  	s4 =	simm.s32 $_scs_section_size  }
0x9a: {  	s5 =	simm.s32 $_size__tile_overlayer_lowered;
	s6 =	simm.s32 $_tile_overlayer_lowered  }
0x9b: {  	s22 =	simm.s32 $0x1BFF;
	s21 =	sshll.u32 s6, $0x1;
	s3 =	sadd.s32 s4, s19  }
0x9c: {  	s7 =	simm.s32 $0x0;
	s20 =	sshll.u32 s5, $0x1;
	s5 =	sadd.s32 s21, s3  }
0x9d: {  	[timem:s7], [sflag:s22] =	dma.local [hbm:s5], s20  }
0x9e: {  	_ =	swait.ge [sflag:s22], s20  }
0x9f: {  	s4 =	ssub.s32 $0x0, s20;
	[sflag:s22] =	ssyncset.done $0x0  }
0xa0: {  	[sflag:s22] =	ssyncadd.s32 s4;
	_ =	sdelay $0x1  }
0xa1: {  	s23 =	simm.s32 $0x1B8B  }
0xa2: {  	_ =	swait.ge [sflag:s23], $0x1  }
0xa3: {  	[sflag:s23] =	ssyncset.done $0x0  }
0xa4: {  	s25 =	simm.s32 $0x1B8E;
	s24 =	sld [smem:$0x3FFE];
	[sflag:s23] =	ssyncadd.s32 $0xFFFFFFFF  }
0xa5: {  	s26 =	simm.s32 $execute0_lowered;
	[smem:$0x3FD2] =	sst s25  }
0xa6: {  	s5 =	sshll.u32 s26, $0x1;
	_ =	strace $0x80000049;
	[dreg:$0x1] =	wrdreg $0xFFFFFFFF  }
0xa7: {  	s28 =	simm.s32 $_size_execute0_lowered;
	s3 =	sadd.s32 s3, s5;
	[dreg:$0x0] =	wrdreg $0x0  }
0xa8: {  	s5 =	sshll.u32 s28, $0x1;
	[dreg:$0x2] =	wrdreg s3  }
0xa9: {  	[dreg:$0x3] =	wrdreg s5  }
0xaa: {  	[dreg:$0x4] =	wrdreg $0xC0  }
0xab: {  	_ =	task [dreg:s7], $0x5FFFF  }
0xac: {  	[dreg:$0x1] =	wrdreg $0xFFFFFFFF  }
0xad: {  	[dreg:$0x0] =	wrdreg $0x60  }
0xae: {  	[dreg:$0x2] =	wrdreg s24  }
0xaf: {  	[dreg:$0x3] =	wrdreg s2  }
0xb0: {  	[dreg:$0x4] =	wrdreg $0x9  }
0xb1: {  	_ =	task.clear_ibuf [dreg:s7], $0x5FFFF;
	_ =	strace $0x90000049  }
0xb2: {  	s29 =	simm.s32 $0x9;
	_ =	strace $0x8000004B  }
0xb3: {  	_ =	swait.ge [sflag:s29], $0x1  }
0xb4: {  	[sflag:s29] =	ssyncadd.s32 $0xFFFFFFFF  }
0xb5: {  	_ =	strace $0x9000004B  }
0xb6: {  	_ =	sfence  }
0xb7: {  	s30 =	sld [smem:$0x0];
	_ =	sdelay $0x2  }
0xb8: {  	s31 =	sshll.u32 s1, $0xD;
	s1 =	sshrl.u32 s1, $0x2  }
0xb9: {  	s3 =	sand.u32 $0x4000, s31;
	s1 =	sadd.s32 s1, s30  }
0xba: {  	s0 =	sor.u32 s3, s0;
	s1 =	sshll.u32 s1, $0x11  }
0xbb: {  	s0 =	sor.u32 s1, s0  }
0xbc: {  	s0 =	sadd.s32 $0x8F2B, s0  }
0xbd: {  	[sflag:s0] =	ssyncadd.remote.s32 $0x1  }
0xbe: {  	_ =	sfence.sel $0xFFFF  }
0xbf: {  	[dreg:$0x0] =	wrdreg $0xFFFFFFFF;
	(pc) =	sbr.abs _section_cstart, $3  }
0xc0: {  	[dreg:$0x1] =	wrdreg $0xFFFFFFFF  }
0xc1: {  	_ =	task.clear_ibuf [dreg:s7], $0x2FFFF;
	_ =	strace $0x9FFFFFFF  }
0xc2: {  	(tm) =	ssettm $0x7FFFFFFF  }
0xc3: {  	_ =	shalt  }
tec
execute0_lowered:
.L_overlay_start_1:
0x0: {  	(tag) =	ssettag $0x1  }
0x1: {  	s4 =	rddreg [dreg:$0x0]  }
0x2: {  	s1 =	rddreg [dreg:$0x1]  }
0x3: {  	s0 =	rddreg [dreg:$0x2];
	s2 =	simm.s32 $0x0  }
0x4: {  	s3 =	srdreg.scid;
	s9 =	simm.s32 $0x1;
	s10 =	simm.s32 $0x4000  }
0x5: {  	s11 =	simm.s32 $0x0;
	[smem:$0x7FF] =	sst s2;
	s5 =	sand.u32 $0x1, s3  }
0x6: {  	s3 =	stileid.u32;
	s4 =	sadd.s32 $0x100A00, s4;
	s6 =	ssub.s32 $0x2, s5  }
0x7: {  	s8 =	sshll.u32 s3, $0xC;
	s5 =	sshll.u32 s5, $0xB;
	s7 =	sshrl.u32 s6, $0x1  }
0x8: {  	_ =	strace $0x8000004A;
	s5 =	sor.u32 s5, s8;
	s6 =	ssub.s32 s6, s7  }
0x9: {  	v0 =	vimm.s32 $0x0;
	v1 =	vimm.s32 $0x2;
	s8 =	simm.s32 $0x80000;
	s7 =	simm.s32 $0x1000;
	s6 =	smax.u32 s6, $0x1  }
.LBB2_1:
0xa: {  	s12 =	simm.s32 $0x0  }
.LBB2_2:
0xb: {  	s13 =	sshll.u32 s12, $0x9;
	s14 =	sshll.u32 s12, $0x10  }
0xc: {  	s15 =	sand.u32 $0x600, s13;
	s13 =	sand.u32 $0xC0000, s14  }
0xd: {  	s14 =	sor.u32 s5, s15;
	s31 =	sadd.s32 s4, s13  }
0xe: {  	s15 =	simm.s32 $0x0;
	s16 =	sadd.s32 s14, s31  }
0xf: {  	[tilespmem:s15], [sflag:$0x1] =	stream.strided.gather [hbm4b:s16+s7], $0x4000, s8, s7, $0x38;
	[tilespmem:$0x4800] =	vst v63  }
0x10: {  	_ =	swait.ge [sflag:s9], $0x4000  }
0x11: {  	[sflag:s9] =	ssyncset.done $0x0  }
0x12: {  	s16 =	simm.s32 $0x0;
	[sflag:s9] =	ssyncadd.s32 $0xFFFFC000  }
.LBB2_3:
0x13: {  	s18 =	sshll.u32 s16, $0x7  }
0x14: {  	s17 =	sand.u32 $0x70, s15;
	s18 =	sand.u32 $0x3FFFFC00, s18  }
0x15: {  	s18 =	sor.u32 s17, s18  }
0x16: {  	v33 =	vld [tilespmem:s18+$0x0]  }
0x17: {  	v18 =	vld [tilespmem:s18+$0x80]  }
0x18: {  	v12 =	vld [tilespmem:s18+$0x2000]  }
0x19: {  	v21 =	vld [tilespmem:s18+$0x2080]  }
0x1a: {  	v29 =	vld [tilespmem:s18+$0x180]  }
0x1b: {  	v30 =	vld [tilespmem:s18+$0x200]  }
0x1c: {  	v26 =	vld [tilespmem:s18+$0x2100]  }
0x1d: {  	v27 =	vld [tilespmem:s18+$0x280]  }
0x1e: {  	v32 =	vld [tilespmem:s18+$0x2200]  }
0x1f: {  	v28 =	vld [tilespmem:s18+$0x2280]  }
0x20: {  	v23 =	vld [tilespmem:s18+$0x300]  }
0x21: {  	v25 =	vld [tilespmem:s18+$0x2300]  }
0x22: {  	v22 =	vld [tilespmem:s18+$0x2380];
	v2 =	vsub.f32 v18, v33  }
0x23: {  	v19 =	vld [tilespmem:s18+$0x3000];
	v3 =	vsub.f32 v21, v12;
	v4 =	vsub.f32 v26, v12  }
0x24: {  	v15 =	vld [tilespmem:s18+$0x1080];
	v5 =	vsub.f32 v29, v33;
	v6 =	vsub.f32 v30, v33  }
0x25: {  	v16 =	vld [tilespmem:s18+$0x3080];
	v7 =	vsub.f32 v32, v12;
	v8 =	vsub.f32 v27, v33  }
0x26: {  	v13 =	vld [tilespmem:s18+$0x1100];
	v45 =	vsub.f32 v28, v12;
	v48 =	vsub.f32 v23, v33  }
0x27: {  	v14 =	vld [tilespmem:s18+$0x3100];
	v9 =	vsub.f32 v25, v12;
	v51 =	vsub.f32 v22, v12  }
0x28: {  	v31 =	vld [tilespmem:s18+$0x2180];
	v53 =	vsub.f32 v19, v12;
	v2 =	vmul.f32 v2, v2;
	v3 =	vmul.f32 v3, v3  }
0x29: {  	v11 =	vsub.f32 v15, v33;
	v4 =	vmul.f32 v4, v4;
	v5 =	vmul.f32 v5, v5  }
0x2a: {  	v24 =	vld [tilespmem:s18+$0x100];
	v39 =	vsub.f32 v16, v12;
	v44 =	vmul.f32 v6, v6;
	v46 =	vmul.f32 v7, v7  }
0x2b: {  	v40 =	vsub.f32 v13, v33;
	v47 =	vmul.f32 v8, v8;
	v6 =	vmul.f32 v45, v45  }
0x2c: {  	v41 =	vsub.f32 v14, v12;
	v49 =	vmul.f32 v48, v48;
	v50 =	vmul.f32 v9, v9;
	v9 =	vld [tilespmem:s18+$0x1180]  }
0x2d: {  	v62 =	vsub.f32 v31, v21;
	v8 =	vld [tilespmem:s18+$0x3200];
	v11 =	vmul.f32 v11, v11;
	v39 =	vmul.f32 v39, v39  }
0x2e: {  	v40 =	vmul.f32 v40, v40;
	v41 =	vmul.f32 v41, v41;
	v2 =	vadd.f32 v3, v2  }
0x2f: {  	v7 =	vmul.f32 v53, v53;
	v3 =	vsub.f32 v24, v33;
	v39 =	vadd.f32 v39, v11  }
0x30: {  	v53 =	vsub.f32 v19, v21;
	v40 =	vadd.f32 v41, v40;
	vm0 =	vle.f32 v2, $4.000000000e+00  }
0x31: {  	v10 =	vld [tilespmem:s18+$0x3180];
	v2 =	vmul.f32 v3, v3;
	v3 =	vsub.f32 v31, v12;
	vm12 =	vle.f32 v39, $4.000000000e+00  }
0x32: {  	vm13 =	vle.f32 v40, $4.000000000e+00;
	v43 =	vsub.f32 v9, v33;
	v57 =	vsub.f32 v8, v12  }
0x33: {  	vm8 =	vmneg vm0;
	v3 =	vmul.f32 v3, v3;
	v2 =	vadd.f32 v4, v2  }
0x34: {  	v4 =	vmul.f32 v51, v51;
	v51 =	vsub.f32 v29, v18;
	v54 =	vmul.f32 v43, v43  }
0x35: {  	v20 =	vld [tilespmem:s18+$0x380];
	v3 =	vadd.f32 v3, v5;
	vm1 =	vle.f32 v2, $4.000000000e+00;
	v2 =	vadd.f32 v46, v44  }
0x36: {  	v17 =	vld [tilespmem:s18+$0x1000];
	v60 =	vmul.f32 v57, v57;
	v44 =	vsub.f32 v10, v12;
	v34 =	vsel vm1, $0x1, v0  }
0x37: {  	vm2 =	vle.f32 v3, $4.000000000e+00;
	v3 =	vadd.f32 v6, v47;
	vm15 =	vle.f32 v2, $4.000000000e+00  }
0x38: {  	v5 =	vld [tilespmem:s18+$0x3280];
	v2 =	vadd.f32 v50, v49;
	v55 =	vmul.f32 v44, v44;
	v49 =	vsub.f32 v24, v18  }
0x39: {  	v50 =	vsub.f32 v26, v21;
	v35 =	vsel vm2, $0x1, v0;
	v36 =	vsel vm15, $0x1, v0  }
0x3a: {  	v6 =	vld [tilespmem:s18+$0x1200];
	vm4 =	vle.f32 v3, $4.000000000e+00;
	v3 =	vsub.f32 v20, v33;
	vm5 =	vle.f32 v2, $4.000000000e+00  }
0x3b: {  	v2 =	vsub.f32 v17, v33;
	v44 =	vadd.f32 v55, v54;
	v49 =	vmul.f32 v49, v49  }
0x3c: {  	v50 =	vmul.f32 v50, v50;
	v54 =	vmul.f32 v51, v51;
	v55 =	vsub.f32 v30, v18  }
0x3d: {  	v37 =	vsel vm4, $0x1, v0;
	v45 =	vsel vm5, $0x1, v0;
	v61 =	vsub.f32 v5, v12  }
0x3e: {  	v52 =	vmul.f32 v3, v3;
	v3 =	vld [tilespmem:s18+$0x1280];
	v38 =	vmul.f32 v2, v2;
	v63 =	vadd.f32 v50, v49  }
0x3f: {  	v2 =	vld [tilespmem:s18+$0x1300];
	v57 =	vmul.f32 v55, v55;
	v50 =	vsel vm8, $0x1, v0;
	v56 =	vsub.f32 v6, v33  }
0x40: {  	v42 =	vadd.f32 v4, v52;
	v4 =	vld [tilespmem:s18+$0x3300];
	v38 =	vadd.f32 v7, v38;
	vm9 =	vle.f32 v63, $4.000000000e+00  }
0x41: {  	v7 =	vld [tilespmem:s18+$0x1380];
	v52 =	vsub.f32 v23, v18;
	v59 =	vmul.f32 v56, v56;
	v56 =	vsub.f32 v32, v21  }
0x42: {  	v11 =	vld [tilespmem:s18+$0x3380];
	vm6 =	vle.f32 v42, $4.000000000e+00;
	v42 =	vmul.f32 v61, v61;
	vm7 =	vle.f32 v38, $4.000000000e+00  }
0x43: {  	v61 =	vsub.f32 v27, v18;
	v43 =	vsel vm6, $0x1, v0;
	v58 =	vsub.f32 v3, v33  }
0x44: {  	v47 =	vsub.f32 v2, v33;
	v41 =	vadd.f32 v60, v59;
	v51 =	vsel vm7, $0x1, v0  }
0x45: {  	vm6 =	vle.f32 v44, $4.000000000e+00;
	v46 =	vmul.f32 v58, v58;
	v48 =	vsub.f32 v4, v12  }
0x46: {  	v47 =	vmul.f32 v47, v47;
	v33 =	vsub.f32 v7, v33;
	v58 =	vmul.f32 v56, v56  }
0x47: {  	v12 =	vsub.f32 v11, v12;
	v56 =	vsub.f32 v25, v21;
	vm7 =	vle.f32 v41, $4.000000000e+00  }
0x48: {  	v48 =	vmul.f32 v48, v48;
	v38 =	vadd.f32 v42, v46;
	v42 =	vmul.f32 v62, v62  }
0x49: {  	v33 =	vmul.f32 v33, v33;
	v59 =	vadd.f32 v58, v57;
	v12 =	vmul.f32 v12, v12  }
0x4a: {  	v62 =	vsub.f32 v28, v21;
	v58 =	vmul.f32 v52, v52;
	v52 =	vsub.f32 v17, v18  }
0x4b: {  	v46 =	vadd.f32 v48, v47;
	v42 =	vadd.f32 v42, v54;
	v47 =	vnsel vm9, $0x0, v50  }
0x4c: {  	vm11 =	vle.f32 v59, $4.000000000e+00;
	v33 =	vadd.f32 v12, v33;
	v49 =	vmul.f32 v62, v62  }
0x4d: {  	v59 =	vsub.f32 v20, v18;
	v48 =	vsel vm13, $0x1, v0;
	vm8 =	vle.f32 v38, $4.000000000e+00  }
0x4e: {  	v63 =	vnsel vm11, $0x0, v50;
	v12 =	vor.u32 v34, v47;
	v34 =	vmul.f32 v56, v56  }
0x4f: {  	v56 =	vmul.f32 v52, v52;
	v47 =	vsel vm8, $0x1, v0;
	vm10 =	vle.f32 v42, $4.000000000e+00  }
0x50: {  	v42 =	vmul.f32 v61, v61;
	v36 =	vor.u32 v36, v63;
	v61 =	vmul.f32 v59, v59  }
0x51: {  	v59 =	vsub.f32 v16, v21;
	vm9 =	vle.f32 v46, $4.000000000e+00;
	vm11 =	vle.f32 v33, $4.000000000e+00  }
0x52: {  	v60 =	vnsel vm10, $0x0, v50;
	v34 =	vadd.f32 v34, v58;
	v58 =	vsub.f32 v15, v18  }
0x53: {  	v35 =	vor.u32 v35, v60;
	v57 =	vadd.f32 v49, v42;
	v60 =	vsub.f32 v22, v21  }
0x54: {  	v46 =	vsel vm9, $0x1, v0;
	v49 =	vsel vm12, $0x1, v0;
	vm15 =	vle.f32 v34, $4.000000000e+00  }
0x55: {  	v34 =	vmul.f32 v58, v58;
	vm14 =	vle.f32 v57, $4.000000000e+00;
	v62 =	vmul.f32 v60, v60  }
0x56: {  	v55 =	vnsel vm15, $0x0, v50;
	v57 =	vmul.f32 v53, v53;
	v63 =	vnsel vm14, $0x0, v50  }
0x57: {  	v39 =	vor.u32 v45, v55;
	v55 =	vsub.f32 v10, v21;
	v54 =	vadd.f32 v62, v61  }
0x58: {  	v37 =	vor.u32 v37, v63;
	v40 =	vadd.f32 v57, v56;
	v62 =	vsub.f32 v13, v18  }
0x59: {  	v61 =	vmul.f32 v59, v59;
	v63 =	vsub.f32 v14, v21;
	v59 =	vsub.f32 v6, v18  }
0x5a: {  	v58 =	vmul.f32 v55, v55;
	v55 =	vsub.f32 v5, v21;
	vm4 =	vle.f32 v54, $4.000000000e+00  }
0x5b: {  	vm5 =	vle.f32 v40, $4.000000000e+00;
	v34 =	vadd.f32 v61, v34;
	v52 =	vmul.f32 v62, v62  }
0x5c: {  	v53 =	vmul.f32 v63, v63;
	v54 =	vsub.f32 v9, v18;
	v61 =	vsel vm6, $0x1, v0  }
0x5d: {  	v62 =	vsel vm7, $0x1, v0;
	v63 =	vmul.f32 v59, v59;
	v60 =	vnsel vm4, $0x0, v50  }
0x5e: {  	v56 =	vnsel vm5, $0x0, v50;
	v45 =	vmul.f32 v55, v55;
	v43 =	vor.u32 v43, v60  }
0x5f: {  	v40 =	vadd.f32 v53, v52;
	v57 =	vmul.f32 v54, v54;
	v60 =	vsub.f32 v8, v21  }
0x60: {  	v44 =	vor.u32 v51, v56;
	v54 =	vsub.f32 v3, v18;
	v56 =	vsub.f32 v2, v18  }
0x61: {  	vm10 =	vle.f32 v34, $4.000000000e+00;
	v18 =	vsub.f32 v7, v18;
	v51 =	vsub.f32 v32, v31  }
0x62: {  	v34 =	vnsel vm10, $0x0, v50;
	v41 =	vadd.f32 v58, v57;
	v52 =	vmul.f32 v60, v60  }
0x63: {  	v34 =	vor.u32 v49, v34;
	v49 =	vsel vm11, $0x1, v0;
	vm12 =	vle.f32 v40, $4.000000000e+00  }
0x64: {  	v38 =	vmul.f32 v54, v54;
	v58 =	vsub.f32 v4, v21;
	v21 =	vsub.f32 v11, v21  }
0x65: {  	v18 =	vmul.f32 v18, v18;
	v40 =	vnsel vm12, $0x0, v50;
	v53 =	vadd.f32 v52, v63  }
0x66: {  	v40 =	vor.u32 v48, v40;
	vm13 =	vle.f32 v41, $4.000000000e+00;
	v41 =	vmul.f32 v56, v56  }
0x67: {  	v57 =	vadd.f32 v45, v38;
	v38 =	vmul.f32 v58, v58;
	v21 =	vmul.f32 v21, v21  }
0x68: {  	v63 =	vsub.f32 v29, v24;
	v52 =	vsub.f32 v31, v26;
	v59 =	vnsel vm13, $0x0, v50  }
0x69: {  	v56 =	vsub.f32 v30, v24;
	vm14 =	vle.f32 v53, $4.000000000e+00;
	v42 =	vor.u32 v61, v59  }
0x6a: {  	vm15 =	vle.f32 v57, $4.000000000e+00;
	v61 =	vadd.f32 v38, v41;
	v18 =	vadd.f32 v21, v18  }
0x6b: {  	v54 =	vmul.f32 v63, v63;
	v55 =	vmul.f32 v52, v52;
	v57 =	vsub.f32 v32, v26  }
0x6c: {  	v21 =	vxor.u32 $0x1, v12;
	v63 =	vsub.f32 v23, v24;
	v60 =	vnsel vm14, $0x0, v50  }
0x6d: {  	v45 =	vor.u32 v62, v60;
	v62 =	vnsel vm15, $0x0, v50;
	vm4 =	vle.f32 v61, $4.000000000e+00  }
0x6e: {  	vm5 =	vle.f32 v18, $4.000000000e+00;
	v33 =	vadd.f32 v55, v54;
	v18 =	vmul.f32 v56, v56  }
0x6f: {  	v59 =	vmul.f32 v57, v57;
	v60 =	vsub.f32 v27, v24;
	v61 =	vsub.f32 v28, v26  }
0x70: {  	v56 =	vsub.f32 v25, v26;
	v57 =	vmul.f32 v63, v63;
	v55 =	vsub.f32 v19, v26  }
0x71: {  	v38 =	vor.u32 v47, v62;
	v53 =	vnsel vm4, $0x0, v50;
	v58 =	vnsel vm5, $0x0, v50  }
0x72: {  	v50 =	vsub.f32 v30, v29;
	v46 =	vor.u32 v46, v53;
	vm6 =	vle.f32 v33, $4.000000000e+00  }
0x73: {  	v41 =	vadd.f32 v59, v18;
	v47 =	vmul.f32 v60, v60;
	v33 =	vmul.f32 v61, v61  }
0x74: {  	v48 =	vor.u32 v49, v58;
	v58 =	vmul.f32 v56, v56;
	v60 =	vsub.f32 v20, v24  }
0x75: {  	v61 =	vsub.f32 v22, v26;
	v53 =	vsub.f32 v17, v24;
	v62 =	vnsel vm6, $0x0, v21  }
0x76: {  	v18 =	vor.u32 v62, v35;
	vm7 =	vle.f32 v41, $4.000000000e+00;
	v33 =	vadd.f32 v33, v47  }
0x77: {  	v62 =	vadd.f32 v58, v57;
	v63 =	vmul.f32 v60, v60;
	v52 =	vmul.f32 v61, v61  }
0x78: {  	v57 =	vmul.f32 v53, v53;
	v58 =	vsub.f32 v15, v24;
	v59 =	vnsel vm7, $0x0, v21  }
0x79: {  	v36 =	vor.u32 v59, v36;
	vm8 =	vle.f32 v33, $4.000000000e+00;
	vm9 =	vle.f32 v62, $4.000000000e+00  }
0x7a: {  	v35 =	vadd.f32 v52, v63;
	v33 =	vmul.f32 v55, v55;
	v59 =	vsub.f32 v16, v26  }
0x7b: {  	v60 =	vmul.f32 v58, v58;
	v63 =	vsub.f32 v13, v24;
	v52 =	vsub.f32 v14, v26  }
0x7c: {  	v58 =	vsub.f32 v10, v26;
	v54 =	vnsel vm8, $0x0, v21;
	v56 =	vnsel vm9, $0x0, v21  }
0x7d: {  	v37 =	vor.u32 v54, v37;
	v39 =	vor.u32 v56, v39;
	vm10 =	vle.f32 v35, $4.000000000e+00  }
0x7e: {  	v33 =	vadd.f32 v33, v57;
	v61 =	vmul.f32 v59, v59;
	v54 =	vmul.f32 v63, v63  }
0x7f: {  	v55 =	vmul.f32 v52, v52;
	v56 =	vsub.f32 v9, v24;
	v62 =	vnsel vm10, $0x0, v21  }
0x80: {  	v43 =	vor.u32 v62, v43;
	vm11 =	vle.f32 v33, $4.000000000e+00;
	v53 =	vadd.f32 v61, v60  }
0x81: {  	v35 =	vadd.f32 v55, v54;
	v60 =	vmul.f32 v56, v56;
	v61 =	vsub.f32 v6, v24  }
0x82: {  	v33 =	vmul.f32 v58, v58;
	v62 =	vsub.f32 v8, v26;
	v54 =	vsub.f32 v3, v24  }
0x83: {  	v55 =	vsub.f32 v5, v26;
	v57 =	vnsel vm11, $0x0, v21;
	vm12 =	vle.f32 v53, $4.000000000e+00  }
0x84: {  	v44 =	vor.u32 v57, v44;
	vm13 =	vle.f32 v35, $4.000000000e+00;
	v63 =	vmul.f32 v61, v61  }
0x85: {  	v33 =	vadd.f32 v33, v60;
	v52 =	vmul.f32 v62, v62;
	v57 =	vmul.f32 v54, v54  }
0x86: {  	v58 =	vmul.f32 v55, v55;
	v61 =	vsub.f32 v4, v26;
	v26 =	vsub.f32 v11, v26  }
0x87: {  	v54 =	vmul.f32 v51, v51;
	v55 =	vsub.f32 v27, v29;
	v59 =	vnsel vm12, $0x0, v21  }
0x88: {  	v51 =	vsub.f32 v28, v32;
	v53 =	vnsel vm13, $0x0, v21;
	v34 =	vor.u32 v59, v34  }
0x89: {  	v40 =	vor.u32 v53, v40;
	vm14 =	vle.f32 v33, $4.000000000e+00;
	v56 =	vadd.f32 v52, v63  }
0x8a: {  	v59 =	vsub.f32 v2, v24;
	v35 =	vadd.f32 v58, v57;
	v33 =	vmul.f32 v61, v61  }
0x8b: {  	v24 =	vsub.f32 v7, v24;
	v26 =	vmul.f32 v26, v26;
	v53 =	vmul.f32 v50, v50  }
0x8c: {  	v50 =	vsub.f32 v27, v30;
	v60 =	vnsel vm14, $0x0, v21;
	vm15 =	vle.f32 v56, $4.000000000e+00  }
0x8d: {  	v63 =	vmul.f32 v59, v59;
	v42 =	vor.u32 v60, v42;
	vm4 =	vle.f32 v35, $4.000000000e+00  }
0x8e: {  	v24 =	vmul.f32 v24, v24;
	v56 =	vsub.f32 v28, v31;
	v59 =	vsub.f32 v23, v29  }
0x8f: {  	v60 =	vsub.f32 v25, v31;
	v62 =	vnsel vm15, $0x0, v21;
	v35 =	vnsel vm4, $0x0, v21  }
0x90: {  	v45 =	vor.u32 v62, v45;
	v33 =	vadd.f32 v33, v63;
	v35 =	vor.u32 v35, v38  }
0x91: {  	v24 =	vadd.f32 v26, v24;
	v58 =	vmul.f32 v56, v56;
	v26 =	vxor.u32 $0x1, v18  }
0x92: {  	v41 =	vmul.f32 v59, v59;
	v62 =	vsub.f32 v20, v29;
	v63 =	vsub.f32 v22, v31  }
0x93: {  	vm5 =	vle.f32 v33, $4.000000000e+00;
	vm6 =	vle.f32 v24, $4.000000000e+00;
	v24 =	vmul.f32 v55, v55  }
0x94: {  	v33 =	vadd.f32 v54, v53;
	v54 =	vmul.f32 v62, v62;
	v55 =	vmul.f32 v63, v63  }
0x95: {  	v63 =	vsub.f32 v15, v29;
	v52 =	vnsel vm5, $0x0, v21;
	v57 =	vnsel vm6, $0x0, v21  }
0x96: {  	v46 =	vor.u32 v52, v46;
	vm7 =	vle.f32 v33, $4.000000000e+00;
	v38 =	vadd.f32 v58, v24  }
0x97: {  	v33 =	vmul.f32 v60, v60;
	v47 =	vor.u32 v57, v48;
	v57 =	vsub.f32 v17, v29  }
0x98: {  	v58 =	vsub.f32 v19, v31;
	v59 =	vadd.f32 v55, v54;
	v61 =	vnsel vm7, $0x0, v26  }
0x99: {  	v52 =	vsub.f32 v16, v31;
	v55 =	vsub.f32 v13, v29;
	v24 =	vor.u32 v61, v36  }
0x9a: {  	vm8 =	vle.f32 v38, $4.000000000e+00;
	v33 =	vadd.f32 v33, v41;
	v61 =	vmul.f32 v57, v57  }
0x9b: {  	v62 =	vmul.f32 v58, v58;
	vm10 =	vle.f32 v59, $4.000000000e+00;
	v54 =	vmul.f32 v52, v52  }
0x9c: {  	v58 =	vmul.f32 v55, v55;
	v59 =	vsub.f32 v9, v29;
	v56 =	vnsel vm8, $0x0, v26  }
0x9d: {  	v53 =	vnsel vm10, $0x0, v26;
	v37 =	vor.u32 v56, v37;
	vm9 =	vle.f32 v33, $4.000000000e+00  }
0x9e: {  	v38 =	vadd.f32 v62, v61;
	v33 =	vmul.f32 v63, v63;
	v56 =	vsub.f32 v14, v31  }
0x9f: {  	v61 =	vsub.f32 v6, v29;
	v62 =	vsub.f32 v8, v31;
	v60 =	vnsel vm9, $0x0, v26  }
0xa0: {  	v63 =	vmul.f32 v59, v59;
	v36 =	vor.u32 v60, v39;
	v39 =	vor.u32 v53, v43  }
0xa1: {  	vm11 =	vle.f32 v38, $4.000000000e+00;
	v33 =	vadd.f32 v54, v33;
	v38 =	vmul.f32 v56, v56  }
0xa2: {  	v60 =	vsub.f32 v10, v31;
	v53 =	vmul.f32 v61, v61;
	v54 =	vmul.f32 v62, v62  }
0xa3: {  	v61 =	vsub.f32 v2, v29;
	v62 =	vsub.f32 v4, v31;
	v57 =	vnsel vm11, $0x0, v26  }
0xa4: {  	v43 =	vor.u32 v57, v44;
	v38 =	vadd.f32 v38, v58;
	v52 =	vmul.f32 v60, v60  }
0xa5: {  	vm12 =	vle.f32 v33, $4.000000000e+00;
	v33 =	vadd.f32 v54, v53;
	v58 =	vsub.f32 v3, v29  }
0xa6: {  	v60 =	vsub.f32 v5, v31;
	v29 =	vsub.f32 v7, v29;
	v44 =	vmul.f32 v61, v61  }
0xa7: {  	v31 =	vsub.f32 v11, v31;
	v48 =	vmul.f32 v62, v62;
	v53 =	vmul.f32 v50, v50  }
0xa8: {  	v54 =	vmul.f32 v51, v51;
	v50 =	vsub.f32 v25, v28;
	v55 =	vnsel vm12, $0x0, v26  }
0xa9: {  	vm13 =	vle.f32 v38, $4.000000000e+00;
	v56 =	vadd.f32 v52, v63;
	v34 =	vor.u32 v55, v34  }
0xaa: {  	vm15 =	vle.f32 v33, $4.000000000e+00;
	v38 =	vmul.f32 v58, v58;
	v33 =	vmul.f32 v60, v60  }
0xab: {  	v29 =	vmul.f32 v29, v29;
	v31 =	vmul.f32 v31, v31;
	v49 =	vadd.f32 v48, v44  }
0xac: {  	v55 =	vsub.f32 v23, v30;
	v58 =	vsub.f32 v20, v30;
	v57 =	vnsel vm13, $0x0, v26  }
0xad: {  	v63 =	vnsel vm15, $0x0, v26;
	v40 =	vor.u32 v57, v40;
	vm14 =	vle.f32 v56, $4.000000000e+00  }
0xae: {  	v33 =	vadd.f32 v33, v38;
	v41 =	vor.u32 v63, v45;
	v29 =	vadd.f32 v31, v29  }
0xaf: {  	vm5 =	vle.f32 v49, $4.000000000e+00;
	v56 =	vsub.f32 v25, v32;
	v31 =	vxor.u32 $0x1, v24  }
0xb0: {  	v61 =	vmul.f32 v58, v58;
	v63 =	vsub.f32 v17, v30;
	v58 =	vsub.f32 v16, v32  }
0xb1: {  	v49 =	vsub.f32 v23, v27;
	v59 =	vnsel vm14, $0x0, v26;
	v52 =	vnsel vm5, $0x0, v26  }
0xb2: {  	v38 =	vor.u32 v59, v42;
	vm4 =	vle.f32 v33, $4.000000000e+00;
	vm6 =	vle.f32 v29, $4.000000000e+00  }
0xb3: {  	v29 =	vadd.f32 v54, v53;
	v42 =	vmul.f32 v55, v55;
	v45 =	vmul.f32 v56, v56  }
0xb4: {  	v59 =	vsub.f32 v22, v32;
	v53 =	vsub.f32 v19, v32;
	v55 =	vmul.f32 v63, v63  }
0xb5: {  	v63 =	vsub.f32 v13, v30;
	v33 =	vnsel vm4, $0x0, v26;
	v57 =	vnsel vm6, $0x0, v26  }
0xb6: {  	v33 =	vor.u32 v33, v35;
	v35 =	vor.u32 v52, v46;
	v44 =	vor.u32 v57, v47  }
0xb7: {  	vm7 =	vle.f32 v29, $4.000000000e+00;
	v60 =	vadd.f32 v45, v42;
	v62 =	vmul.f32 v59, v59  }
0xb8: {  	v56 =	vmul.f32 v53, v53;
	v57 =	vsub.f32 v15, v30;
	v52 =	vnsel vm7, $0x0, v31  }
0xb9: {  	vm8 =	vle.f32 v60, $4.000000000e+00;
	v42 =	vadd.f32 v62, v61;
	v29 =	vor.u32 v52, v37  }
0xba: {  	v59 =	vadd.f32 v56, v55;
	v60 =	vmul.f32 v57, v57;
	v61 =	vmul.f32 v58, v58  }
0xbb: {  	v52 =	vsub.f32 v14, v32;
	v56 =	vsub.f32 v9, v30;
	v54 =	vnsel vm8, $0x0, v31  }
0xbc: {  	v58 =	vsub.f32 v10, v32;
	v36 =	vor.u32 v54, v36;
	vm9 =	vle.f32 v42, $4.000000000e+00  }
0xbd: {  	vm10 =	vle.f32 v59, $4.000000000e+00;
	v54 =	vmul.f32 v63, v63;
	v55 =	vmul.f32 v52, v52  }
0xbe: {  	v53 =	vadd.f32 v61, v60;
	v60 =	vmul.f32 v56, v56;
	v37 =	vmul.f32 v58, v58  }
0xbf: {  	v61 =	vsub.f32 v6, v30;
	v62 =	vnsel vm9, $0x0, v31;
	v57 =	vnsel vm10, $0x0, v31  }
0xc0: {  	v39 =	vor.u32 v62, v39;
	vm11 =	vle.f32 v53, $4.000000000e+00;
	v42 =	vadd.f32 v55, v54  }
0xc1: {  	v62 =	vsub.f32 v8, v32;
	v43 =	vor.u32 v57, v43;
	v37 =	vadd.f32 v37, v60  }
0xc2: {  	v63 =	vmul.f32 v61, v61;
	v54 =	vsub.f32 v3, v30;
	v55 =	vsub.f32 v5, v32  }
0xc3: {  	v61 =	vsub.f32 v4, v32;
	v32 =	vsub.f32 v11, v32;
	v59 =	vnsel vm11, $0x0, v31  }
0xc4: {  	v34 =	vor.u32 v59, v34;
	vm12 =	vle.f32 v42, $4.000000000e+00;
	v52 =	vmul.f32 v62, v62  }
0xc5: {  	vm13 =	vle.f32 v37, $4.000000000e+00;
	v57 =	vmul.f32 v54, v54;
	v58 =	vmul.f32 v55, v55  }
0xc6: {  	v59 =	vsub.f32 v2, v30;
	v37 =	vmul.f32 v61, v61;
	v30 =	vsub.f32 v7, v30  }
0xc7: {  	v32 =	vmul.f32 v32, v32;
	v54 =	vsub.f32 v20, v27;
	v55 =	vsub.f32 v22, v28  }
0xc8: {  	v61 =	vsub.f32 v15, v27;
	v53 =	vnsel vm12, $0x0, v31;
	v60 =	vnsel vm13, $0x0, v31  }
0xc9: {  	v40 =	vor.u32 v53, v40;
	v56 =	vadd.f32 v52, v63;
	v63 =	vmul.f32 v59, v59  }
0xca: {  	v42 =	vadd.f32 v58, v57;
	v30 =	vmul.f32 v30, v30;
	v52 =	vmul.f32 v49, v49  }
0xcb: {  	v38 =	vor.u32 v60, v38;
	v53 =	vmul.f32 v50, v50;
	v57 =	vmul.f32 v55, v55  }
0xcc: {  	v58 =	vsub.f32 v17, v27;
	v59 =	vsub.f32 v19, v28;
	v48 =	vmul.f32 v61, v61  }
0xcd: {  	v61 =	vsub.f32 v6, v27;
	vm14 =	vle.f32 v56, $4.000000000e+00;
	vm15 =	vle.f32 v42, $4.000000000e+00  }
0xce: {  	v37 =	vadd.f32 v37, v63;
	v30 =	vadd.f32 v32, v30;
	v32 =	vxor.u32 $0x1, v29  }
0xcf: {  	v45 =	vmul.f32 v58, v58;
	v62 =	vnsel vm14, $0x0, v31;
	v42 =	vnsel vm15, $0x0, v31  }
0xd0: {  	v58 =	vsub.f32 v10, v28;
	v41 =	vor.u32 v62, v41;
	v33 =	vor.u32 v42, v33  }
0xd1: {  	vm4 =	vle.f32 v37, $4.000000000e+00;
	vm5 =	vle.f32 v30, $4.000000000e+00;
	v37 =	vadd.f32 v53, v52  }
0xd2: {  	v30 =	vmul.f32 v54, v54;
	v62 =	vsub.f32 v16, v28;
	v51 =	vnsel vm4, $0x0, v31  }
0xd3: {  	v52 =	vsub.f32 v14, v28;
	v56 =	vnsel vm5, $0x0, v31;
	v35 =	vor.u32 v51, v35  }
0xd4: {  	vm6 =	vle.f32 v37, $4.000000000e+00;
	v42 =	vadd.f32 v57, v30;
	v37 =	vmul.f32 v59, v59  }
0xd5: {  	v44 =	vor.u32 v56, v44;
	v49 =	vmul.f32 v62, v62;
	v51 =	vsub.f32 v13, v27  }
0xd6: {  	v55 =	vmul.f32 v52, v52;
	v56 =	vsub.f32 v9, v27;
	v60 =	vnsel vm6, $0x0, v32  }
0xd7: {  	v62 =	vsub.f32 v8, v28;
	v30 =	vor.u32 v60, v36;
	vm7 =	vle.f32 v42, $4.000000000e+00  }
0xd8: {  	v63 =	vadd.f32 v37, v45;
	v53 =	vadd.f32 v49, v48;
	v54 =	vmul.f32 v51, v51  }
0xd9: {  	v60 =	vmul.f32 v56, v56;
	v36 =	vmul.f32 v58, v58;
	v50 =	vnsel vm7, $0x0, v32  }
0xda: {  	v48 =	vmul.f32 v62, v62;
	v51 =	vsub.f32 v5, v28;
	v39 =	vor.u32 v50, v39  }
0xdb: {  	vm8 =	vle.f32 v63, $4.000000000e+00;
	vm9 =	vle.f32 v53, $4.000000000e+00;
	v37 =	vadd.f32 v55, v54  }
0xdc: {  	v36 =	vadd.f32 v36, v60;
	v63 =	vmul.f32 v61, v61;
	v50 =	vsub.f32 v3, v27  }
0xdd: {  	v54 =	vmul.f32 v51, v51;
	v55 =	vsub.f32 v2, v27;
	v27 =	vsub.f32 v7, v27  }
0xde: {  	v60 =	vsub.f32 v20, v23;
	v57 =	vnsel vm8, $0x0, v32;
	v59 =	vnsel vm9, $0x0, v32  }
0xdf: {  	v61 =	vsub.f32 v22, v25;
	v43 =	vor.u32 v57, v43;
	v34 =	vor.u32 v59, v34  }
0xe0: {  	vm10 =	vle.f32 v37, $4.000000000e+00;
	vm11 =	vle.f32 v36, $4.000000000e+00;
	v52 =	vadd.f32 v48, v63  }
0xe1: {  	v53 =	vmul.f32 v50, v50;
	v57 =	vsub.f32 v4, v28;
	v59 =	vmul.f32 v55, v55  }
0xe2: {  	v28 =	vsub.f32 v11, v28;
	v27 =	vmul.f32 v27, v27;
	v63 =	vmul.f32 v60, v60  }
0xe3: {  	v48 =	vmul.f32 v61, v61;
	v50 =	vsub.f32 v19, v25;
	v60 =	vsub.f32 v9, v23  }
0xe4: {  	v61 =	vsub.f32 v10, v25;
	v49 =	vnsel vm10, $0x0, v32;
	v56 =	vnsel vm11, $0x0, v32  }
0xe5: {  	v40 =	vor.u32 v49, v40;
	vm12 =	vle.f32 v52, $4.000000000e+00;
	v37 =	vadd.f32 v54, v53  }
0xe6: {  	v36 =	vmul.f32 v57, v57;
	v38 =	vor.u32 v56, v38;
	v28 =	vmul.f32 v28, v28  }
0xe7: {  	v49 =	vsub.f32 v17, v23;
	v52 =	vmul.f32 v50, v50;
	v53 =	vsub.f32 v15, v23  }
0xe8: {  	v54 =	vsub.f32 v16, v25;
	v56 =	vsub.f32 v13, v23;
	v58 =	vnsel vm12, $0x0, v32  }
0xe9: {  	v57 =	vsub.f32 v14, v25;
	v41 =	vor.u32 v58, v41;
	vm13 =	vle.f32 v37, $4.000000000e+00  }
0xea: {  	v36 =	vadd.f32 v36, v59;
	v27 =	vadd.f32 v28, v27;
	v28 =	vxor.u32 $0x1, v30  }
0xeb: {  	v42 =	vmul.f32 v54, v54;
	v59 =	vmul.f32 v56, v56;
	v37 =	vnsel vm13, $0x0, v32  }
0xec: {  	v33 =	vor.u32 v37, v33;
	vm14 =	vle.f32 v36, $4.000000000e+00;
	vm15 =	vle.f32 v27, $4.000000000e+00  }
0xed: {  	v36 =	vadd.f32 v48, v63;
	v27 =	vmul.f32 v49, v49;
	v63 =	vsub.f32 v8, v25  }
0xee: {  	v48 =	vmul.f32 v60, v60;
	v49 =	vmul.f32 v61, v61;
	v62 =	vnsel vm14, $0x0, v32  }
0xef: {  	v51 =	vnsel vm15, $0x0, v32;
	v35 =	vor.u32 v62, v35;
	vm4 =	vle.f32 v36, $4.000000000e+00  }
0xf0: {  	v44 =	vor.u32 v51, v44;
	v37 =	vadd.f32 v52, v27;
	v36 =	vmul.f32 v53, v53  }
0xf1: {  	v62 =	vsub.f32 v6, v23;
	v51 =	vmul.f32 v63, v63;
	v53 =	vadd.f32 v49, v48  }
0xf2: {  	v63 =	vsub.f32 v19, v22;
	v48 =	vsub.f32 v15, v20;
	v55 =	vnsel vm4, $0x0, v28  }
0xf3: {  	v49 =	vsub.f32 v16, v22;
	v27 =	vor.u32 v55, v39;
	vm5 =	vle.f32 v37, $4.000000000e+00  }
0xf4: {  	v36 =	vadd.f32 v42, v36;
	v37 =	vmul.f32 v57, v57;
	v50 =	vmul.f32 v62, v62  }
0xf5: {  	vm8 =	vle.f32 v53, $4.000000000e+00;
	v55 =	vsub.f32 v3, v23;
	v57 =	vsub.f32 v5, v25  }
0xf6: {  	v62 =	vsub.f32 v17, v20;
	v47 =	vmul.f32 v63, v63;
	v53 =	vsub.f32 v14, v22  }
0xf7: {  	v63 =	vsub.f32 v6, v20;
	v58 =	vnsel vm5, $0x0, v28;
	v56 =	vnsel vm8, $0x0, v28  }
0xf8: {  	v37 =	vadd.f32 v37, v59;
	vm6 =	vle.f32 v36, $4.000000000e+00;
	v36 =	vadd.f32 v51, v50  }
0xf9: {  	v39 =	vor.u32 v58, v43;
	v58 =	vsub.f32 v2, v23;
	v59 =	vsub.f32 v4, v25  }
0xfa: {  	v23 =	vsub.f32 v7, v23;
	v25 =	vsub.f32 v11, v25;
	v46 =	vmul.f32 v62, v62  }
0xfb: {  	v51 =	vmul.f32 v49, v49;
	v52 =	vnsel vm6, $0x0, v28;
	vm7 =	vle.f32 v37, $4.000000000e+00  }
0xfc: {  	vm9 =	vle.f32 v36, $4.000000000e+00;
	v37 =	vmul.f32 v55, v55;
	v36 =	vmul.f32 v57, v57  }
0xfd: {  	v34 =	vor.u32 v52, v34;
	v43 =	vmul.f32 v58, v58;
	v45 =	vmul.f32 v59, v59  }
0xfe: {  	v23 =	vmul.f32 v23, v23;
	v25 =	vmul.f32 v25, v25;
	v52 =	vsub.f32 v13, v20  }
0xff: {  	v57 =	vsub.f32 v9, v20;
	v59 =	vsub.f32 v10, v22;
	v54 =	vnsel vm7, $0x0, v28  }
0x100: {  	v60 =	vnsel vm9, $0x0, v28;
	v40 =	vor.u32 v54, v40;
	v36 =	vadd.f32 v36, v37  }
0x101: {  	v37 =	vor.u32 v56, v38;
	v38 =	vor.u32 v60, v41;
	v61 =	vadd.f32 v45, v43  }
0x102: {  	v23 =	vadd.f32 v25, v23;
	v41 =	vmul.f32 v48, v48;
	v25 =	vxor.u32 $0x1, v27  }
0x103: {  	v55 =	vmul.f32 v52, v52;
	v56 =	vmul.f32 v53, v53;
	v48 =	vsub.f32 v8, v22  }
0x104: {  	v62 =	vmul.f32 v59, v59;
	v53 =	vsub.f32 v3, v20;
	v43 =	vsub.f32 v2, v6  }
0x105: {  	vm10 =	vle.f32 v36, $4.000000000e+00;
	vm11 =	vle.f32 v61, $4.000000000e+00;
	vm12 =	vle.f32 v23, $4.000000000e+00  }
0x106: {  	v23 =	vadd.f32 v47, v46;
	v54 =	vadd.f32 v51, v41;
	v61 =	vmul.f32 v57, v57  }
0x107: {  	v41 =	vadd.f32 v56, v55;
	v51 =	vmul.f32 v48, v48;
	v56 =	vmul.f32 v53, v53  }
0x108: {  	v53 =	vsub.f32 v9, v17;
	v36 =	vnsel vm10, $0x0, v28;
	v45 =	vnsel vm11, $0x0, v28  }
0x109: {  	v50 =	vnsel vm12, $0x0, v28;
	v33 =	vor.u32 v36, v33;
	v35 =	vor.u32 v45, v35  }
0x10a: {  	v36 =	vor.u32 v50, v44;
	vm13 =	vle.f32 v23, $4.000000000e+00;
	vm14 =	vle.f32 v54, $4.000000000e+00  }
0x10b: {  	vm15 =	vle.f32 v41, $4.000000000e+00;
	v49 =	vadd.f32 v62, v61;
	v54 =	vsub.f32 v5, v22  }
0x10c: {  	v50 =	vmul.f32 v63, v63;
	v63 =	vsub.f32 v15, v17;
	v45 =	vsub.f32 v16, v19  }
0x10d: {  	v42 =	vmul.f32 v53, v53;
	v53 =	vsub.f32 v4, v19;
	v58 =	vnsel vm13, $0x0, v25  }
0x10e: {  	v60 =	vnsel vm14, $0x0, v25;
	v52 =	vnsel vm15, $0x0, v25;
	v23 =	vor.u32 v58, v39  }
0x10f: {  	v34 =	vor.u32 v60, v34;
	v40 =	vor.u32 v52, v40;
	v55 =	vadd.f32 v51, v50  }
0x110: {  	vm4 =	vle.f32 v49, $4.000000000e+00;
	v58 =	vsub.f32 v2, v20;
	v60 =	vsub.f32 v4, v22  }
0x111: {  	v57 =	vmul.f32 v54, v54;
	v20 =	vsub.f32 v7, v20;
	v22 =	vsub.f32 v11, v22  }
0x112: {  	v47 =	vmul.f32 v63, v63;
	v49 =	vsub.f32 v13, v17;
	v50 =	vsub.f32 v14, v19  }
0x113: {  	v48 =	vmul.f32 v45, v45;
	v54 =	vsub.f32 v10, v19;
	v63 =	vsub.f32 v5, v19  }
0x114: {  	v45 =	vsub.f32 v9, v13;
	v59 =	vnsel vm4, $0x0, v25;
	vm5 =	vle.f32 v55, $4.000000000e+00  }
0x115: {  	v41 =	vadd.f32 v57, v56;
	v62 =	vmul.f32 v58, v58;
	v39 =	vmul.f32 v60, v60  }
0x116: {  	v37 =	vor.u32 v59, v37;
	v20 =	vmul.f32 v20, v20;
	v22 =	vmul.f32 v22, v22  }
0x117: {  	v52 =	vmul.f32 v50, v50;
	v56 =	vsub.f32 v6, v17;
	v57 =	vsub.f32 v8, v19  }
0x118: {  	v50 =	vmul.f32 v63, v63;
	v19 =	vsub.f32 v11, v19;
	v61 =	vnsel vm5, $0x0, v25  }
0x119: {  	v38 =	vor.u32 v61, v38;
	vm6 =	vle.f32 v41, $4.000000000e+00;
	v39 =	vadd.f32 v39, v62  }
0x11a: {  	v20 =	vadd.f32 v22, v20;
	v22 =	vxor.u32 $0x1, v23;
	v59 =	vmul.f32 v56, v56  }
0x11b: {  	v60 =	vmul.f32 v57, v57;
	v62 =	vsub.f32 v3, v17;
	v19 =	vmul.f32 v19, v19  }
0x11c: {  	v56 =	vsub.f32 v13, v15;
	v57 =	vsub.f32 v14, v16;
	v41 =	vnsel vm6, $0x0, v25  }
0x11d: {  	v33 =	vor.u32 v41, v33;
	vm7 =	vle.f32 v39, $4.000000000e+00;
	vm8 =	vle.f32 v20, $4.000000000e+00  }
0x11e: {  	v39 =	vadd.f32 v48, v47;
	v20 =	vmul.f32 v49, v49;
	v49 =	vmul.f32 v62, v62  }
0x11f: {  	v48 =	vadd.f32 v60, v59;
	v59 =	vmul.f32 v56, v56;
	v60 =	vmul.f32 v57, v57  }
0x120: {  	v62 =	vsub.f32 v10, v16;
	v57 =	vsub.f32 v2, v15;
	v46 =	vnsel vm7, $0x0, v25  }
0x121: {  	v47 =	vsub.f32 v6, v13;
	v51 =	vnsel vm8, $0x0, v25;
	v35 =	vor.u32 v46, v35  }
0x122: {  	vm9 =	vle.f32 v39, $4.000000000e+00;
	v41 =	vadd.f32 v52, v20;
	v39 =	vmul.f32 v54, v54  }
0x123: {  	v36 =	vor.u32 v51, v36;
	v51 =	vsub.f32 v2, v17;
	vm12 =	vle.f32 v48, $4.000000000e+00  }
0x124: {  	v17 =	vsub.f32 v7, v17;
	v48 =	vmul.f32 v62, v62;
	v55 =	vnsel vm9, $0x0, v22  }
0x125: {  	v46 =	vsub.f32 v10, v14;
	v54 =	vnsel vm12, $0x0, v22;
	v20 =	vor.u32 v55, v34  }
0x126: {  	vm10 =	vle.f32 v41, $4.000000000e+00;
	v58 =	vadd.f32 v39, v42;
	v39 =	vadd.f32 v50, v49  }
0x127: {  	v55 =	vmul.f32 v51, v51;
	v34 =	vmul.f32 v53, v53;
	v38 =	vor.u32 v54, v38  }
0x128: {  	v17 =	vmul.f32 v17, v17;
	v49 =	vsub.f32 v6, v15;
	v61 =	vnsel vm10, $0x0, v22  }
0x129: {  	v50 =	vsub.f32 v8, v16;
	v53 =	vsub.f32 v5, v16;
	v40 =	vor.u32 v61, v40  }
0x12a: {  	vm11 =	vle.f32 v58, $4.000000000e+00;
	vm13 =	vle.f32 v39, $4.000000000e+00;
	v34 =	vadd.f32 v34, v55  }
0x12b: {  	v17 =	vadd.f32 v19, v17;
	v61 =	vsub.f32 v9, v15;
	v19 =	vxor.u32 $0x1, v20  }
0x12c: {  	v41 =	vmul.f32 v49, v49;
	v55 =	vmul.f32 v53, v53;
	v52 =	vnsel vm11, $0x0, v22  }
0x12d: {  	v49 =	vmul.f32 v45, v45;
	v39 =	vnsel vm13, $0x0, v22;
	v37 =	vor.u32 v52, v37  }
0x12e: {  	v33 =	vor.u32 v39, v33;
	vm14 =	vle.f32 v34, $4.000000000e+00;
	vm15 =	vle.f32 v17, $4.000000000e+00  }
0x12f: {  	v34 =	vadd.f32 v60, v59;
	v17 =	vmul.f32 v61, v61;
	v52 =	vsub.f32 v3, v15  }
0x130: {  	v61 =	vmul.f32 v57, v57;
	v15 =	vsub.f32 v7, v15;
	v58 =	vnsel vm14, $0x0, v22  }
0x131: {  	v57 =	vsub.f32 v5, v14;
	v63 =	vnsel vm15, $0x0, v22;
	v35 =	vor.u32 v58, v35  }
0x132: {  	vm4 =	vle.f32 v34, $4.000000000e+00;
	v39 =	vadd.f32 v48, v17;
	v34 =	vmul.f32 v50, v50  }
0x133: {  	v36 =	vor.u32 v63, v36;
	v54 =	vmul.f32 v52, v52;
	v58 =	vsub.f32 v4, v16  }
0x134: {  	v16 =	vsub.f32 v11, v16;
	v15 =	vmul.f32 v15, v15;
	v51 =	vnsel vm4, $0x0, v19  }
0x135: {  	v48 =	vsub.f32 v8, v14;
	v50 =	vmul.f32 v46, v46;
	v17 =	vor.u32 v51, v40  }
0x136: {  	vm5 =	vle.f32 v39, $4.000000000e+00;
	v34 =	vadd.f32 v34, v41;
	v62 =	vmul.f32 v58, v58  }
0x137: {  	v59 =	vadd.f32 v55, v54;
	v16 =	vmul.f32 v16, v16;
	v51 =	vmul.f32 v47, v47  }
0x138: {  	v52 =	vmul.f32 v48, v48;
	v39 =	vadd.f32 v50, v49;
	v55 =	vsub.f32 v3, v13  }
0x139: {  	v48 =	vsub.f32 v6, v9;
	v49 =	vsub.f32 v8, v10;
	v56 =	vnsel vm5, $0x0, v19  }
0x13a: {  	v41 =	vxor.u32 $0x1, v17;
	v37 =	vor.u32 v56, v37;
	vm6 =	vle.f32 v34, $4.000000000e+00  }
0x13b: {  	vm7 =	vle.f32 v59, $4.000000000e+00;
	v63 =	vadd.f32 v62, v61;
	v15 =	vadd.f32 v16, v15  }
0x13c: {  	v54 =	vadd.f32 v52, v51;
	vm10 =	vle.f32 v39, $4.000000000e+00;
	v61 =	vsub.f32 v4, v14  }
0x13d: {  	v58 =	vmul.f32 v55, v55;
	v14 =	vsub.f32 v11, v14;
	v51 =	vsub.f32 v3, v9  }
0x13e: {  	v59 =	vmul.f32 v57, v57;
	v52 =	vsub.f32 v5, v10;
	v57 =	vsub.f32 v4, v10  }
0x13f: {  	v10 =	vsub.f32 v11, v10;
	v60 =	vnsel vm6, $0x0, v19;
	v34 =	vnsel vm7, $0x0, v19  }
0x140: {  	v62 =	vnsel vm10, $0x0, v41;
	v38 =	vor.u32 v60, v38;
	vm8 =	vle.f32 v63, $4.000000000e+00  }
0x141: {  	v33 =	vor.u32 v34, v33;
	vm9 =	vle.f32 v15, $4.000000000e+00;
	vm11 =	vle.f32 v54, $4.000000000e+00  }
0x142: {  	v60 =	vsub.f32 v2, v13;
	v16 =	vadd.f32 v59, v58;
	v42 =	vmul.f32 v61, v61  }
0x143: {  	v15 =	vor.u32 v62, v37;
	v14 =	vmul.f32 v14, v14;
	v54 =	vmul.f32 v51, v51  }
0x144: {  	v13 =	vsub.f32 v7, v13;
	v55 =	vmul.f32 v52, v52;
	v59 =	vmul.f32 v57, v57  }
0x145: {  	v61 =	vsub.f32 v7, v9;
	v10 =	vmul.f32 v10, v10;
	v53 =	vnsel vm8, $0x0, v19  }
0x146: {  	v56 =	vnsel vm9, $0x0, v19;
	v63 =	vnsel vm11, $0x0, v41;
	v40 =	vxor.u32 $0x1, v15  }
0x147: {  	v34 =	vor.u32 v53, v35;
	v39 =	vmul.f32 v60, v60;
	v36 =	vor.u32 v56, v36  }
0x148: {  	v45 =	vor.u32 v63, v38;
	vm12 =	vle.f32 v16, $4.000000000e+00;
	v13 =	vmul.f32 v13, v13  }
0x149: {  	v38 =	vmul.f32 v48, v48;
	v16 =	vmul.f32 v49, v49;
	v56 =	vsub.f32 v2, v9  }
0x14a: {  	v62 =	vmul.f32 v61, v61;
	v63 =	vsub.f32 v3, v6;
	v6 =	vsub.f32 v7, v6  }
0x14b: {  	v47 =	vnsel vm12, $0x0, v41;
	v46 =	vadd.f32 v42, v39;
	v13 =	vadd.f32 v14, v13  }
0x14c: {  	v33 =	vor.u32 v47, v33;
	v53 =	vadd.f32 v16, v38;
	v16 =	vadd.f32 v55, v54  }
0x14d: {  	v42 =	vsub.f32 v5, v8;
	v14 =	vmul.f32 v63, v63;
	v10 =	vadd.f32 v10, v62  }
0x14e: {  	v47 =	vmul.f32 v43, v43;
	v6 =	vmul.f32 v6, v6;
	v55 =	vsub.f32 v2, v3  }
0x14f: {  	v3 =	vsub.f32 v7, v3;
	v2 =	vsub.f32 v7, v2;
	vm13 =	vle.f32 v46, $4.000000000e+00  }
0x150: {  	vm14 =	vle.f32 v13, $4.000000000e+00;
	vm15 =	vle.f32 v53, $4.000000000e+00;
	v13 =	vmul.f32 v56, v56  }
0x151: {  	vm4 =	vle.f32 v16, $4.000000000e+00;
	v46 =	vmul.f32 v42, v42;
	vm6 =	vle.f32 v10, $4.000000000e+00  }
0x152: {  	v56 =	vsub.f32 v4, v5;
	v5 =	vsub.f32 v11, v5;
	v3 =	vmul.f32 v3, v3  }
0x153: {  	v2 =	vmul.f32 v2, v2;
	v50 =	vnsel vm13, $0x0, v41;
	v58 =	vnsel vm14, $0x0, v41  }
0x154: {  	v60 =	vnsel vm15, $0x0, v40;
	v16 =	vnsel vm4, $0x0, v40;
	v51 =	vnsel vm6, $0x0, v40  }
0x155: {  	v34 =	vor.u32 v50, v34;
	v36 =	vor.u32 v58, v36;
	v13 =	vadd.f32 v59, v13  }
0x156: {  	v9 =	vor.u32 v60, v45;
	v16 =	vor.u32 v16, v33;
	v45 =	vsub.f32 v4, v8  }
0x157: {  	v8 =	vsub.f32 v11, v8;
	v49 =	vadd.f32 v46, v14;
	v58 =	vsel vm0, $0x1, v1  }
0x158: {  	v14 =	vmul.f32 v56, v56;
	v5 =	vmul.f32 v5, v5;
	v4 =	vsub.f32 v11, v4  }
0x159: {  	v52 =	vxor.u32 $0x1, v9;
	v53 =	vor.u32 v51, v36;
	v21 =	vadd.s32 v58, v21  }
0x15a: {  	vm5 =	vle.f32 v13, $4.000000000e+00;
	v48 =	vmul.f32 v45, v45;
	v8 =	vmul.f32 v8, v8  }
0x15b: {  	vm7 =	vle.f32 v49, $4.000000000e+00;
	v26 =	vadd.s32 v21, v26;
	v3 =	vadd.f32 v5, v3  }
0x15c: {  	v4 =	vmul.f32 v4, v4;
	v44 =	vnsel vm5, $0x0, v40;
	v10 =	vnsel vm7, $0x0, v52  }
0x15d: {  	v60 =	vadd.s32 v26, v31;
	v34 =	vor.u32 v44, v34;
	v8 =	vadd.f32 v8, v6  }
0x15e: {  	v50 =	vadd.f32 v48, v47;
	v6 =	vor.u32 v10, v16;
	v31 =	vadd.s32 v60, v32  }
0x15f: {  	vm11 =	vle.f32 v3, $4.000000000e+00;
	vm9 =	vle.f32 v8, $4.000000000e+00;
	v8 =	vmul.f32 v55, v55  }
0x160: {  	v3 =	vadd.f32 v4, v2;
	v59 =	vxor.u32 $0x1, v6;
	v28 =	vadd.s32 v31, v28  }
0x161: {  	vm8 =	vle.f32 v50, $4.000000000e+00;
	v25 =	vadd.s32 v28, v25;
	v8 =	vadd.f32 v14, v8  }
0x162: {  	v42 =	vnsel vm11, $0x0, v59;
	vm12 =	vle.f32 v3, $4.000000000e+00;
	v22 =	vadd.s32 v25, v22  }
0x163: {  	v54 =	vnsel vm8, $0x0, v52;
	v63 =	vadd.s32 v22, v19;
	vm10 =	vle.f32 v8, $4.000000000e+00  }
0x164: {  	v10 =	vor.u32 v54, v34;
	v19 =	vadd.s32 v63, v41;
	v62 =	vnsel vm10, $0x0, v59  }
0x165: {  	v57 =	vnsel vm9, $0x0, v52;
	v32 =	vadd.s32 v19, v40;
	v2 =	vor.u32 v62, v10  }
0x166: {  	v61 =	vor.u32 v57, v53;
	v33 =	vadd.s32 v32, v52;
	v7 =	vxor.u32 $0x1, v2  }
0x167: {  	v3 =	vor.u32 v42, v61;
	v10 =	vadd.s32 v33, v59;
	v43 =	vnsel vm12, $0x0, v7  }
0x168: {  	v7 =	vadd.s32 v10, v7;
	v8 =	vor.u32 v43, v3  }
0x169: {  	vm15 =	veq.s32 v12, $0x0;
	v45 =	vsel vm0, $0x1, v0;
	v35 =	vsub.s32 v7, v8  }
0x16a: {  	vm7 =	veq.s32 v18, $0x0;
	vm9 =	veq.s32 v24, $0x0;
	v3 =	vadd.s32 $0x1, v35  }
0x16b: {  	v46 =	vsub.s32 v35, v21;
	v48 =	vsub.s32 v35, v26;
	v49 =	vsub.s32 v35, v60  }
0x16c: {  	v51 =	vsub.s32 v35, v31;
	v53 =	vsub.s32 v35, v28;
	v55 =	vsub.s32 v35, v25  }
0x16d: {  	v57 =	vsub.s32 v35, v22;
	v59 =	vsub.s32 v35, v63;
	v61 =	vsub.s32 v35, v19  }
0x16e: {  	v44 =	vnsel vm0, $0x1, v3;
	v3 =	vadd.s32 v45, v3;
	v47 =	vadd.s32 $0x4, v46  }
0x16f: {  	v50 =	vadd.s32 $0x6, v49;
	v52 =	vadd.s32 $0x7, v51;
	v54 =	vadd.s32 $0x8, v53  }
0x170: {  	v56 =	vadd.s32 $0x9, v55;
	v62 =	vadd.s32 $0xC, v61;
	vm13 =	veq.s32 v44, $0x1  }
0x171: {  	vm14 =	veq.s32 v44, $0x2;
	vm4 =	veq.s32 v44, $0x3;
	v12 =	vsel vm15, v58, v3  }
0x172: {  	v18 =	vsel vm7, v21, v47;
	v21 =	vadd.s32 $0x5, v48;
	vm7 =	veq.s32 v27, $0x0  }
0x173: {  	v58 =	vadd.s32 $0xA, v57;
	v48 =	vsub.s32 v35, v32;
	v4 =	vsel vm13, $0x1, v0  }
0x174: {  	v5 =	vsel vm14, $0x1, v0;
	v3 =	vsel vm4, $0x1, v0;
	vm5 =	veq.s32 v12, $0x1  }
0x175: {  	vm1 =	veq.s32 v12, $0x2;
	vm6 =	veq.s32 v12, $0x3;
	vm8 =	veq.s32 v18, $0x1  }
0x176: {  	vm10 =	veq.s32 v18, $0x2;
	v21 =	vsel vm9, v26, v21;
	vm11 =	veq.s32 v18, $0x3  }
0x177: {  	vm13 =	veq.s32 v29, $0x0;
	v27 =	vsel vm7, v28, v54;
	v49 =	vadd.s32 $0xD, v48  }
0x178: {  	v13 =	vsel vm5, $0x2, v0;
	v11 =	vsel vm1, $0x2, v0;
	v12 =	vsel vm6, $0x2, v0  }
0x179: {  	v24 =	vsel vm8, $0x3, v0;
	v26 =	vsel vm10, $0x3, v0;
	vm1 =	veq.s32 v21, $0x1  }
0x17a: {  	v18 =	vsel vm11, $0x3, v0;
	vm12 =	veq.s32 v21, $0x2;
	vm14 =	veq.s32 v21, $0x3  }
0x17b: {  	v14 =	vsel vm13, v60, v50;
	vm5 =	veq.s32 v30, $0x0;
	vm10 =	veq.s32 v27, $0x2  }
0x17c: {  	vm11 =	veq.s32 v23, $0x0;
	v60 =	vadd.s32 $0xB, v59;
	v50 =	vsub.s32 v35, v33  }
0x17d: {  	v34 =	vsel vm1, $0x4, v0;
	v36 =	vsel vm12, $0x4, v0;
	v21 =	vsel vm14, $0x4, v0  }
0x17e: {  	vm15 =	veq.s32 v14, $0x1;
	vm1 =	veq.s32 v14, $0x2;
	vm4 =	veq.s32 v14, $0x3  }
0x17f: {  	v14 =	vsel vm5, v31, v52;
	v39 =	vsel vm10, $0x7, v0;
	vm12 =	veq.s32 v27, $0x3  }
0x180: {  	v23 =	vsel vm11, v25, v56;
	vm5 =	veq.s32 v17, $0x0;
	v51 =	vadd.s32 $0xE, v50  }
0x181: {  	v56 =	vsub.s32 v35, v10;
	v29 =	vsel vm15, $0x5, v0;
	v37 =	vsel vm1, $0x5, v0  }
0x182: {  	v30 =	vsel vm4, $0x5, v0;
	vm6 =	veq.s32 v14, $0x1;
	vm8 =	veq.s32 v14, $0x2  }
0x183: {  	vm9 =	veq.s32 v14, $0x3;
	vm1 =	veq.s32 v27, $0x1;
	v25 =	vsel vm12, $0x7, v0  }
0x184: {  	vm13 =	veq.s32 v23, $0x1;
	vm14 =	veq.s32 v23, $0x3;
	vm15 =	veq.s32 v20, $0x0  }
0x185: {  	v16 =	vsel vm5, v63, v60;
	v31 =	vsel vm6, $0x6, v0;
	v28 =	vsel vm8, $0x6, v0  }
0x186: {  	v14 =	vsel vm9, $0x6, v0;
	v38 =	vsel vm1, $0x7, v0;
	vm1 =	veq.s32 v23, $0x2  }
0x187: {  	v27 =	vsel vm13, $0x8, v0;
	v23 =	vsel vm14, $0x8, v0;
	v20 =	vsel vm15, v22, v58  }
0x188: {  	vm8 =	veq.s32 v16, $0x2;
	vm9 =	veq.s32 v15, $0x0;
	vm10 =	veq.s32 v16, $0x3  }
0x189: {  	vm13 =	veq.s32 v9, $0x0;
	vm15 =	veq.s32 v6, $0x0;
	v58 =	vsub.s32 $0x10, v8  }
0x18a: {  	v40 =	vsel vm1, $0x8, v0;
	vm4 =	veq.s32 v20, $0x1;
	vm6 =	veq.s32 v20, $0x2  }
0x18b: {  	vm7 =	veq.s32 v20, $0x3;
	vm1 =	veq.s32 v16, $0x1;
	v42 =	vsel vm8, $0xA, v0  }
0x18c: {  	v15 =	vsel vm9, v19, v62;
	v16 =	vsel vm10, $0xA, v0;
	v9 =	vsel vm13, v32, v49  }
0x18d: {  	v6 =	vsel vm15, v33, v51;
	vm8 =	veq.s32 v2, $0x0;
	v2 =	vadd.s32 $0xF, v56  }
0x18e: {  	vm9 =	veq.s32 v8, $0x0;
	v22 =	vsel vm4, $0x9, v0;
	v17 =	vsel vm6, $0x9, v0  }
0x18f: {  	v20 =	vsel vm7, $0x9, v0;
	v41 =	vsel vm1, $0xA, v0;
	vm11 =	veq.s32 v15, $0x1  }
0x190: {  	vm1 =	veq.s32 v15, $0x2;
	vm12 =	veq.s32 v15, $0x3;
	vm14 =	veq.s32 v9, $0x1  }
0x191: {  	vm4 =	veq.s32 v9, $0x2;
	vm5 =	veq.s32 v9, $0x3;
	vm6 =	veq.s32 v6, $0x2  }
0x192: {  	vm7 =	veq.s32 v6, $0x3;
	v2 =	vsel vm8, v10, v2;
	v19 =	vsel vm11, $0xB, v0  }
0x193: {  	v63 =	vsel vm1, $0xB, v0;
	v15 =	vsel vm12, $0xB, v0;
	v52 =	vsel vm14, $0xC, v0  }
0x194: {  	v53 =	vsel vm4, $0xC, v0;
	vm1 =	veq.s32 v6, $0x1;
	v9 =	vsel vm5, $0xC, v0  }
0x195: {  	v55 =	vsel vm6, $0xD, v0;
	v57 =	vsel vm7, $0xD, v0;
	vm10 =	veq.s32 v2, $0x1  }
0x196: {  	vm11 =	veq.s32 v2, $0x2;
	v6 =	vsel vm9, v7, v58;
	vm13 =	veq.s32 v2, $0x3  }
0x197: {  	v54 =	vsel vm1, $0xD, v0;
	v59 =	vsel vm10, $0xE, v0;
	vm12 =	veq.s32 v6, $0x1  }
0x198: {  	v60 =	vsel vm11, $0xE, v0;
	vm14 =	veq.s32 v6, $0x2;
	v2 =	vsel vm12, $0xF, v0  }
0x199: {  	vm15 =	veq.s32 v6, $0x3;
	v61 =	vsel vm14, $0xF, v0;
	v2 =	vor.u32 v4, v2  }
0x19a: {  	v62 =	vsel vm15, $0xF, v0;
	v4 =	vor.u32 v5, v61;
	v2 =	vor.u32 v13, v2  }
0x19b: {  	v3 =	vor.u32 v3, v62;
	v4 =	vor.u32 v11, v4;
	v2 =	vor.u32 v24, v2  }
0x19c: {  	v3 =	vor.u32 v12, v3;
	v4 =	vor.u32 v26, v4;
	v2 =	vor.u32 v34, v2  }
0x19d: {  	v3 =	vor.u32 v18, v3;
	v4 =	vor.u32 v36, v4;
	v2 =	vor.u32 v29, v2  }
0x19e: {  	v3 =	vor.u32 v21, v3;
	v4 =	vor.u32 v37, v4;
	v2 =	vor.u32 v31, v2  }
0x19f: {  	v3 =	vor.u32 v30, v3;
	v4 =	vor.u32 v28, v4;
	v2 =	vor.u32 v38, v2  }
0x1a0: {  	v3 =	vor.u32 v14, v3;
	v4 =	vor.u32 v39, v4;
	v2 =	vor.u32 v27, v2  }
0x1a1: {  	v3 =	vor.u32 v25, v3;
	v4 =	vor.u32 v40, v4;
	v2 =	vor.u32 v22, v2  }
0x1a2: {  	v3 =	vor.u32 v23, v3;
	v4 =	vor.u32 v17, v4;
	v2 =	vor.u32 v41, v2  }
0x1a3: {  	s31 =	sshll.u32 s16, $0x6;
	v3 =	vor.u32 v20, v3;
	v4 =	vor.u32 v42, v4;
	v2 =	vor.u32 v19, v2  }
0x1a4: {  	p0 =	sne.s32 s16, $0x1F;
	s18 =	sand.u32 $0x3FFFFE00, s31;
	v3 =	vor.u32 v16, v3;
	v4 =	vor.u32 v63, v4;
	v2 =	vor.u32 v52, v2  }
.Ltmp0:
0x1a5: {  	s17 =	sor.u32 s17, s18;
	v3 =	vor.u32 v15, v3;
	v4 =	vor.u32 v53, v4;
	v2 =	vor.u32 v54, v2;
	(pc) =	sbr.rel @p0 .LBB2_3-.Ltmp0, $4  }
0x1a6: {  	[tilespmem:s17+$0x4000] =	vst v0;
	v3 =	vor.u32 v9, v3;
	v4 =	vor.u32 v55, v4;
	v2 =	vor.u32 v59, v2  }
0x1a7: {  	v63 =	vsel vm13, $0xE, v0;
	v3 =	vor.u32 v57, v3;
	v4 =	vor.u32 v60, v4;
	[tilespmem:s17+$0x4080] =	vst v2  }
0x1a8: {  	v2 =	vor.u32 v63, v3;
	[tilespmem:s17+$0x4100] =	vst v4  }
0x1a9: {  	s15 =	sadd.s32 $0x10, s15;
	s16 =	sadd.s32 $0x1, s16;
	[tilespmem:s17+$0x4180] =	vst v2  }
0x1aa: {  	s14 =	sshll.u32 s14, $0x2  }
0x1ab: {  	s12 =	sadd.s32 $0x1, s12;
	s13 =	sor.u32 s13, s14  }
0x1ac: {  	p0 =	sne.s32 s12, $0x10;
	s13 =	sshrl.u32 s13, $0x3  }
.Ltmp1:
0x1ad: {  	s13 =	sadd.s32 s1, s13;
	(pc) =	sbr.rel @p0 .LBB2_2-.Ltmp1, $4  }
0x1ae: {  	[hbm4b:s13+s2] =	stream.linear.scatter [tilespmem:s10], [sflag:$0x1], $0x800, $0x38;
	[tilespmem:$0x4800] =	vst v63  }
0x1af: {  	_ =	swait.ge [sflag:s9], $0x800  }
0x1b0: {  	[sflag:s9] =	ssyncset.done $0x0  }
0x1b1: {  	[sflag:s9] =	ssyncadd.s32 $0xFFFFF800  }
0x1b2: {  	s11 =	sadd.s32 $0x1, s11  }
0x1b3: {  	p0 =	sne.s32 s11, s6  }
.Ltmp2:
0x1b4: {  	_ = 	snop;
	(pc) =	sbr.rel @p0 .LBB2_1-.Ltmp2, $1  }
0x1b5: {  	_ =	sdelay $0x3  }
0x1b6: {  	_ =	sfence.sel $0x180000  }
0x1b7: {  	[bflag:$0x0] =	sbarrier.arrive $0xFFFF  }
0x1b8: {  	p0 =	sne.s32 s3, $0x0;
	_ =	strace $0x9000004A  }
0x1b9: {  	s0 =	sadd.s32 @!p0 $0x100000, s0;
	[bflag:$0x2] =	sbarrier.arrive $0xFFFF  }
0x1ba: {  	[sflag:s0] =	ssyncadd.tile.s32 @!p0 $0x1;
	_ =	shalt  }
.Lfunc_end2:
_tile_overlayer_lowered:
.L_overlay_start_2:
0x1bb: {  	(tag) =	ssettag $0x2  }
0x1bc: {  	s0 =	rddreg [dreg:$0x0];
	s2 =	stileid.u32  }
0x1bd: {  	s1 =	rddreg [dreg:$0x1];
	p0 =	sne.s32 s2, $0x0  }
0x1be: {  	s3 =	rddreg [dreg:$0x2];
	[bflag:$0x3] =	sbarrier.arrive $0xFFFF;
	s2 =	simm.s32 @!p0 $0x1C01  }
0x1bf: {  	[timem:s3], [sflag:s2] =	dma.local @!p0 [hbm:s0], s1  }
0x1c0: {  	s0 =	simm.s32 @!p0 $0x1  }
0x1c1: {  	_ =	swait.ge @!p0 [sflag:s0], s1  }
0x1c2: {  	s1 =	ssub.s32 @!p0 $0x0, s1;
	[sflag:s0] =	ssyncset.done @!p0 $0x0  }
0x1c3: {  	[sflag:s0] =	ssyncadd.s32 @!p0 s1  }
0x1c4: {  	[bflag:$0x3] =	sbarrier.arrive $0xFFFF  }
0x1c5: {  	_ =	shalt  }

// kernel: sparse-core-data-format-call.cloned.1.call-start
scs
called_computation_lowered:
.L_overlay_start_0:
0x0: {  	s1 =	sld [smem:$0x3FD9]  }
0x1: {  	s2 =	sld [smem:$0x3FFE];
	_ =	sdelay $0x1  }
0x2: {  	s3 =	srdreg.scid  }
0x3: {  	s0 =	sand.u32 $0x1, s3  }
0x4: {  	s17 =	sshll.u32 s0, $0xA;
	s1 =	sadd.s32 s2, s1  }
0x5: {  	s1 =	sadd.s32 s1, s17  }
0x6: {  	[smem:$0x3FC6] =	sst s1  }
0x7: {  	_ = 	snop  }
0x8: {  	(tm) =	ssettm $0x1  }
0x9: {  	s18 =	sld [smem:$0x3FFB];
	_ =	sdelay $0x3  }
0xa: {  	_ =	strace s18  }
0xb: {  	s1 =	sld [smem:$0x3FFC];
	_ =	sdelay $0x3  }
0xc: {  	_ =	strace s1  }
0xd: {  	s1 =	sld [smem:$0x3FFD];
	_ =	sdelay $0x3  }
0xe: {  	_ =	strace s1  }
0xf: {  	_ =	strace $0x8FFFFFFF  }
0x10: {  	s19 =	sld [smem:$0x3FDB];
	_ =	sdelay $0x1  }
0x11: {  	s20 =	simm.s32 $_scs_section_size  }
0x12: {  	s4 =	simm.s32 $_size__tile_overlayer_lowered;
	s5 =	simm.s32 $_tile_overlayer_lowered  }
0x13: {  	s23 =	simm.s32 $0x1BFF;
	s22 =	sshll.u32 s5, $0x1;
	s1 =	sadd.s32 s20, s19  }
0x14: {  	s6 =	simm.s32 $0x0;
	s21 =	sshll.u32 s4, $0x1;
	s4 =	sadd.s32 s22, s1  }
0x15: {  	[timem:s6], [sflag:s23] =	dma.local [hbm:s4], s21  }
0x16: {  	_ =	swait.ge [sflag:s23], s21  }
0x17: {  	s2 =	ssub.s32 $0x0, s21;
	[sflag:s23] =	ssyncset.done $0x0  }
0x18: {  	[sflag:s23] =	ssyncadd.s32 s2;
	_ =	sdelay $0x1  }
0x19: {  	s24 =	simm.s32 $0x1B8B  }
0x1a: {  	_ =	swait.ge [sflag:s24], $0x1  }
0x1b: {  	[sflag:s24] =	ssyncset.done $0x0  }
0x1c: {  	s26 =	simm.s32 $0x1B8E;
	s25 =	sld [smem:$0x3FFE];
	[sflag:s24] =	ssyncadd.s32 $0xFFFFFFFF  }
0x1d: {  	s27 =	simm.s32 $execute0_lowered;
	[smem:$0x3FD2] =	sst s26  }
0x1e: {  	s4 =	sshll.u32 s27, $0x1;
	_ =	strace $0x80000046;
	[dreg:$0x1] =	wrdreg $0xFFFFFFFF  }
0x1f: {  	s28 =	simm.s32 $_size_execute0_lowered;
	s1 =	sadd.s32 s1, s4;
	[dreg:$0x0] =	wrdreg $0x0  }
0x20: {  	s4 =	sshll.u32 s28, $0x1;
	[dreg:$0x2] =	wrdreg s1  }
0x21: {  	[dreg:$0x3] =	wrdreg s4  }
0x22: {  	[dreg:$0x4] =	wrdreg $0xC0  }
0x23: {  	_ =	task [dreg:s6], $0x5FFFF  }
0x24: {  	[dreg:$0x1] =	wrdreg $0xFFFFFFFF  }
0x25: {  	[dreg:$0x0] =	wrdreg $0x60  }
0x26: {  	[dreg:$0x2] =	wrdreg s25  }
0x27: {  	[dreg:$0x3] =	wrdreg $0x9  }
0x28: {  	_ =	task.clear_ibuf [dreg:s6], $0x4FFFF;
	_ =	strace $0x90000046  }
0x29: {  	s29 =	simm.s32 $0x9;
	_ =	strace $0x80000048  }
0x2a: {  	_ =	swait.ge [sflag:s29], $0x1  }
0x2b: {  	[sflag:s29] =	ssyncadd.s32 $0xFFFFFFFF  }
0x2c: {  	_ =	strace $0x90000048  }
0x2d: {  	_ =	sfence  }
0x2e: {  	s30 =	sld [smem:$0x0];
	_ =	sdelay $0x2  }
0x2f: {  	s31 =	sshll.u32 s3, $0xD;
	s3 =	sshrl.u32 s3, $0x2  }
0x30: {  	s2 =	sand.u32 $0x4000, s31;
	s1 =	sadd.s32 s3, s30  }
0x31: {  	s0 =	sor.u32 s2, s0;
	s1 =	sshll.u32 s1, $0x11  }
0x32: {  	s0 =	sor.u32 s1, s0  }
0x33: {  	s0 =	sadd.s32 $0x8F2B, s0  }
0x34: {  	[sflag:s0] =	ssyncadd.remote.s32 $0x1  }
0x35: {  	_ =	sfence.sel $0xFFFF  }
0x36: {  	[dreg:$0x0] =	wrdreg $0xFFFFFFFF;
	(pc) =	sbr.abs _section_cstart, $3  }
0x37: {  	[dreg:$0x1] =	wrdreg $0xFFFFFFFF  }
0x38: {  	_ =	task.clear_ibuf [dreg:s6], $0x2FFFF;
	_ =	strace $0x9FFFFFFF  }
0x39: {  	(tm) =	ssettm $0x7FFFFFFF  }
tec
execute0_lowered:
.L_overlay_start_1:
0x0: {  	(tag) =	ssettag $0x1  }
0x1: {  	s0 =	stileid.u32  }
0x2: {  	s1 =	srdreg.scid;
	s5 =	rddreg [dreg:$0x0];
	s31 =	simm.s32 $0x2  }
0x3: {  	s16 =	simm.s32 $0x0;
	s10 =	simm.s32 $0x100000;
	s17 =	simm.s32 $0x0  }
0x4: {  	s19 =	simm.s32 $0x0;
	s18 =	simm.s32 $0x0;
	s12 =	simm.s32 $0x0  }
0x5: {  	s2 =	sshll.u32 s0, $0x7;
	s1 =	sshll.u32 s1, $0xB;
	s3 =	sshll.u32 s0, $0x1  }
0x6: {  	s15 =	simm.s32 $0x0;
	s1 =	sor.u32 s2, s1;
	s2 =	sand.u32 $0x8, s3  }
0x7: {  	s3 =	sand.u32 $0xC00, s1;
	s1 =	rddreg [dreg:$0x1];
	s4 =	ssub.s32 $0x10, s2  }
0x8: {  	_ =	strace $0x80000047;
	s13 =	smov.u32 s2;
	s6 =	ssub.s32 $0x10000, s3  }
0x9: {  	s7 =	sshrl.u32 s4, $0x4;
	s4 =	sshrl.u32 s4, $0x3;
	s8 =	sand.u32 $0xC00, s6  }
0xa: {  	s9 =	sand.u32 $0x1, s4;
	p0 =	sne.s32 s8, $0x0;
	s8 =	simm.s32 $0x1  }
.Ltmp0:
0xb: {  	s6 =	sshrl.u32 s6, $0xC;
	s8 =	simm.s32 @!p0 $0x0;
	(pc) =	sbr.rel .LBB1_1-.Ltmp0, $4  }
0xc: {  	s11 =	smov.u32 s3;
	s7 =	sadd.s32 s7, s9;
	s8 =	sadd.s32 s8, s6  }
0xd: {  	s4 =	sadd.s32 $0xA00, s5;
	s6 =	simm.s32 $0x1;
	s7 =	smul.u32 s7, s8  }
0xe: {  	s5 =	sadd.s32 $0x100A00, s5;
	s8 =	sand.u32 $0x3, s0;
	[sflag:s6] =	ssyncpa.u1 $0x0  }
0xf: {  	[sflag:s31] =	ssyncpa.u1 $0x0;
	s14 =	smov.u32 s8;
	s9 =	sadd.s32 $0x1, s7  }
.LBB1_9:
0x10: {  	s20 =	sadd.s32 $0x1000, s11  }
0x11: {  	s16 =	sadd.s32 $0x2, s12;
	s21 =	smov.u32 s12;
	p1 =	sgt.s32 s20, $0xFFFF  }
0x12: {  	s21 =	smov.u32 @p1 s16  }
0x13: {  	s22 =	smov.u32 s13;
	s16 =	sadd.s32 $0x10, s13;
	p2 =	sgt.s32 s21, $0x1  }
0x14: {  	s22 =	smov.u32 @p2 s16  }
0x15: {  	s23 =	smov.u32 s14;
	s16 =	sadd.s32 $0x4, s14;
	p3 =	sgt.s32 s22, $0xF  }
0x16: {  	s23 =	smov.u32 @p3 s16  }
0x17: {  	p0 =	slt.u32 s15, $0x2;
	s20 =	smov.u32 @p1 s3;
	p1 =	sgt.s32 s23, $0x3  }
0x18: {  	s24 =	simm.s32 @!p0 $0x2;
	s23 =	smov.u32 @p1 s8;
	p1 =	sne.s32 s15, s9  }
.Ltmp1:
0x19: {  	s17 =	smov.u32 s12;
	_ =	swait.ge @!p0 [sflag:s24], $0x4000;
	(pc) =	sbr.rel @!p1 .LBB1_10-.Ltmp1, $4  }
0x1a: {  	s19 =	smov.u32 s13;
	[sflag:s24] =	ssyncset.done @!p0 $0x0;
	s21 =	simm.s32 @p2 $0x0  }
0x1b: {  	s18 =	smov.u32 s14;
	[sflag:s24] =	ssyncadd.s32 @!p0 $0xFFFFC000;
	s12 =	smov.u32 s21  }
0x1c: {  	s22 =	smov.u32 @p3 s2;
	s16 =	smov.u32 s11;
	s11 =	smov.u32 s20  }
0x1d: {  	s13 =	smov.u32 s22;
	s15 =	sadd.s32 $0x1, s15;
	s14 =	smov.u32 s23  }
.LBB1_1:
0x1e: {  	p0 =	sge.u32 s15, s7  }
0x1f: {  	s31 =	sadd.s32 $0xFFFFFFFF, s15;
	s20 =	sxor.u32 @!p0 $0xFFFFFFFF, s15;
	s21 =	sshll.u32 @!p0 s12, $0x7  }
0x20: {  	s22 =	sand.u32 @!p0 $0x78, s11;
	s23 =	sshll.u32 @!p0 s11, $0x1;
	s24 =	sshrl.u32 @!p0 s11, $0x2  }
0x21: {  	s21 =	sand.u32 @!p0 $0x80, s21;
	s20 =	sshll.u32 @!p0 s20, $0xE;
	s23 =	sand.u32 @!p0 $0xFF00, s23  }
0x22: {  	s24 =	sand.u32 @!p0 $0x2000, s24;
	s21 =	sor.u32 @!p0 s21, s22;
	s22 =	sshll.u32 @!p0 s14, $0x12  }
0x23: {  	s21 =	sor.u32 @!p0 s23, s21;
	s23 =	sshll.u32 @!p0 s13, $0xE;
	s22 =	sadd.s32 @!p0 s4, s22  }
0x24: {  	s20 =	sand.u32 @!p0 $0x4000, s20;
	s22 =	sadd.s32 @!p0 s23, s22;
	s23 =	sand.u32 @!p0 $0x7, s11  }
0x25: {  	s21 =	sshrl.u32 @!p0 s21, $0x3;
	s22 =	sadd.s32 @!p0 s24, s22;
	s23 =	sshll.u32 @!p0 s23, $0x12  }
0x26: {  	s21 =	sadd.s32 @!p0 s21, s22;
	s22 =	sor.u32 @!p0 $0x800, s23;
	s23 =	simm.s32 @!p0 $0x20000  }
0x27: {  	[tilespmem:s20], [sflag:$0x1] =	stream.strided.gather @!p0 [hbm4b:s21+s22], $0x4000, s23, s22, $0x38;
	[tilespmem:$0x10000] =	vst v63  }
0x28: {  	p0 =	sge.u32 s31, s7  }
.Ltmp2:
0x29: {  	_ = 	snop;
	(pc) =	sbr.rel @p0 .LBB1_9-.Ltmp2, $1  }
0x2a: {  	_ =	sdelay $0x3  }
0x2b: {  	_ =	swait.ge [sflag:s6], $0x4000;
	s20 =	sshll.u32 s15, $0xE  }
0x2c: {  	[sflag:s6] =	ssyncset.done $0x0;
	s21 =	sand.u32 $0x4000, s20  }
0x2d: {  	s22 =	simm.s32 $0x0;
	[sflag:s6] =	ssyncadd.s32 $0xFFFFC000;
	s20 =	sor.u32 $0x8000, s21  }
.LBB1_3:
0x2e: {  	s25 =	sshll.u32 s22, $0xB  }
0x2f: {  	s26 =	sshll.u32 s22, $0x7;
	p1 =	por $0x1, $0x1;
	v1 =	vmov s25  }
0x30: {  	s23 =	sadd.s32 s25, s21;
	s24 =	sadd.s32 s26, s20;
	v0 =	vmov s26;
	s25 =	simm.s32 $0x0  }
.LBB1_4:
0x31: {  	s26 =	sshll.u32 s25, $0x7  }
0x32: {  	s29 =	sadd.s32 s26, s23  }
0x33: {  	v2 =	vmov s29  }
0x34: {  	s28 =	sshll.u32 s25, $0xD;
	p0 =	por p1, p1;
	s27 =	simm.s32 $0x0  }
0x35: {  	p1 =	por $0x1, $0x1;
	s25 =	sadd.s32 s28, s20;
	s26 =	sadd.s32 s26, s21;
	v3 =	vmov s28  }
.LBB1_5:
0x36: {  	s27 =	sshll.u32 s27, $0x3  }
0x37: {  	s28 =	sshra.s32 s27, $0x2  }
0x38: {  	v4 =	vld.idx.msk [tilespmem:v2+s28+$0x0 ss:$0x1], $0xffff;
	s28 =	sadd.s32 s28, s26  }
0x39: {  	v5 =	vld.idx.msk [tilespmem:v1+s28+$0x10 ss:$0x1], $0xffff  }
0x3a: {  	v6 =	vld.idx.msk [tilespmem:v1+s28+$0x20 ss:$0x1], $0xffff  }
0x3b: {  	s27 =	sand.u32 $0x3FFFFFF8, s27;
	v7 =	vld.idx.msk [tilespmem:v1+s28+$0x30 ss:$0x1], $0xffff  }
0x3c: {  	s29 =	sadd.s32 s27, s25;
	v8 =	vld.idx.msk [tilespmem:v1+s28+$0x40 ss:$0x1], $0xffff  }
0x3d: {  	s27 =	sadd.s32 s27, s24;
	[tilespmem:v0+s29+$0x0 ss:$0x1] =	vst.idx.msk $0xffff, v4;
	v4 =	vld.idx.msk [tilespmem:v1+s28+$0x50 ss:$0x1], $0xffff  }
0x3e: {  	[tilespmem:v3+s27+$0x10 ss:$0x1] =	vst.idx.msk $0xffff, v5;
	v5 =	vld.idx.msk [tilespmem:v1+s28+$0x60 ss:$0x1], $0xffff  }
0x3f: {  	v49 =	vld.idx.msk [tilespmem:v1+s28+$0x70 ss:$0x1], $0xffff;
	[tilespmem:v3+s27+$0x20 ss:$0x1] =	vst.idx.msk $0xffff, v6  }
0x40: {  	v50 =	vld.idx.msk [tilespmem:v1+s28+$0x100 ss:$0x1], $0xffff;
	[tilespmem:v3+s27+$0x30 ss:$0x1] =	vst.idx.msk $0xffff, v7  }
0x41: {  	v51 =	vld.idx.msk [tilespmem:v1+s28+$0x110 ss:$0x1], $0xffff;
	[tilespmem:v3+s27+$0x40 ss:$0x1] =	vst.idx.msk $0xffff, v8  }
0x42: {  	[tilespmem:v3+s27+$0x50 ss:$0x1] =	vst.idx.msk $0xffff, v4;
	v4 =	vld.idx.msk [tilespmem:v1+s28+$0x120 ss:$0x1], $0xffff  }
0x43: {  	[tilespmem:v3+s27+$0x60 ss:$0x1] =	vst.idx.msk $0xffff, v5;
	v5 =	vld.idx.msk [tilespmem:v1+s28+$0x130 ss:$0x1], $0xffff  }
0x44: {  	v52 =	vld.idx.msk [tilespmem:v1+s28+$0x140 ss:$0x1], $0xffff;
	[tilespmem:v3+s27+$0x70 ss:$0x1] =	vst.idx.msk $0xffff, v49  }
0x45: {  	v53 =	vld.idx.msk [tilespmem:v1+s28+$0x150 ss:$0x1], $0xffff;
	[tilespmem:v0+s29+$0x400 ss:$0x1] =	vst.idx.msk $0xffff, v50  }
0x46: {  	v54 =	vld.idx.msk [tilespmem:v1+s28+$0x160 ss:$0x1], $0xffff;
	[tilespmem:v3+s27+$0x410 ss:$0x1] =	vst.idx.msk $0xffff, v51  }
0x47: {  	[tilespmem:v3+s27+$0x420 ss:$0x1] =	vst.idx.msk $0xffff, v4;
	v4 =	vld.idx.msk [tilespmem:v1+s28+$0x170 ss:$0x1], $0xffff  }
0x48: {  	[tilespmem:v3+s27+$0x430 ss:$0x1] =	vst.idx.msk $0xffff, v5;
	v5 =	vld.idx.msk [tilespmem:v1+s28+$0x200 ss:$0x1], $0xffff  }
0x49: {  	v55 =	vld.idx.msk [tilespmem:v1+s28+$0x210 ss:$0x1], $0xffff;
	[tilespmem:v3+s27+$0x440 ss:$0x1] =	vst.idx.msk $0xffff, v52  }
0x4a: {  	v56 =	vld.idx.msk [tilespmem:v1+s28+$0x220 ss:$0x1], $0xffff;
	[tilespmem:v3+s27+$0x450 ss:$0x1] =	vst.idx.msk $0xffff, v53  }
0x4b: {  	v57 =	vld.idx.msk [tilespmem:v1+s28+$0x230 ss:$0x1], $0xffff;
	[tilespmem:v3+s27+$0x460 ss:$0x1] =	vst.idx.msk $0xffff, v54  }
0x4c: {  	[tilespmem:v3+s27+$0x470 ss:$0x1] =	vst.idx.msk $0xffff, v4;
	v4 =	vld.idx.msk [tilespmem:v1+s28+$0x240 ss:$0x1], $0xffff  }
0x4d: {  	[tilespmem:v0+s29+$0x800 ss:$0x1] =	vst.idx.msk $0xffff, v5;
	v5 =	vld.idx.msk [tilespmem:v1+s28+$0x250 ss:$0x1], $0xffff  }
0x4e: {  	v58 =	vld.idx.msk [tilespmem:v1+s28+$0x260 ss:$0x1], $0xffff;
	[tilespmem:v3+s27+$0x810 ss:$0x1] =	vst.idx.msk $0xffff, v55  }
0x4f: {  	v59 =	vld.idx.msk [tilespmem:v1+s28+$0x270 ss:$0x1], $0xffff;
	[tilespmem:v3+s27+$0x820 ss:$0x1] =	vst.idx.msk $0xffff, v56  }
0x50: {  	v60 =	vld.idx.msk [tilespmem:v1+s28+$0x300 ss:$0x1], $0xffff;
	[tilespmem:v3+s27+$0x830 ss:$0x1] =	vst.idx.msk $0xffff, v57  }
0x51: {  	[tilespmem:v3+s27+$0x840 ss:$0x1] =	vst.idx.msk $0xffff, v4;
	v4 =	vld.idx.msk [tilespmem:v1+s28+$0x310 ss:$0x1], $0xffff  }
0x52: {  	[tilespmem:v3+s27+$0x850 ss:$0x1] =	vst.idx.msk $0xffff, v5;
	v5 =	vld.idx.msk [tilespmem:v1+s28+$0x320 ss:$0x1], $0xffff  }
0x53: {  	v61 =	vld.idx.msk [tilespmem:v1+s28+$0x330 ss:$0x1], $0xffff;
	[tilespmem:v3+s27+$0x860 ss:$0x1] =	vst.idx.msk $0xffff, v58  }
0x54: {  	v62 =	vld.idx.msk [tilespmem:v1+s28+$0x340 ss:$0x1], $0xffff;
	[tilespmem:v3+s27+$0x870 ss:$0x1] =	vst.idx.msk $0xffff, v59  }
0x55: {  	v63 =	vld.idx.msk [tilespmem:v1+s28+$0x350 ss:$0x1], $0xffff;
	[tilespmem:v0+s29+$0xC00 ss:$0x1] =	vst.idx.msk $0xffff, v60  }
0x56: {  	[tilespmem:v3+s27+$0xC10 ss:$0x1] =	vst.idx.msk $0xffff, v4;
	v4 =	vld.idx.msk [tilespmem:v1+s28+$0x360 ss:$0x1], $0xffff  }
0x57: {  	p2 =	por p1, p1;
	[tilespmem:v3+s27+$0xC20 ss:$0x1] =	vst.idx.msk $0xffff, v5;
	v5 =	vld.idx.msk [tilespmem:v1+s28+$0x370 ss:$0x1], $0xffff  }
.Ltmp3:
0x58: {  	[tilespmem:v3+s27+$0xC30 ss:$0x1] =	vst.idx.msk $0xffff, v61;
	(pc) =	sbr.rel @p2 .LBB1_5-.Ltmp3, $4  }
0x59: {  	[tilespmem:v3+s27+$0xC40 ss:$0x1] =	vst.idx.msk $0xffff, v62  }
0x5a: {  	[tilespmem:v3+s27+$0xC50 ss:$0x1] =	vst.idx.msk $0xffff, v63  }
0x5b: {  	[tilespmem:v3+s27+$0xC60 ss:$0x1] =	vst.idx.msk $0xffff, v4  }
0x5c: {  	p1 =	por $0x0, $0x0;
	[tilespmem:v3+s27+$0xC70 ss:$0x1] =	vst.idx.msk $0xffff, v5;
	s27 =	simm.s32 $0x200  }
.Ltmp4:
0x5d: {  	(pc) =	sbr.rel @p0 .LBB1_4-.Ltmp4, $2  }
0x5e: {  	_ =	sdelay $0x2  }
0x5f: {  	s25 =	simm.s32 $0x1;
	p1 =	por $0x0, $0x0  }
0x60: {  	s22 =	sadd.s32 $0x1, s22  }
0x61: {  	p0 =	sne.s32 s22, $0x8  }
.Ltmp5:
0x62: {  	_ = 	snop;
	(pc) =	sbr.rel @p0 .LBB1_3-.Ltmp5, $1  }
0x63: {  	_ =	sdelay $0x3  }
0x64: {  	s21 =	sand.u32 $0x78, s16;
	s22 =	sshll.u32 s19, $0x7;
	s28 =	sshll.u32 s19, $0x10  }
0x65: {  	s23 =	sshll.u32 s16, $0x3;
	s18 =	sshll.u32 s18, $0x12;
	s17 =	sshll.u32 s17, $0x11  }
0x66: {  	s30 =	sand.u32 $0x7, s16;
	s22 =	sand.u32 $0x380, s22;
	s19 =	sand.u32 $0x80000, s28  }
0x67: {  	s29 =	sand.u32 $0xFC00, s23;
	s18 =	sadd.s32 s5, s18;
	s19 =	sadd.s32 s19, s23  }
.Ltmp6:
0x68: {  	s21 =	sor.u32 s22, s21;
	s19 =	sshrl.u32 s19, $0x3;
	(pc) =	sbr.rel .LBB1_9-.Ltmp6, $4  }
0x69: {  	s17 =	sadd.s32 s17, s18;
	s21 =	sor.u32 s29, s21;
	s19 =	sand.u32 $0x1E000, s19  }
0x6a: {  	s16 =	sshll.u32 s30, $0x12;
	s31 =	sshrl.u32 s21, $0x3;
	s17 =	sadd.s32 s19, s17  }
0x6b: {  	s16 =	sor.u32 $0x2000, s16;
	s17 =	sadd.s32 s31, s17  }
0x6c: {  	[hbm4b:s17+s16] =	stream.strided.scatter [tilespmem:s20], [sflag:$0x2], $0x4000, s10, s16, $0x38;
	[tilespmem:$0x10000] =	vst v63  }
.LBB1_10:
0x6d: {  	_ =	sfence.sel $0x180000  }
0x6e: {  	s2 =	simm.s32 $0x1;
	[bflag:$0x0] =	sbarrier.arrive $0xFFFF  }
0x6f: {  	s31 =	simm.s32 $0x2;
	[sflag:s2] =	ssyncpa.u1 $0x1  }
0x70: {  	[sflag:s31] =	ssyncpa.u1 $0x1  }
0x71: {  	p0 =	sne.s32 s0, $0x0;
	_ =	strace $0x90000047  }
0x72: {  	s0 =	sadd.s32 @!p0 $0x100000, s1;
	[bflag:$0x2] =	sbarrier.arrive $0xFFFF  }
0x73: {  	[sflag:s0] =	ssyncadd.tile.s32 @!p0 $0x1;
	_ =	shalt  }
.Lfunc_end1:
_tile_overlayer_lowered:
.L_overlay_start_2:
0x74: {  	(tag) =	ssettag $0x2  }
0x75: {  	s0 =	rddreg [dreg:$0x0];
	s2 =	stileid.u32  }
0x76: {  	s1 =	rddreg [dreg:$0x1];
	p0 =	sne.s32 s2, $0x0  }
0x77: {  	s3 =	rddreg [dreg:$0x2];
	[bflag:$0x3] =	sbarrier.arrive $0xFFFF;
	s2 =	simm.s32 @!p0 $0x1C01  }
0x78: {  	[timem:s3], [sflag:s2] =	dma.local @!p0 [hbm:s0], s1  }
0x79: {  	s0 =	simm.s32 @!p0 $0x1  }
0x7a: {  	_ =	swait.ge @!p0 [sflag:s0], s1  }
0x7b: {  	s1 =	ssub.s32 @!p0 $0x0, s1;
	[sflag:s0] =	ssyncset.done @!p0 $0x0  }
0x7c: {  	[sflag:s0] =	ssyncadd.s32 @!p0 s1  }
0x7d: {  	[bflag:$0x3] =	sbarrier.arrive $0xFFFF  }
0x7e: {  	_ =	shalt  }

</sc_bundles>
